<compile_context>
chip_gen: v7x
topology: tpu7x:2x2x1
jax: 0.10.2.dev20260603
libtpu: 0.0.44.dev20260713+nightly
codegen_flags: <defaults>
</compile_context>

<pallas_src>
import functools

import jax
import jax.numpy as jnp
from jax import lax
from jax.experimental import pallas as pl
from jax.experimental.pallas import tpu as pltpu
from jax.experimental.pallas import tpu_sc as plsc

_N, _E, _D, _H = 10000, 320000, 128, 128
_B = 64
_EPS_BN = 1e-3

_NC, _NS = 2, 16
_NW = _NC * _NS
_CH = 125
_ROWS = _E // _CH
_RPW = _ROWS // _NW
_G = 40
_NPA = 624
_ZCH = 104
_ZB = 48
_TAIL = _N - _NS * _NPA

_BR = 2000
_NBLK = _N // _BR



def _agg_body(h_hbm, src_hbm, dst_hbm, p0_hbm, p1_hbm,
              sidx, didx, buf0, buf1, zbuf, acc, sem0, sem1, semz):
    c = lax.axis_index("c")
    s = lax.axis_index("s")
    wid = s * _NC + c
    row0 = wid * _RPW

    def _fire(j, buf, sem):
        return pltpu.async_copy(h_hbm.at[sidx.at[j]], buf, sem)

    def _wait(buf, sem):
        pltpu.make_async_copy(h_hbm.at[sidx.at[0]], buf, sem).wait()

    pltpu.sync_copy(src_hbm.at[pl.ds(row0, _G)], sidx)
    pltpu.sync_copy(dst_hbm.at[pl.ds(row0, _G)], didx)
    _fire(0, buf0, sem0)
    _fire(1, buf1, sem1)

    zbase = s * _NPA

    @pl.when(c == 0)
    def _():
        for k in range(_NPA // _ZCH):
            pltpu.async_copy(h_hbm.at[pl.ds(zbase + k * _ZCH, _ZCH)],
                             acc.at[pl.ds(zbase + k * _ZCH, _ZCH)], semz)

        @pl.when(s == _NS - 1)
        def _():
            pltpu.async_copy(h_hbm.at[pl.ds(_NS * _NPA, _TAIL)],
                             acc.at[pl.ds(_NS * _NPA, _TAIL)], semz)
        for k in range(_NPA // _ZCH):
            pltpu.make_async_copy(h_hbm.at[pl.ds(zbase + k * _ZCH, _ZCH)],
                                  acc.at[pl.ds(zbase + k * _ZCH, _ZCH)], semz).wait()

        @pl.when(s == _NS - 1)
        def _():
            pltpu.make_async_copy(h_hbm.at[pl.ds(_NS * _NPA, _TAIL)],
                                  acc.at[pl.ds(_NS * _NPA, _TAIL)], semz).wait()

    @pl.when(c == 1)
    def _():
        def _zrow(i, carry):
            for j in range(_H // 16):
                zbuf[i, pl.ds(j * 16, 16)] = jnp.zeros((16,), jnp.float32)
            return carry
        lax.fori_loop(0, _ZB, _zrow, 0)
        for k in range(_NPA // _ZB):
            pltpu.async_copy(zbuf, acc.at[pl.ds(zbase + k * _ZB, _ZB)], semz)

        @pl.when(s == _NS - 1)
        def _():
            pltpu.async_copy(zbuf.at[pl.ds(0, _TAIL)],
                             acc.at[pl.ds(_NS * _NPA, _TAIL)], semz)
        for k in range(_NPA // _ZB):
            pltpu.make_async_copy(zbuf, acc.at[pl.ds(zbase + k * _ZB, _ZB)],
                                  semz).wait()

        @pl.when(s == _NS - 1)
        def _():
            pltpu.make_async_copy(zbuf.at[pl.ds(0, _TAIL)],
                                  acc.at[pl.ds(_NS * _NPA, _TAIL)], semz).wait()
    plsc.subcore_barrier()

    for g in range(_RPW // _G):
        if g > 0:
            pltpu.sync_copy(src_hbm.at[pl.ds(row0 + g * _G, _G)], sidx)
            pltpu.sync_copy(dst_hbm.at[pl.ds(row0 + g * _G, _G)], didx)
            _fire(0, buf0, sem0)
            _fire(1, buf1, sem1)

        def _pair(t, carry):
            j = t * 2
            _wait(buf0, sem0)
            pltpu.sync_copy(buf0, acc.at[didx.at[j]], add=True)

            @pl.when(j + 2 < _G)
            def _():
                _fire(j + 2, buf0, sem0)

            _wait(buf1, sem1)
            pltpu.sync_copy(buf1, acc.at[didx.at[j + 1]], add=True)

            @pl.when(j + 3 < _G)
            def _():
                _fire(j + 3, buf1, sem1)
            return carry

        lax.fori_loop(0, _G // 2, _pair, 0)
    plsc.subcore_barrier()

    obase = s * _NPA

    @pl.when(c == 0)
    def _():
        pltpu.sync_copy(acc.at[pl.ds(obase, _NPA)], p0_hbm.at[pl.ds(obase, _NPA)])

        @pl.when(s == _NS - 1)
        def _():
            pltpu.sync_copy(acc.at[pl.ds(_NS * _NPA, _TAIL)],
                            p0_hbm.at[pl.ds(_NS * _NPA, _TAIL)])

    @pl.when(c == 1)
    def _():
        pltpu.sync_copy(acc.at[pl.ds(obase, _NPA)], p1_hbm.at[pl.ds(obase, _NPA)])

        @pl.when(s == _NS - 1)
        def _():
            pltpu.sync_copy(acc.at[pl.ds(_NS * _NPA, _TAIL)],
                            p1_hbm.at[pl.ds(_NS * _NPA, _TAIL)])


_agg = functools.partial(
    pl.kernel,
    mesh=plsc.VectorSubcoreMesh(core_axis_name="c", subcore_axis_name="s"),
    out_type=(jax.ShapeDtypeStruct((_N, _H), jnp.float32),
              jax.ShapeDtypeStruct((_N, _H), jnp.float32)),
    scratch_types=[
        pltpu.VMEM((_G, _CH), jnp.int32),
        pltpu.VMEM((_G, _CH), jnp.int32),
        pltpu.VMEM((_CH, _H), jnp.float32),
        pltpu.VMEM((_CH, _H), jnp.float32),
        pltpu.VMEM((_ZB, _H), jnp.float32),
        pltpu.VMEM_SHARED((_N, _H), jnp.float32),
        pltpu.SemaphoreType.DMA,
        pltpu.SemaphoreType.DMA,
        pltpu.SemaphoreType.DMA,
    ],
)(_agg_body)



def _stage1_body(x_ref, W1_ref, b1_ref, g1_ref, be1_ref, m1_ref, v1_ref,
                 W2_ref, b2_ref, out_ref):
    h = jnp.dot(x_ref[...], W1_ref[...], preferred_element_type=jnp.float32)
    h = jnp.maximum(h + b1_ref[...], 0.0)
    h = (h - m1_ref[...]) / jnp.sqrt(v1_ref[...] + _EPS_BN) * g1_ref[...] + be1_ref[...]
    h = jnp.dot(h, W2_ref[...], preferred_element_type=jnp.float32)
    out_ref[...] = jnp.maximum(h + b2_ref[...], 0.0)


def _stage2_body(p0_ref, p1_ref, W3_ref, b3_ref, g2_ref, be2_ref,
                 m2_ref, v2_ref, out_ref):
    u = p0_ref[...] + p1_ref[...]
    h = jnp.dot(u, W3_ref[...], preferred_element_type=jnp.float32)
    h = jnp.maximum(h + b3_ref[...], 0.0)
    out_ref[...] = (h - m2_ref[...]) / jnp.sqrt(v2_ref[...] + _EPS_BN) * g2_ref[...] + be2_ref[...]


def _stage3_body(q0_ref, q1_ref, W4_ref, b4_ref, batch_ref, out_ref):
    i = pl.program_id(0)
    u = q0_ref[...] + q1_ref[...]
    h = jnp.dot(u, W4_ref[...], preferred_element_type=jnp.float32)
    h = jnp.maximum(h + b4_ref[...], 0.0)
    b = batch_ref[0, 0, :]
    onehot = (b[:, None] == lax.broadcasted_iota(jnp.int32, (_BR, _B), 1))
    contrib = lax.dot_general(onehot.astype(jnp.float32), h,
                              (((0,), (0,)), ((), ())),
                              preferred_element_type=jnp.float32)

    @pl.when(i == 0)
    def _():
        out_ref[...] = jnp.zeros_like(out_ref)

    out_ref[...] += contrib


def _vec_spec():
    return pl.BlockSpec((1, _H), lambda i: (0, 0))


def _row_spec():
    return pl.BlockSpec((_BR, _H), lambda i: (i, 0))


def _w_spec():
    return pl.BlockSpec((_H, _H), lambda i: (0, 0))


def _stage1(x, W1, b1, g1, be1, m1, v1, W2, b2):
    return pl.pallas_call(
        _stage1_body,
        grid=(_NBLK,),
        in_specs=[_row_spec(), _w_spec(), _vec_spec(), _vec_spec(), _vec_spec(),
                  _vec_spec(), _vec_spec(), _w_spec(), _vec_spec()],
        out_specs=_row_spec(),
        out_shape=jax.ShapeDtypeStruct((_N, _H), jnp.float32),
    )(x, W1, b1, g1, be1, m1, v1, W2, b2)


def _stage2(p0, p1, W3, b3, g2, be2, m2, v2):
    return pl.pallas_call(
        _stage2_body,
        grid=(_NBLK,),
        in_specs=[_row_spec(), _row_spec(), _w_spec(), _vec_spec(),
                  _vec_spec(), _vec_spec(), _vec_spec(), _vec_spec()],
        out_specs=_row_spec(),
        out_shape=jax.ShapeDtypeStruct((_N, _H), jnp.float32),
    )(p0, p1, W3, b3, g2, be2, m2, v2)


def _stage3(q0, q1, W4, b4, batch3):
    return pl.pallas_call(
        _stage3_body,
        grid=(_NBLK,),
        in_specs=[_row_spec(), _row_spec(), _w_spec(), _vec_spec(),
                  pl.BlockSpec((1, 1, _BR), lambda i: (i, 0, 0))],
        out_specs=pl.BlockSpec((_B, _H), lambda i: (0, 0)),
        out_shape=jax.ShapeDtypeStruct((_B, _H), jnp.float32),
    )(q0, q1, W4, b4, batch3)


def kernel(x, edge_index, batch, W1, b1, g1, be1, m1, v1, W2, b2, W3, b3,
           g2, be2, m2, v2, W4, b4):
    src2 = edge_index[:, 0:1].reshape(_ROWS, _CH)
    dst2 = edge_index[:, 1:2].reshape(_ROWS, _CH)
    batch3 = batch.reshape(_NBLK, 1, _BR)
    r = lambda v: v.reshape(1, _H)

    h2 = _stage1(x, W1, r(b1), r(g1), r(be1), r(m1), r(v1), W2, r(b2))
    p0, p1 = _agg(h2, src2, dst2)
    h3 = _stage2(p0, p1, W3, r(b3), r(g2), r(be2), r(m2), r(v2))
    q0, q1 = _agg(h3, src2, dst2)
    return _stage3(q0, q1, W4, r(b4), batch3)

# --- scband reference (transcript-rebuilt; emitter-appended) ---
"""Pipeline reference for scband-ginbranch-layer-79147657331007 (READ-ONLY COPY).

The authoritative reference and input builder live on the scoring server;
editing this copy changes nothing except your own understanding.
"""

import jax, jax.numpy as jnp
import numpy as np

N, E, D, H = 10000, 320000, 128, 128


def gin_aggregate(h, src, dst, num_nodes, eps=0.0):
    messages = h[src]
    agg = jax.ops.segment_sum(messages, dst, num_segments=num_nodes)
    return (1.0 + eps) * h + agg


def setup_inputs(seed: int = 0) -> dict:
    key = jax.random.key(seed)
    ks = jax.random.split(key, 12)
    x = jax.random.normal(ks[0], (N, D), dtype=jnp.float32)
    edge_index = jax.random.randint(ks[1], (E, 2), 0, N, dtype=jnp.int32)
    batch = jnp.sort(jax.random.randint(ks[2], (N,), 0, 64, dtype=jnp.int32))

    def dense_params(k, fan_in, fan_out):
        return (jax.random.normal(k, (fan_in, fan_out), dtype=jnp.float32) * 0.05,
                jnp.zeros((fan_out,), dtype=jnp.float32))

    W1, b1 = dense_params(ks[3], D, H)
    W2, b2 = dense_params(ks[4], H, H)
    W3, b3 = dense_params(ks[5], H, H)
    W4, b4 = dense_params(ks[6], H, H)
    g1 = jnp.ones((H,), jnp.float32); be1 = jnp.zeros((H,), jnp.float32)
    m1 = jnp.zeros((H,), jnp.float32); v1 = jnp.ones((H,), jnp.float32)
    g2 = jnp.ones((H,), jnp.float32); be2 = jnp.zeros((H,), jnp.float32)
    m2 = jnp.zeros((H,), jnp.float32); v2 = jnp.ones((H,), jnp.float32)
    return {"x": x, "edge_index": edge_index, "batch": batch,
            "W1": W1, "b1": b1, "g1": g1, "be1": be1, "m1": m1, "v1": v1,
            "W2": W2, "b2": b2, "W3": W3, "b3": b3,
            "g2": g2, "be2": be2, "m2": m2, "v2": v2,
            "W4": W4, "b4": b4}


def reference(x, edge_index, batch, W1, b1, g1, be1, m1, v1, W2, b2, W3, b3, g2, be2, m2, v2, W4, b4):
    num_nodes = x.shape[0]
    src = edge_index[:, 0]
    dst = edge_index[:, 1]
    eps_bn = 1e-3  # keras BatchNormalization default epsilon
    h = jax.nn.relu(x @ W1 + b1)
    h = (h - m1) / jnp.sqrt(v1 + eps_bn) * g1 + be1  # BN inference mode
    h = jax.nn.relu(h @ W2 + b2)
    h = gin_aggregate(h, src, dst, num_nodes)
    h = jax.nn.relu(h @ W3 + b3)
    h = (h - m2) / jnp.sqrt(v2 + eps_bn) * g2 + be2
    h = gin_aggregate(h, src, dst, num_nodes)
    h = jax.nn.relu(h @ W4 + b4)
    batch_size = 64
    return jax.ops.segment_sum(h, batch, num_segments=batch_size)

if __name__ == "__main__":
    import jax
    _d = setup_inputs()
    print(jax.jit(kernel)(*tuple(_d.values())))

</pallas_src>

<mosaic_0001>
#map = affine_map<(d0, d1) -> (0, 0)>
module attributes {stable_mosaic.version = 14 : i64} {
  func.func @_agg_body(%arg0: i32, %arg1: i32, %arg2: memref<10000x128xf32, #tpu.memory_space<hbm>>, %arg3: memref<2560x125xi32, #tpu.memory_space<hbm>>, %arg4: memref<2560x125xi32, #tpu.memory_space<hbm>>, %arg5: memref<10000x128xf32, #tpu.memory_space<hbm>>, %arg6: memref<10000x128xf32, #tpu.memory_space<hbm>>, %arg7: memref<40x125xi32, #tpu.memory_space<vmem>>, %arg8: memref<40x125xi32, #tpu.memory_space<vmem>>, %arg9: memref<125x128xf32, #tpu.memory_space<vmem>>, %arg10: memref<125x128xf32, #tpu.memory_space<vmem>>, %arg11: memref<48x128xf32, #tpu.memory_space<vmem>>, %arg12: memref<10000x128xf32, #tpu.memory_space<vmem_shared>>, %arg13: memref<!tpu.dma_semaphore, #tpu.memory_space<semaphore_mem>>, %arg14: memref<!tpu.dma_semaphore, #tpu.memory_space<semaphore_mem>>, %arg15: memref<!tpu.dma_semaphore, #tpu.memory_space<semaphore_mem>>) attributes {dimension_semantics = [#tpu.dimension_semantics<core_parallel>, #tpu.dimension_semantics<subcore_parallel>], iteration_bounds = array<i64: 2, 16>, scalar_prefetch = 0 : i64, scratch_operands = 9 : i64, tpu.core_type = #tpu.core_type<sc_vector_subcore>, window_params = [{transform_indices = #map}, {transform_indices = #map}, {transform_indices = #map}, {transform_indices = #map}, {transform_indices = #map}]} {
    %mul3A = arith.constant 2 : i32
    %mul3A_0 = arith.muli %arg1, %mul3A : i32
    %add3A = arith.addi %mul3A_0, %arg0 : i32
    %mul3A_1 = arith.constant 80 : i32
    %mul3A_2 = arith.muli %add3A, %mul3A_1 : i32
    "tpu.region"() ({
      %run_scoped3A = tpu.sem_alloc : memref<!tpu.dma_semaphore, #tpu.memory_space<semaphore_mem>>
      %dma_start3A_67 = arith.constant 0 : i32
      %dma_start3A_68 = tpu.memref_slice %arg3[%mul3A_2, %dma_start3A_67] : memref<2560x125xi32, #tpu.memory_space<hbm>> -> memref<40x125xi32, #tpu.memory_space<hbm>>
      %dma_start3A_69 = arith.constant 0 : i32
      %dma_start3A_70 = tpu.memref_slice %arg3[%mul3A_2, %dma_start3A_69] : memref<2560x125xi32, #tpu.memory_space<hbm>> -> memref<40x125xi32, #tpu.memory_space<hbm>>
      tpu.enqueue_dma source(%dma_start3A_70 : memref<40x125xi32, #tpu.memory_space<hbm>>) target(%arg7 : memref<40x125xi32, #tpu.memory_space<vmem>>) target_semaphore(%run_scoped3A : memref<!tpu.dma_semaphore, #tpu.memory_space<semaphore_mem>>)
      %dma_wait3A = arith.constant 0 : i32
      %dma_wait3A_71 = tpu.memref_slice %arg3[%mul3A_2, %dma_wait3A] : memref<2560x125xi32, #tpu.memory_space<hbm>> -> memref<40x125xi32, #tpu.memory_space<hbm>>
      %dma_wait3A_72 = arith.constant 0 : i32
      %dma_wait3A_73 = tpu.memref_slice %arg3[%mul3A_2, %dma_wait3A_72] : memref<2560x125xi32, #tpu.memory_space<hbm>> -> memref<40x125xi32, #tpu.memory_space<hbm>>
      tpu.wait_dma2 semaphore(%run_scoped3A : memref<!tpu.dma_semaphore, #tpu.memory_space<semaphore_mem>>) src(%dma_wait3A_73 : memref<40x125xi32, #tpu.memory_space<hbm>>) dst(%arg7 : memref<40x125xi32, #tpu.memory_space<vmem>>)
      tpu.yield
    }) : () -> ()
    "tpu.region"() ({
      %run_scoped3A = tpu.sem_alloc : memref<!tpu.dma_semaphore, #tpu.memory_space<semaphore_mem>>
      %dma_start3A_67 = arith.constant 0 : i32
      %dma_start3A_68 = tpu.memref_slice %arg4[%mul3A_2, %dma_start3A_67] : memref<2560x125xi32, #tpu.memory_space<hbm>> -> memref<40x125xi32, #tpu.memory_space<hbm>>
      %dma_start3A_69 = arith.constant 0 : i32
      %dma_start3A_70 = tpu.memref_slice %arg4[%mul3A_2, %dma_start3A_69] : memref<2560x125xi32, #tpu.memory_space<hbm>> -> memref<40x125xi32, #tpu.memory_space<hbm>>
      tpu.enqueue_dma source(%dma_start3A_70 : memref<40x125xi32, #tpu.memory_space<hbm>>) target(%arg8 : memref<40x125xi32, #tpu.memory_space<vmem>>) target_semaphore(%run_scoped3A : memref<!tpu.dma_semaphore, #tpu.memory_space<semaphore_mem>>)
      %dma_wait3A = arith.constant 0 : i32
      %dma_wait3A_71 = tpu.memref_slice %arg4[%mul3A_2, %dma_wait3A] : memref<2560x125xi32, #tpu.memory_space<hbm>> -> memref<40x125xi32, #tpu.memory_space<hbm>>
      %dma_wait3A_72 = arith.constant 0 : i32
      %dma_wait3A_73 = tpu.memref_slice %arg4[%mul3A_2, %dma_wait3A_72] : memref<2560x125xi32, #tpu.memory_space<hbm>> -> memref<40x125xi32, #tpu.memory_space<hbm>>
      tpu.wait_dma2 semaphore(%run_scoped3A : memref<!tpu.dma_semaphore, #tpu.memory_space<semaphore_mem>>) src(%dma_wait3A_73 : memref<40x125xi32, #tpu.memory_space<hbm>>) dst(%arg8 : memref<40x125xi32, #tpu.memory_space<vmem>>)
      tpu.yield
    }) : () -> ()
    %dma_start3A = arith.constant 0 : i32
    %dma_start3A_3 = arith.constant 0 : i32
    %dma_start3A_4 = tpu.memref_slice %arg7[%dma_start3A, %dma_start3A_3] : memref<40x125xi32, #tpu.memory_space<vmem>> -> memref<1x125xi32, #tpu.memory_space<vmem>>
    %dma_start3A_5 = tpu.memref_squeeze %dma_start3A_4 : memref<1x125xi32, #tpu.memory_space<vmem>> -> memref<125xi32, #tpu.memory_space<vmem>>
    %dma_start3A_6 = arith.constant 0 : i32
    %dma_start3A_7 = arith.constant 0 : i32
    %dma_start3A_8 = tpu.memref_slice %arg2[%dma_start3A_6, %dma_start3A_7] : memref<10000x128xf32, #tpu.memory_space<hbm>> -> memref<10000x128xf32, #tpu.memory_space<hbm>>
    tpu.enqueue_indirect_dma source(%dma_start3A_8 : memref<10000x128xf32, #tpu.memory_space<hbm>>) target(%arg9 : memref<125x128xf32, #tpu.memory_space<vmem>>) offsets(%dma_start3A_5 : memref<125xi32, #tpu.memory_space<vmem>>) semaphore(%arg13 : memref<!tpu.dma_semaphore, #tpu.memory_space<semaphore_mem>>)
    %dma_start3A_9 = arith.constant 1 : i32
    %dma_start3A_10 = arith.constant 0 : i32
    %dma_start3A_11 = tpu.memref_slice %arg7[%dma_start3A_9, %dma_start3A_10] : memref<40x125xi32, #tpu.memory_space<vmem>> -> memref<1x125xi32, #tpu.memory_space<vmem>>
    %dma_start3A_12 = tpu.memref_squeeze %dma_start3A_11 : memref<1x125xi32, #tpu.memory_space<vmem>> -> memref<125xi32, #tpu.memory_space<vmem>>
    %dma_start3A_13 = arith.constant 0 : i32
    %dma_start3A_14 = arith.constant 0 : i32
    %dma_start3A_15 = tpu.memref_slice %arg2[%dma_start3A_13, %dma_start3A_14] : memref<10000x128xf32, #tpu.memory_space<hbm>> -> memref<10000x128xf32, #tpu.memory_space<hbm>>
    tpu.enqueue_indirect_dma source(%dma_start3A_15 : memref<10000x128xf32, #tpu.memory_space<hbm>>) target(%arg10 : memref<125x128xf32, #tpu.memory_space<vmem>>) offsets(%dma_start3A_12 : memref<125xi32, #tpu.memory_space<vmem>>) semaphore(%arg14 : memref<!tpu.dma_semaphore, #tpu.memory_space<semaphore_mem>>)
    %mul3A_16 = arith.constant 624 : i32
    %mul3A_17 = arith.muli %arg1, %mul3A_16 : i32
    %eq3A = arith.constant 0 : i32
    %eq3A_18 = arith.cmpi eq, %arg0, %eq3A : i32
    %convert_element_type3A = arith.extui %eq3A_18 : i1 to i32
    %cond3A = arith.constant 0 : i32
    %cond3A_19 = arith.cmpi ne, %convert_element_type3A, %cond3A : i32
    scf.if %cond3A_19 {
      %add3A_67 = arith.constant 0 : i32
      %add3A_68 = arith.addi %mul3A_17, %add3A_67 : i32
      %add3A_69 = arith.constant 0 : i32
      %add3A_70 = arith.addi %mul3A_17, %add3A_69 : i32
      %dma_start3A_71 = arith.constant 0 : i32
      %dma_start3A_72 = tpu.memref_slice %arg12[%add3A_70, %dma_start3A_71] : memref<10000x128xf32, #tpu.memory_space<vmem_shared>> -> memref<104x128xf32, #tpu.memory_space<vmem_shared>>
      %dma_start3A_73 = arith.constant 0 : i32
      %dma_start3A_74 = tpu.memref_slice %arg2[%add3A_68, %dma_start3A_73] : memref<10000x128xf32, #tpu.memory_space<hbm>> -> memref<104x128xf32, #tpu.memory_space<hbm>>
      tpu.enqueue_dma source(%dma_start3A_74 : memref<104x128xf32, #tpu.memory_space<hbm>>) target(%dma_start3A_72 : memref<104x128xf32, #tpu.memory_space<vmem_shared>>) target_semaphore(%arg15 : memref<!tpu.dma_semaphore, #tpu.memory_space<semaphore_mem>>)
      %add3A_75 = arith.constant 104 : i32
      %add3A_76 = arith.addi %mul3A_17, %add3A_75 : i32
      %add3A_77 = arith.constant 104 : i32
      %add3A_78 = arith.addi %mul3A_17, %add3A_77 : i32
      %dma_start3A_79 = arith.constant 0 : i32
      %dma_start3A_80 = tpu.memref_slice %arg12[%add3A_78, %dma_start3A_79] : memref<10000x128xf32, #tpu.memory_space<vmem_shared>> -> memref<104x128xf32, #tpu.memory_space<vmem_shared>>
      %dma_start3A_81 = arith.constant 0 : i32
      %dma_start3A_82 = tpu.memref_slice %arg2[%add3A_76, %dma_start3A_81] : memref<10000x128xf32, #tpu.memory_space<hbm>> -> memref<104x128xf32, #tpu.memory_space<hbm>>
      tpu.enqueue_dma source(%dma_start3A_82 : memref<104x128xf32, #tpu.memory_space<hbm>>) target(%dma_start3A_80 : memref<104x128xf32, #tpu.memory_space<vmem_shared>>) target_semaphore(%arg15 : memref<!tpu.dma_semaphore, #tpu.memory_space<semaphore_mem>>)
      %add3A_83 = arith.constant 208 : i32
      %add3A_84 = arith.addi %mul3A_17, %add3A_83 : i32
      %add3A_85 = arith.constant 208 : i32
      %add3A_86 = arith.addi %mul3A_17, %add3A_85 : i32
      %dma_start3A_87 = arith.constant 0 : i32
      %dma_start3A_88 = tpu.memref_slice %arg12[%add3A_86, %dma_start3A_87] : memref<10000x128xf32, #tpu.memory_space<vmem_shared>> -> memref<104x128xf32, #tpu.memory_space<vmem_shared>>
      %dma_start3A_89 = arith.constant 0 : i32
      %dma_start3A_90 = tpu.memref_slice %arg2[%add3A_84, %dma_start3A_89] : memref<10000x128xf32, #tpu.memory_space<hbm>> -> memref<104x128xf32, #tpu.memory_space<hbm>>
      tpu.enqueue_dma source(%dma_start3A_90 : memref<104x128xf32, #tpu.memory_space<hbm>>) target(%dma_start3A_88 : memref<104x128xf32, #tpu.memory_space<vmem_shared>>) target_semaphore(%arg15 : memref<!tpu.dma_semaphore, #tpu.memory_space<semaphore_mem>>)
      %add3A_91 = arith.constant 312 : i32
      %add3A_92 = arith.addi %mul3A_17, %add3A_91 : i32
      %add3A_93 = arith.constant 312 : i32
      %add3A_94 = arith.addi %mul3A_17, %add3A_93 : i32
      %dma_start3A_95 = arith.constant 0 : i32
      %dma_start3A_96 = tpu.memref_slice %arg12[%add3A_94, %dma_start3A_95] : memref<10000x128xf32, #tpu.memory_space<vmem_shared>> -> memref<104x128xf32, #tpu.memory_space<vmem_shared>>
      %dma_start3A_97 = arith.constant 0 : i32
      %dma_start3A_98 = tpu.memref_slice %arg2[%add3A_92, %dma_start3A_97] : memref<10000x128xf32, #tpu.memory_space<hbm>> -> memref<104x128xf32, #tpu.memory_space<hbm>>
      tpu.enqueue_dma source(%dma_start3A_98 : memref<104x128xf32, #tpu.memory_space<hbm>>) target(%dma_start3A_96 : memref<104x128xf32, #tpu.memory_space<vmem_shared>>) target_semaphore(%arg15 : memref<!tpu.dma_semaphore, #tpu.memory_space<semaphore_mem>>)
      %add3A_99 = arith.constant 416 : i32
      %add3A_100 = arith.addi %mul3A_17, %add3A_99 : i32
      %add3A_101 = arith.constant 416 : i32
      %add3A_102 = arith.addi %mul3A_17, %add3A_101 : i32
      %dma_start3A_103 = arith.constant 0 : i32
      %dma_start3A_104 = tpu.memref_slice %arg12[%add3A_102, %dma_start3A_103] : memref<10000x128xf32, #tpu.memory_space<vmem_shared>> -> memref<104x128xf32, #tpu.memory_space<vmem_shared>>
      %dma_start3A_105 = arith.constant 0 : i32
      %dma_start3A_106 = tpu.memref_slice %arg2[%add3A_100, %dma_start3A_105] : memref<10000x128xf32, #tpu.memory_space<hbm>> -> memref<104x128xf32, #tpu.memory_space<hbm>>
      tpu.enqueue_dma source(%dma_start3A_106 : memref<104x128xf32, #tpu.memory_space<hbm>>) target(%dma_start3A_104 : memref<104x128xf32, #tpu.memory_space<vmem_shared>>) target_semaphore(%arg15 : memref<!tpu.dma_semaphore, #tpu.memory_space<semaphore_mem>>)
      %add3A_107 = arith.constant 520 : i32
      %add3A_108 = arith.addi %mul3A_17, %add3A_107 : i32
      %add3A_109 = arith.constant 520 : i32
      %add3A_110 = arith.addi %mul3A_17, %add3A_109 : i32
      %dma_start3A_111 = arith.constant 0 : i32
      %dma_start3A_112 = tpu.memref_slice %arg12[%add3A_110, %dma_start3A_111] : memref<10000x128xf32, #tpu.memory_space<vmem_shared>> -> memref<104x128xf32, #tpu.memory_space<vmem_shared>>
      %dma_start3A_113 = arith.constant 0 : i32
      %dma_start3A_114 = tpu.memref_slice %arg2[%add3A_108, %dma_start3A_113] : memref<10000x128xf32, #tpu.memory_space<hbm>> -> memref<104x128xf32, #tpu.memory_space<hbm>>
      tpu.enqueue_dma source(%dma_start3A_114 : memref<104x128xf32, #tpu.memory_space<hbm>>) target(%dma_start3A_112 : memref<104x128xf32, #tpu.memory_space<vmem_shared>>) target_semaphore(%arg15 : memref<!tpu.dma_semaphore, #tpu.memory_space<semaphore_mem>>)
      %eq3A_115 = arith.constant 15 : i32
      %eq3A_116 = arith.cmpi eq, %arg1, %eq3A_115 : i32
      %convert_element_type3A_117 = arith.extui %eq3A_116 : i1 to i32
      %cond3A_118 = arith.constant 0 : i32
      %cond3A_119 = arith.cmpi ne, %convert_element_type3A_117, %cond3A_118 : i32
      scf.if %cond3A_119 {
        %dma_start3A_172 = arith.constant 9984 : i32
        %dma_start3A_173 = arith.constant 0 : i32
        %dma_start3A_174 = tpu.memref_slice %arg12[%dma_start3A_172, %dma_start3A_173] : memref<10000x128xf32, #tpu.memory_space<vmem_shared>> -> memref<16x128xf32, #tpu.memory_space<vmem_shared>>
        %dma_start3A_175 = arith.constant 9984 : i32
        %dma_start3A_176 = arith.constant 0 : i32
        %dma_start3A_177 = tpu.memref_slice %arg2[%dma_start3A_175, %dma_start3A_176] : memref<10000x128xf32, #tpu.memory_space<hbm>> -> memref<16x128xf32, #tpu.memory_space<hbm>>
        tpu.enqueue_dma source(%dma_start3A_177 : memref<16x128xf32, #tpu.memory_space<hbm>>) target(%dma_start3A_174 : memref<16x128xf32, #tpu.memory_space<vmem_shared>>) target_semaphore(%arg15 : memref<!tpu.dma_semaphore, #tpu.memory_space<semaphore_mem>>)
      } else {
      }
      %add3A_120 = arith.constant 0 : i32
      %add3A_121 = arith.addi %mul3A_17, %add3A_120 : i32
      %add3A_122 = arith.constant 0 : i32
      %add3A_123 = arith.addi %mul3A_17, %add3A_122 : i32
      %dma_wait3A = arith.constant 0 : i32
      %dma_wait3A_124 = tpu.memref_slice %arg12[%add3A_123, %dma_wait3A] : memref<10000x128xf32, #tpu.memory_space<vmem_shared>> -> memref<104x128xf32, #tpu.memory_space<vmem_shared>>
      %dma_wait3A_125 = arith.constant 0 : i32
      %dma_wait3A_126 = tpu.memref_slice %arg2[%add3A_121, %dma_wait3A_125] : memref<10000x128xf32, #tpu.memory_space<hbm>> -> memref<104x128xf32, #tpu.memory_space<hbm>>
      tpu.wait_dma2 semaphore(%arg15 : memref<!tpu.dma_semaphore, #tpu.memory_space<semaphore_mem>>) src(%dma_wait3A_126 : memref<104x128xf32, #tpu.memory_space<hbm>>) dst(%dma_wait3A_124 : memref<104x128xf32, #tpu.memory_space<vmem_shared>>)
      %add3A_127 = arith.constant 104 : i32
      %add3A_128 = arith.addi %mul3A_17, %add3A_127 : i32
      %add3A_129 = arith.constant 104 : i32
      %add3A_130 = arith.addi %mul3A_17, %add3A_129 : i32
      %dma_wait3A_131 = arith.constant 0 : i32
      %dma_wait3A_132 = tpu.memref_slice %arg12[%add3A_130, %dma_wait3A_131] : memref<10000x128xf32, #tpu.memory_space<vmem_shared>> -> memref<104x128xf32, #tpu.memory_space<vmem_shared>>
      %dma_wait3A_133 = arith.constant 0 : i32
      %dma_wait3A_134 = tpu.memref_slice %arg2[%add3A_128, %dma_wait3A_133] : memref<10000x128xf32, #tpu.memory_space<hbm>> -> memref<104x128xf32, #tpu.memory_space<hbm>>
      tpu.wait_dma2 semaphore(%arg15 : memref<!tpu.dma_semaphore, #tpu.memory_space<semaphore_mem>>) src(%dma_wait3A_134 : memref<104x128xf32, #tpu.memory_space<hbm>>) dst(%dma_wait3A_132 : memref<104x128xf32, #tpu.memory_space<vmem_shared>>)
      %add3A_135 = arith.constant 208 : i32
      %add3A_136 = arith.addi %mul3A_17, %add3A_135 : i32
      %add3A_137 = arith.constant 208 : i32
      %add3A_138 = arith.addi %mul3A_17, %add3A_137 : i32
      %dma_wait3A_139 = arith.constant 0 : i32
      %dma_wait3A_140 = tpu.memref_slice %arg12[%add3A_138, %dma_wait3A_139] : memref<10000x128xf32, #tpu.memory_space<vmem_shared>> -> memref<104x128xf32, #tpu.memory_space<vmem_shared>>
      %dma_wait3A_141 = arith.constant 0 : i32
      %dma_wait3A_142 = tpu.memref_slice %arg2[%add3A_136, %dma_wait3A_141] : memref<10000x128xf32, #tpu.memory_space<hbm>> -> memref<104x128xf32, #tpu.memory_space<hbm>>
      tpu.wait_dma2 semaphore(%arg15 : memref<!tpu.dma_semaphore, #tpu.memory_space<semaphore_mem>>) src(%dma_wait3A_142 : memref<104x128xf32, #tpu.memory_space<hbm>>) dst(%dma_wait3A_140 : memref<104x128xf32, #tpu.memory_space<vmem_shared>>)
      %add3A_143 = arith.constant 312 : i32
      %add3A_144 = arith.addi %mul3A_17, %add3A_143 : i32
      %add3A_145 = arith.constant 312 : i32
      %add3A_146 = arith.addi %mul3A_17, %add3A_145 : i32
      %dma_wait3A_147 = arith.constant 0 : i32
      %dma_wait3A_148 = tpu.memref_slice %arg12[%add3A_146, %dma_wait3A_147] : memref<10000x128xf32, #tpu.memory_space<vmem_shared>> -> memref<104x128xf32, #tpu.memory_space<vmem_shared>>
      %dma_wait3A_149 = arith.constant 0 : i32
      %dma_wait3A_150 = tpu.memref_slice %arg2[%add3A_144, %dma_wait3A_149] : memref<10000x128xf32, #tpu.memory_space<hbm>> -> memref<104x128xf32, #tpu.memory_space<hbm>>
      tpu.wait_dma2 semaphore(%arg15 : memref<!tpu.dma_semaphore, #tpu.memory_space<semaphore_mem>>) src(%dma_wait3A_150 : memref<104x128xf32, #tpu.memory_space<hbm>>) dst(%dma_wait3A_148 : memref<104x128xf32, #tpu.memory_space<vmem_shared>>)
      %add3A_151 = arith.constant 416 : i32
      %add3A_152 = arith.addi %mul3A_17, %add3A_151 : i32
      %add3A_153 = arith.constant 416 : i32
      %add3A_154 = arith.addi %mul3A_17, %add3A_153 : i32
      %dma_wait3A_155 = arith.constant 0 : i32
      %dma_wait3A_156 = tpu.memref_slice %arg12[%add3A_154, %dma_wait3A_155] : memref<10000x128xf32, #tpu.memory_space<vmem_shared>> -> memref<104x128xf32, #tpu.memory_space<vmem_shared>>
      %dma_wait3A_157 = arith.constant 0 : i32
      %dma_wait3A_158 = tpu.memref_slice %arg2[%add3A_152, %dma_wait3A_157] : memref<10000x128xf32, #tpu.memory_space<hbm>> -> memref<104x128xf32, #tpu.memory_space<hbm>>
      tpu.wait_dma2 semaphore(%arg15 : memref<!tpu.dma_semaphore, #tpu.memory_space<semaphore_mem>>) src(%dma_wait3A_158 : memref<104x128xf32, #tpu.memory_space<hbm>>) dst(%dma_wait3A_156 : memref<104x128xf32, #tpu.memory_space<vmem_shared>>)
      %add3A_159 = arith.constant 520 : i32
      %add3A_160 = arith.addi %mul3A_17, %add3A_159 : i32
      %add3A_161 = arith.constant 520 : i32
      %add3A_162 = arith.addi %mul3A_17, %add3A_161 : i32
      %dma_wait3A_163 = arith.constant 0 : i32
      %dma_wait3A_164 = tpu.memref_slice %arg12[%add3A_162, %dma_wait3A_163] : memref<10000x128xf32, #tpu.memory_space<vmem_shared>> -> memref<104x128xf32, #tpu.memory_space<vmem_shared>>
      %dma_wait3A_165 = arith.constant 0 : i32
      %dma_wait3A_166 = tpu.memref_slice %arg2[%add3A_160, %dma_wait3A_165] : memref<10000x128xf32, #tpu.memory_space<hbm>> -> memref<104x128xf32, #tpu.memory_space<hbm>>
      tpu.wait_dma2 semaphore(%arg15 : memref<!tpu.dma_semaphore, #tpu.memory_space<semaphore_mem>>) src(%dma_wait3A_166 : memref<104x128xf32, #tpu.memory_space<hbm>>) dst(%dma_wait3A_164 : memref<104x128xf32, #tpu.memory_space<vmem_shared>>)
      %eq3A_167 = arith.constant 15 : i32
      %eq3A_168 = arith.cmpi eq, %arg1, %eq3A_167 : i32
      %convert_element_type3A_169 = arith.extui %eq3A_168 : i1 to i32
      %cond3A_170 = arith.constant 0 : i32
      %cond3A_171 = arith.cmpi ne, %convert_element_type3A_169, %cond3A_170 : i32
      scf.if %cond3A_171 {
        %dma_wait3A_172 = arith.constant 9984 : i32
        %dma_wait3A_173 = arith.constant 0 : i32
        %dma_wait3A_174 = tpu.memref_slice %arg12[%dma_wait3A_172, %dma_wait3A_173] : memref<10000x128xf32, #tpu.memory_space<vmem_shared>> -> memref<16x128xf32, #tpu.memory_space<vmem_shared>>
        %dma_wait3A_175 = arith.constant 9984 : i32
        %dma_wait3A_176 = arith.constant 0 : i32
        %dma_wait3A_177 = tpu.memref_slice %arg2[%dma_wait3A_175, %dma_wait3A_176] : memref<10000x128xf32, #tpu.memory_space<hbm>> -> memref<16x128xf32, #tpu.memory_space<hbm>>
        tpu.wait_dma2 semaphore(%arg15 : memref<!tpu.dma_semaphore, #tpu.memory_space<semaphore_mem>>) src(%dma_wait3A_177 : memref<16x128xf32, #tpu.memory_space<hbm>>) dst(%dma_wait3A_174 : memref<16x128xf32, #tpu.memory_space<vmem_shared>>)
      } else {
      }
    } else {
    }
    %eq3A_20 = arith.constant 1 : i32
    %eq3A_21 = arith.cmpi eq, %arg0, %eq3A_20 : i32
    %convert_element_type3A_22 = arith.extui %eq3A_21 : i1 to i32
    %cond3A_23 = arith.constant 0 : i32
    %cond3A_24 = arith.cmpi ne, %convert_element_type3A_22, %cond3A_23 : i32
    scf.if %cond3A_24 {
      %scan3A_67 = arith.constant 0 : i32
      %scan3A_68 = arith.constant 0 : i32
      %scan3A_69 = arith.constant 48 : i32
      %scan3A_70 = arith.addi %scan3A_68, %scan3A_69 : i32
      %scan3A_71 = arith.constant 1 : i32
      scf.for %scan3A_238 = %scan3A_68 to %scan3A_70 step %scan3A_71  : i32 {
        %broadcast_in_dim3A = arith.constant 0.000000e+00 : f32
        %broadcast_in_dim3A_239 = vector.broadcast %broadcast_in_dim3A : f32 to vector<16xf32>
        %swap3A = arith.index_cast %scan3A_238 : i32 to index
        %swap3A_240 = arith.constant 0 : index
        %swap3A_241 = tpu.vector_load %arg11[%swap3A, %swap3A_240] {strides = array<i32>} : memref<48x128xf32, #tpu.memory_space<vmem>>, vector<1x16xf32>,
        %swap3A_242 = vector.shape_cast %swap3A_241 : vector<1x16xf32> to vector<16xf32>
        %swap3A_243 = vector.shape_cast %broadcast_in_dim3A_239 : vector<16xf32> to vector<1x16xf32>
        tpu.vector_store %arg11[%swap3A, %swap3A_240], %swap3A_243 {strides = array<i32>} : memref<48x128xf32, #tpu.memory_space<vmem>>, vector<1x16xf32>,
        %broadcast_in_dim3A_244 = arith.constant 0.000000e+00 : f32
        %broadcast_in_dim3A_245 = vector.broadcast %broadcast_in_dim3A_244 : f32 to vector<16xf32>
        %swap3A_246 = arith.index_cast %scan3A_238 : i32 to index
        %swap3A_247 = arith.constant 16 : index
        %swap3A_248 = tpu.vector_load %arg11[%swap3A_246, %swap3A_247] {strides = array<i32>} : memref<48x128xf32, #tpu.memory_space<vmem>>, vector<1x16xf32>,
        %swap3A_249 = vector.shape_cast %swap3A_248 : vector<1x16xf32> to vector<16xf32>
        %swap3A_250 = vector.shape_cast %broadcast_in_dim3A_245 : vector<16xf32> to vector<1x16xf32>
        tpu.vector_store %arg11[%swap3A_246, %swap3A_247], %swap3A_250 {strides = array<i32>} : memref<48x128xf32, #tpu.memory_space<vmem>>, vector<1x16xf32>,
        %broadcast_in_dim3A_251 = arith.constant 0.000000e+00 : f32
        %broadcast_in_dim3A_252 = vector.broadcast %broadcast_in_dim3A_251 : f32 to vector<16xf32>
        %swap3A_253 = arith.index_cast %scan3A_238 : i32 to index
        %swap3A_254 = arith.constant 32 : index
        %swap3A_255 = tpu.vector_load %arg11[%swap3A_253, %swap3A_254] {strides = array<i32>} : memref<48x128xf32, #tpu.memory_space<vmem>>, vector<1x16xf32>,
        %swap3A_256 = vector.shape_cast %swap3A_255 : vector<1x16xf32> to vector<16xf32>
        %swap3A_257 = vector.shape_cast %broadcast_in_dim3A_252 : vector<16xf32> to vector<1x16xf32>
        tpu.vector_store %arg11[%swap3A_253, %swap3A_254], %swap3A_257 {strides = array<i32>} : memref<48x128xf32, #tpu.memory_space<vmem>>, vector<1x16xf32>,
        %broadcast_in_dim3A_258 = arith.constant 0.000000e+00 : f32
        %broadcast_in_dim3A_259 = vector.broadcast %broadcast_in_dim3A_258 : f32 to vector<16xf32>
        %swap3A_260 = arith.index_cast %scan3A_238 : i32 to index
        %swap3A_261 = arith.constant 48 : index
        %swap3A_262 = tpu.vector_load %arg11[%swap3A_260, %swap3A_261] {strides = array<i32>} : memref<48x128xf32, #tpu.memory_space<vmem>>, vector<1x16xf32>,
        %swap3A_263 = vector.shape_cast %swap3A_262 : vector<1x16xf32> to vector<16xf32>
        %swap3A_264 = vector.shape_cast %broadcast_in_dim3A_259 : vector<16xf32> to vector<1x16xf32>
        tpu.vector_store %arg11[%swap3A_260, %swap3A_261], %swap3A_264 {strides = array<i32>} : memref<48x128xf32, #tpu.memory_space<vmem>>, vector<1x16xf32>,
        %broadcast_in_dim3A_265 = arith.constant 0.000000e+00 : f32
        %broadcast_in_dim3A_266 = vector.broadcast %broadcast_in_dim3A_265 : f32 to vector<16xf32>
        %swap3A_267 = arith.index_cast %scan3A_238 : i32 to index
        %swap3A_268 = arith.constant 64 : index
        %swap3A_269 = tpu.vector_load %arg11[%swap3A_267, %swap3A_268] {strides = array<i32>} : memref<48x128xf32, #tpu.memory_space<vmem>>, vector<1x16xf32>,
        %swap3A_270 = vector.shape_cast %swap3A_269 : vector<1x16xf32> to vector<16xf32>
        %swap3A_271 = vector.shape_cast %broadcast_in_dim3A_266 : vector<16xf32> to vector<1x16xf32>
        tpu.vector_store %arg11[%swap3A_267, %swap3A_268], %swap3A_271 {strides = array<i32>} : memref<48x128xf32, #tpu.memory_space<vmem>>, vector<1x16xf32>,
        %broadcast_in_dim3A_272 = arith.constant 0.000000e+00 : f32
        %broadcast_in_dim3A_273 = vector.broadcast %broadcast_in_dim3A_272 : f32 to vector<16xf32>
        %swap3A_274 = arith.index_cast %scan3A_238 : i32 to index
        %swap3A_275 = arith.constant 80 : index
        %swap3A_276 = tpu.vector_load %arg11[%swap3A_274, %swap3A_275] {strides = array<i32>} : memref<48x128xf32, #tpu.memory_space<vmem>>, vector<1x16xf32>,
        %swap3A_277 = vector.shape_cast %swap3A_276 : vector<1x16xf32> to vector<16xf32>
        %swap3A_278 = vector.shape_cast %broadcast_in_dim3A_273 : vector<16xf32> to vector<1x16xf32>
        tpu.vector_store %arg11[%swap3A_274, %swap3A_275], %swap3A_278 {strides = array<i32>} : memref<48x128xf32, #tpu.memory_space<vmem>>, vector<1x16xf32>,
        %broadcast_in_dim3A_279 = arith.constant 0.000000e+00 : f32
        %broadcast_in_dim3A_280 = vector.broadcast %broadcast_in_dim3A_279 : f32 to vector<16xf32>
        %swap3A_281 = arith.index_cast %scan3A_238 : i32 to index
        %swap3A_282 = arith.constant 96 : index
        %swap3A_283 = tpu.vector_load %arg11[%swap3A_281, %swap3A_282] {strides = array<i32>} : memref<48x128xf32, #tpu.memory_space<vmem>>, vector<1x16xf32>,
        %swap3A_284 = vector.shape_cast %swap3A_283 : vector<1x16xf32> to vector<16xf32>
        %swap3A_285 = vector.shape_cast %broadcast_in_dim3A_280 : vector<16xf32> to vector<1x16xf32>
        tpu.vector_store %arg11[%swap3A_281, %swap3A_282], %swap3A_285 {strides = array<i32>} : memref<48x128xf32, #tpu.memory_space<vmem>>, vector<1x16xf32>,
        %broadcast_in_dim3A_286 = arith.constant 0.000000e+00 : f32
        %broadcast_in_dim3A_287 = vector.broadcast %broadcast_in_dim3A_286 : f32 to vector<16xf32>
        %swap3A_288 = arith.index_cast %scan3A_238 : i32 to index
        %swap3A_289 = arith.constant 112 : index
        %swap3A_290 = tpu.vector_load %arg11[%swap3A_288, %swap3A_289] {strides = array<i32>} : memref<48x128xf32, #tpu.memory_space<vmem>>, vector<1x16xf32>,
        %swap3A_291 = vector.shape_cast %swap3A_290 : vector<1x16xf32> to vector<16xf32>
        %swap3A_292 = vector.shape_cast %broadcast_in_dim3A_287 : vector<16xf32> to vector<1x16xf32>
        tpu.vector_store %arg11[%swap3A_288, %swap3A_289], %swap3A_292 {strides = array<i32>} : memref<48x128xf32, #tpu.memory_space<vmem>>, vector<1x16xf32>,
      }
      %scan3A_72 = arith.constant 48 : i32
      %add3A_73 = arith.constant 0 : i32
      %add3A_74 = arith.addi %mul3A_17, %add3A_73 : i32
      %dma_start3A_75 = arith.constant 0 : i32
      %dma_start3A_76 = tpu.memref_slice %arg12[%add3A_74, %dma_start3A_75] : memref<10000x128xf32, #tpu.memory_space<vmem_shared>> -> memref<48x128xf32, #tpu.memory_space<vmem_shared>>
      %dma_start3A_77 = arith.constant 0 : i32
      %dma_start3A_78 = tpu.memref_slice %arg12[%add3A_74, %dma_start3A_77] : memref<10000x128xf32, #tpu.memory_space<vmem_shared>> -> memref<48x128xf32, #tpu.memory_space<vmem_shared>>
      tpu.enqueue_dma source(%arg11 : memref<48x128xf32, #tpu.memory_space<vmem>>) target(%dma_start3A_78 : memref<48x128xf32, #tpu.memory_space<vmem_shared>>) target_semaphore(%arg15 : memref<!tpu.dma_semaphore, #tpu.memory_space<semaphore_mem>>)
      %add3A_79 = arith.constant 48 : i32
      %add3A_80 = arith.addi %mul3A_17, %add3A_79 : i32
      %dma_start3A_81 = arith.constant 0 : i32
      %dma_start3A_82 = tpu.memref_slice %arg12[%add3A_80, %dma_start3A_81] : memref<10000x128xf32, #tpu.memory_space<vmem_shared>> -> memref<48x128xf32, #tpu.memory_space<vmem_shared>>
      %dma_start3A_83 = arith.constant 0 : i32
      %dma_start3A_84 = tpu.memref_slice %arg12[%add3A_80, %dma_start3A_83] : memref<10000x128xf32, #tpu.memory_space<vmem_shared>> -> memref<48x128xf32, #tpu.memory_space<vmem_shared>>
      tpu.enqueue_dma source(%arg11 : memref<48x128xf32, #tpu.memory_space<vmem>>) target(%dma_start3A_84 : memref<48x128xf32, #tpu.memory_space<vmem_shared>>) target_semaphore(%arg15 : memref<!tpu.dma_semaphore, #tpu.memory_space<semaphore_mem>>)
      %add3A_85 = arith.constant 96 : i32
      %add3A_86 = arith.addi %mul3A_17, %add3A_85 : i32
      %dma_start3A_87 = arith.constant 0 : i32
      %dma_start3A_88 = tpu.memref_slice %arg12[%add3A_86, %dma_start3A_87] : memref<10000x128xf32, #tpu.memory_space<vmem_shared>> -> memref<48x128xf32, #tpu.memory_space<vmem_shared>>
      %dma_start3A_89 = arith.constant 0 : i32
      %dma_start3A_90 = tpu.memref_slice %arg12[%add3A_86, %dma_start3A_89] : memref<10000x128xf32, #tpu.memory_space<vmem_shared>> -> memref<48x128xf32, #tpu.memory_space<vmem_shared>>
      tpu.enqueue_dma source(%arg11 : memref<48x128xf32, #tpu.memory_space<vmem>>) target(%dma_start3A_90 : memref<48x128xf32, #tpu.memory_space<vmem_shared>>) target_semaphore(%arg15 : memref<!tpu.dma_semaphore, #tpu.memory_space<semaphore_mem>>)
      %add3A_91 = arith.constant 144 : i32
      %add3A_92 = arith.addi %mul3A_17, %add3A_91 : i32
      %dma_start3A_93 = arith.constant 0 : i32
      %dma_start3A_94 = tpu.memref_slice %arg12[%add3A_92, %dma_start3A_93] : memref<10000x128xf32, #tpu.memory_space<vmem_shared>> -> memref<48x128xf32, #tpu.memory_space<vmem_shared>>
      %dma_start3A_95 = arith.constant 0 : i32
      %dma_start3A_96 = tpu.memref_slice %arg12[%add3A_92, %dma_start3A_95] : memref<10000x128xf32, #tpu.memory_space<vmem_shared>> -> memref<48x128xf32, #tpu.memory_space<vmem_shared>>
      tpu.enqueue_dma source(%arg11 : memref<48x128xf32, #tpu.memory_space<vmem>>) target(%dma_start3A_96 : memref<48x128xf32, #tpu.memory_space<vmem_shared>>) target_semaphore(%arg15 : memref<!tpu.dma_semaphore, #tpu.memory_space<semaphore_mem>>)
      %add3A_97 = arith.constant 192 : i32
      %add3A_98 = arith.addi %mul3A_17, %add3A_97 : i32
      %dma_start3A_99 = arith.constant 0 : i32
      %dma_start3A_100 = tpu.memref_slice %arg12[%add3A_98, %dma_start3A_99] : memref<10000x128xf32, #tpu.memory_space<vmem_shared>> -> memref<48x128xf32, #tpu.memory_space<vmem_shared>>
      %dma_start3A_101 = arith.constant 0 : i32
      %dma_start3A_102 = tpu.memref_slice %arg12[%add3A_98, %dma_start3A_101] : memref<10000x128xf32, #tpu.memory_space<vmem_shared>> -> memref<48x128xf32, #tpu.memory_space<vmem_shared>>
      tpu.enqueue_dma source(%arg11 : memref<48x128xf32, #tpu.memory_space<vmem>>) target(%dma_start3A_102 : memref<48x128xf32, #tpu.memory_space<vmem_shared>>) target_semaphore(%arg15 : memref<!tpu.dma_semaphore, #tpu.memory_space<semaphore_mem>>)
      %add3A_103 = arith.constant 240 : i32
      %add3A_104 = arith.addi %mul3A_17, %add3A_103 : i32
      %dma_start3A_105 = arith.constant 0 : i32
      %dma_start3A_106 = tpu.memref_slice %arg12[%add3A_104, %dma_start3A_105] : memref<10000x128xf32, #tpu.memory_space<vmem_shared>> -> memref<48x128xf32, #tpu.memory_space<vmem_shared>>
      %dma_start3A_107 = arith.constant 0 : i32
      %dma_start3A_108 = tpu.memref_slice %arg12[%add3A_104, %dma_start3A_107] : memref<10000x128xf32, #tpu.memory_space<vmem_shared>> -> memref<48x128xf32, #tpu.memory_space<vmem_shared>>
      tpu.enqueue_dma source(%arg11 : memref<48x128xf32, #tpu.memory_space<vmem>>) target(%dma_start3A_108 : memref<48x128xf32, #tpu.memory_space<vmem_shared>>) target_semaphore(%arg15 : memref<!tpu.dma_semaphore, #tpu.memory_space<semaphore_mem>>)
      %add3A_109 = arith.constant 288 : i32
      %add3A_110 = arith.addi %mul3A_17, %add3A_109 : i32
      %dma_start3A_111 = arith.constant 0 : i32
      %dma_start3A_112 = tpu.memref_slice %arg12[%add3A_110, %dma_start3A_111] : memref<10000x128xf32, #tpu.memory_space<vmem_shared>> -> memref<48x128xf32, #tpu.memory_space<vmem_shared>>
      %dma_start3A_113 = arith.constant 0 : i32
      %dma_start3A_114 = tpu.memref_slice %arg12[%add3A_110, %dma_start3A_113] : memref<10000x128xf32, #tpu.memory_space<vmem_shared>> -> memref<48x128xf32, #tpu.memory_space<vmem_shared>>
      tpu.enqueue_dma source(%arg11 : memref<48x128xf32, #tpu.memory_space<vmem>>) target(%dma_start3A_114 : memref<48x128xf32, #tpu.memory_space<vmem_shared>>) target_semaphore(%arg15 : memref<!tpu.dma_semaphore, #tpu.memory_space<semaphore_mem>>)
      %add3A_115 = arith.constant 336 : i32
      %add3A_116 = arith.addi %mul3A_17, %add3A_115 : i32
      %dma_start3A_117 = arith.constant 0 : i32
      %dma_start3A_118 = tpu.memref_slice %arg12[%add3A_116, %dma_start3A_117] : memref<10000x128xf32, #tpu.memory_space<vmem_shared>> -> memref<48x128xf32, #tpu.memory_space<vmem_shared>>
      %dma_start3A_119 = arith.constant 0 : i32
      %dma_start3A_120 = tpu.memref_slice %arg12[%add3A_116, %dma_start3A_119] : memref<10000x128xf32, #tpu.memory_space<vmem_shared>> -> memref<48x128xf32, #tpu.memory_space<vmem_shared>>
      tpu.enqueue_dma source(%arg11 : memref<48x128xf32, #tpu.memory_space<vmem>>) target(%dma_start3A_120 : memref<48x128xf32, #tpu.memory_space<vmem_shared>>) target_semaphore(%arg15 : memref<!tpu.dma_semaphore, #tpu.memory_space<semaphore_mem>>)
      %add3A_121 = arith.constant 384 : i32
      %add3A_122 = arith.addi %mul3A_17, %add3A_121 : i32
      %dma_start3A_123 = arith.constant 0 : i32
      %dma_start3A_124 = tpu.memref_slice %arg12[%add3A_122, %dma_start3A_123] : memref<10000x128xf32, #tpu.memory_space<vmem_shared>> -> memref<48x128xf32, #tpu.memory_space<vmem_shared>>
      %dma_start3A_125 = arith.constant 0 : i32
      %dma_start3A_126 = tpu.memref_slice %arg12[%add3A_122, %dma_start3A_125] : memref<10000x128xf32, #tpu.memory_space<vmem_shared>> -> memref<48x128xf32, #tpu.memory_space<vmem_shared>>
      tpu.enqueue_dma source(%arg11 : memref<48x128xf32, #tpu.memory_space<vmem>>) target(%dma_start3A_126 : memref<48x128xf32, #tpu.memory_space<vmem_shared>>) target_semaphore(%arg15 : memref<!tpu.dma_semaphore, #tpu.memory_space<semaphore_mem>>)
      %add3A_127 = arith.constant 432 : i32
      %add3A_128 = arith.addi %mul3A_17, %add3A_127 : i32
      %dma_start3A_129 = arith.constant 0 : i32
      %dma_start3A_130 = tpu.memref_slice %arg12[%add3A_128, %dma_start3A_129] : memref<10000x128xf32, #tpu.memory_space<vmem_shared>> -> memref<48x128xf32, #tpu.memory_space<vmem_shared>>
      %dma_start3A_131 = arith.constant 0 : i32
      %dma_start3A_132 = tpu.memref_slice %arg12[%add3A_128, %dma_start3A_131] : memref<10000x128xf32, #tpu.memory_space<vmem_shared>> -> memref<48x128xf32, #tpu.memory_space<vmem_shared>>
      tpu.enqueue_dma source(%arg11 : memref<48x128xf32, #tpu.memory_space<vmem>>) target(%dma_start3A_132 : memref<48x128xf32, #tpu.memory_space<vmem_shared>>) target_semaphore(%arg15 : memref<!tpu.dma_semaphore, #tpu.memory_space<semaphore_mem>>)
      %add3A_133 = arith.constant 480 : i32
      %add3A_134 = arith.addi %mul3A_17, %add3A_133 : i32
      %dma_start3A_135 = arith.constant 0 : i32
      %dma_start3A_136 = tpu.memref_slice %arg12[%add3A_134, %dma_start3A_135] : memref<10000x128xf32, #tpu.memory_space<vmem_shared>> -> memref<48x128xf32, #tpu.memory_space<vmem_shared>>
      %dma_start3A_137 = arith.constant 0 : i32
      %dma_start3A_138 = tpu.memref_slice %arg12[%add3A_134, %dma_start3A_137] : memref<10000x128xf32, #tpu.memory_space<vmem_shared>> -> memref<48x128xf32, #tpu.memory_space<vmem_shared>>
      tpu.enqueue_dma source(%arg11 : memref<48x128xf32, #tpu.memory_space<vmem>>) target(%dma_start3A_138 : memref<48x128xf32, #tpu.memory_space<vmem_shared>>) target_semaphore(%arg15 : memref<!tpu.dma_semaphore, #tpu.memory_space<semaphore_mem>>)
      %add3A_139 = arith.constant 528 : i32
      %add3A_140 = arith.addi %mul3A_17, %add3A_139 : i32
      %dma_start3A_141 = arith.constant 0 : i32
      %dma_start3A_142 = tpu.memref_slice %arg12[%add3A_140, %dma_start3A_141] : memref<10000x128xf32, #tpu.memory_space<vmem_shared>> -> memref<48x128xf32, #tpu.memory_space<vmem_shared>>
      %dma_start3A_143 = arith.constant 0 : i32
      %dma_start3A_144 = tpu.memref_slice %arg12[%add3A_140, %dma_start3A_143] : memref<10000x128xf32, #tpu.memory_space<vmem_shared>> -> memref<48x128xf32, #tpu.memory_space<vmem_shared>>
      tpu.enqueue_dma source(%arg11 : memref<48x128xf32, #tpu.memory_space<vmem>>) target(%dma_start3A_144 : memref<48x128xf32, #tpu.memory_space<vmem_shared>>) target_semaphore(%arg15 : memref<!tpu.dma_semaphore, #tpu.memory_space<semaphore_mem>>)
      %add3A_145 = arith.constant 576 : i32
      %add3A_146 = arith.addi %mul3A_17, %add3A_145 : i32
      %dma_start3A_147 = arith.constant 0 : i32
      %dma_start3A_148 = tpu.memref_slice %arg12[%add3A_146, %dma_start3A_147] : memref<10000x128xf32, #tpu.memory_space<vmem_shared>> -> memref<48x128xf32, #tpu.memory_space<vmem_shared>>
      %dma_start3A_149 = arith.constant 0 : i32
      %dma_start3A_150 = tpu.memref_slice %arg12[%add3A_146, %dma_start3A_149] : memref<10000x128xf32, #tpu.memory_space<vmem_shared>> -> memref<48x128xf32, #tpu.memory_space<vmem_shared>>
      tpu.enqueue_dma source(%arg11 : memref<48x128xf32, #tpu.memory_space<vmem>>) target(%dma_start3A_150 : memref<48x128xf32, #tpu.memory_space<vmem_shared>>) target_semaphore(%arg15 : memref<!tpu.dma_semaphore, #tpu.memory_space<semaphore_mem>>)
      %eq3A_151 = arith.constant 15 : i32
      %eq3A_152 = arith.cmpi eq, %arg1, %eq3A_151 : i32
      %convert_element_type3A_153 = arith.extui %eq3A_152 : i1 to i32
      %cond3A_154 = arith.constant 0 : i32
      %cond3A_155 = arith.cmpi ne, %convert_element_type3A_153, %cond3A_154 : i32
      scf.if %cond3A_155 {
        %dma_start3A_238 = arith.constant 0 : i32
        %dma_start3A_239 = arith.constant 0 : i32
        %dma_start3A_240 = tpu.memref_slice %arg11[%dma_start3A_238, %dma_start3A_239] : memref<48x128xf32, #tpu.memory_space<vmem>> -> memref<16x128xf32, #tpu.memory_space<vmem>>
        %dma_start3A_241 = arith.constant 9984 : i32
        %dma_start3A_242 = arith.constant 0 : i32
        %dma_start3A_243 = tpu.memref_slice %arg12[%dma_start3A_241, %dma_start3A_242] : memref<10000x128xf32, #tpu.memory_space<vmem_shared>> -> memref<16x128xf32, #tpu.memory_space<vmem_shared>>
        %dma_start3A_244 = arith.constant 9984 : i32
        %dma_start3A_245 = arith.constant 0 : i32
        %dma_start3A_246 = tpu.memref_slice %arg12[%dma_start3A_244, %dma_start3A_245] : memref<10000x128xf32, #tpu.memory_space<vmem_shared>> -> memref<16x128xf32, #tpu.memory_space<vmem_shared>>
        %dma_start3A_247 = arith.constant 0 : i32
        %dma_start3A_248 = arith.constant 0 : i32
        %dma_start3A_249 = tpu.memref_slice %arg11[%dma_start3A_247, %dma_start3A_248] : memref<48x128xf32, #tpu.memory_space<vmem>> -> memref<16x128xf32, #tpu.memory_space<vmem>>
        tpu.enqueue_dma source(%dma_start3A_249 : memref<16x128xf32, #tpu.memory_space<vmem>>) target(%dma_start3A_246 : memref<16x128xf32, #tpu.memory_space<vmem_shared>>) target_semaphore(%arg15 : memref<!tpu.dma_semaphore, #tpu.memory_space<semaphore_mem>>)
      } else {
      }
      %add3A_156 = arith.constant 0 : i32
      %add3A_157 = arith.addi %mul3A_17, %add3A_156 : i32
      %dma_wait3A = arith.constant 0 : i32
      %dma_wait3A_158 = tpu.memref_slice %arg12[%add3A_157, %dma_wait3A] : memref<10000x128xf32, #tpu.memory_space<vmem_shared>> -> memref<48x128xf32, #tpu.memory_space<vmem_shared>>
      %dma_wait3A_159 = arith.constant 0 : i32
      %dma_wait3A_160 = tpu.memref_slice %arg12[%add3A_157, %dma_wait3A_159] : memref<10000x128xf32, #tpu.memory_space<vmem_shared>> -> memref<48x128xf32, #tpu.memory_space<vmem_shared>>
      tpu.wait_dma2 semaphore(%arg15 : memref<!tpu.dma_semaphore, #tpu.memory_space<semaphore_mem>>) src(%arg11 : memref<48x128xf32, #tpu.memory_space<vmem>>) dst(%dma_wait3A_160 : memref<48x128xf32, #tpu.memory_space<vmem_shared>>)
      %add3A_161 = arith.constant 48 : i32
      %add3A_162 = arith.addi %mul3A_17, %add3A_161 : i32
      %dma_wait3A_163 = arith.constant 0 : i32
      %dma_wait3A_164 = tpu.memref_slice %arg12[%add3A_162, %dma_wait3A_163] : memref<10000x128xf32, #tpu.memory_space<vmem_shared>> -> memref<48x128xf32, #tpu.memory_space<vmem_shared>>
      %dma_wait3A_165 = arith.constant 0 : i32
      %dma_wait3A_166 = tpu.memref_slice %arg12[%add3A_162, %dma_wait3A_165] : memref<10000x128xf32, #tpu.memory_space<vmem_shared>> -> memref<48x128xf32, #tpu.memory_space<vmem_shared>>
      tpu.wait_dma2 semaphore(%arg15 : memref<!tpu.dma_semaphore, #tpu.memory_space<semaphore_mem>>) src(%arg11 : memref<48x128xf32, #tpu.memory_space<vmem>>) dst(%dma_wait3A_166 : memref<48x128xf32, #tpu.memory_space<vmem_shared>>)
      %add3A_167 = arith.constant 96 : i32
      %add3A_168 = arith.addi %mul3A_17, %add3A_167 : i32
      %dma_wait3A_169 = arith.constant 0 : i32
      %dma_wait3A_170 = tpu.memref_slice %arg12[%add3A_168, %dma_wait3A_169] : memref<10000x128xf32, #tpu.memory_space<vmem_shared>> -> memref<48x128xf32, #tpu.memory_space<vmem_shared>>
      %dma_wait3A_171 = arith.constant 0 : i32
      %dma_wait3A_172 = tpu.memref_slice %arg12[%add3A_168, %dma_wait3A_171] : memref<10000x128xf32, #tpu.memory_space<vmem_shared>> -> memref<48x128xf32, #tpu.memory_space<vmem_shared>>
      tpu.wait_dma2 semaphore(%arg15 : memref<!tpu.dma_semaphore, #tpu.memory_space<semaphore_mem>>) src(%arg11 : memref<48x128xf32, #tpu.memory_space<vmem>>) dst(%dma_wait3A_172 : memref<48x128xf32, #tpu.memory_space<vmem_shared>>)
      %add3A_173 = arith.constant 144 : i32
      %add3A_174 = arith.addi %mul3A_17, %add3A_173 : i32
      %dma_wait3A_175 = arith.constant 0 : i32
      %dma_wait3A_176 = tpu.memref_slice %arg12[%add3A_174, %dma_wait3A_175] : memref<10000x128xf32, #tpu.memory_space<vmem_shared>> -> memref<48x128xf32, #tpu.memory_space<vmem_shared>>
      %dma_wait3A_177 = arith.constant 0 : i32
      %dma_wait3A_178 = tpu.memref_slice %arg12[%add3A_174, %dma_wait3A_177] : memref<10000x128xf32, #tpu.memory_space<vmem_shared>> -> memref<48x128xf32, #tpu.memory_space<vmem_shared>>
      tpu.wait_dma2 semaphore(%arg15 : memref<!tpu.dma_semaphore, #tpu.memory_space<semaphore_mem>>) src(%arg11 : memref<48x128xf32, #tpu.memory_space<vmem>>) dst(%dma_wait3A_178 : memref<48x128xf32, #tpu.memory_space<vmem_shared>>)
      %add3A_179 = arith.constant 192 : i32
      %add3A_180 = arith.addi %mul3A_17, %add3A_179 : i32
      %dma_wait3A_181 = arith.constant 0 : i32
      %dma_wait3A_182 = tpu.memref_slice %arg12[%add3A_180, %dma_wait3A_181] : memref<10000x128xf32, #tpu.memory_space<vmem_shared>> -> memref<48x128xf32, #tpu.memory_space<vmem_shared>>
      %dma_wait3A_183 = arith.constant 0 : i32
      %dma_wait3A_184 = tpu.memref_slice %arg12[%add3A_180, %dma_wait3A_183] : memref<10000x128xf32, #tpu.memory_space<vmem_shared>> -> memref<48x128xf32, #tpu.memory_space<vmem_shared>>
      tpu.wait_dma2 semaphore(%arg15 : memref<!tpu.dma_semaphore, #tpu.memory_space<semaphore_mem>>) src(%arg11 : memref<48x128xf32, #tpu.memory_space<vmem>>) dst(%dma_wait3A_184 : memref<48x128xf32, #tpu.memory_space<vmem_shared>>)
      %add3A_185 = arith.constant 240 : i32
      %add3A_186 = arith.addi %mul3A_17, %add3A_185 : i32
      %dma_wait3A_187 = arith.constant 0 : i32
      %dma_wait3A_188 = tpu.memref_slice %arg12[%add3A_186, %dma_wait3A_187] : memref<10000x128xf32, #tpu.memory_space<vmem_shared>> -> memref<48x128xf32, #tpu.memory_space<vmem_shared>>
      %dma_wait3A_189 = arith.constant 0 : i32
      %dma_wait3A_190 = tpu.memref_slice %arg12[%add3A_186, %dma_wait3A_189] : memref<10000x128xf32, #tpu.memory_space<vmem_shared>> -> memref<48x128xf32, #tpu.memory_space<vmem_shared>>
      tpu.wait_dma2 semaphore(%arg15 : memref<!tpu.dma_semaphore, #tpu.memory_space<semaphore_mem>>) src(%arg11 : memref<48x128xf32, #tpu.memory_space<vmem>>) dst(%dma_wait3A_190 : memref<48x128xf32, #tpu.memory_space<vmem_shared>>)
      %add3A_191 = arith.constant 288 : i32
      %add3A_192 = arith.addi %mul3A_17, %add3A_191 : i32
      %dma_wait3A_193 = arith.constant 0 : i32
      %dma_wait3A_194 = tpu.memref_slice %arg12[%add3A_192, %dma_wait3A_193] : memref<10000x128xf32, #tpu.memory_space<vmem_shared>> -> memref<48x128xf32, #tpu.memory_space<vmem_shared>>
      %dma_wait3A_195 = arith.constant 0 : i32
      %dma_wait3A_196 = tpu.memref_slice %arg12[%add3A_192, %dma_wait3A_195] : memref<10000x128xf32, #tpu.memory_space<vmem_shared>> -> memref<48x128xf32, #tpu.memory_space<vmem_shared>>
      tpu.wait_dma2 semaphore(%arg15 : memref<!tpu.dma_semaphore, #tpu.memory_space<semaphore_mem>>) src(%arg11 : memref<48x128xf32, #tpu.memory_space<vmem>>) dst(%dma_wait3A_196 : memref<48x128xf32, #tpu.memory_space<vmem_shared>>)
      %add3A_197 = arith.constant 336 : i32
      %add3A_198 = arith.addi %mul3A_17, %add3A_197 : i32
      %dma_wait3A_199 = arith.constant 0 : i32
      %dma_wait3A_200 = tpu.memref_slice %arg12[%add3A_198, %dma_wait3A_199] : memref<10000x128xf32, #tpu.memory_space<vmem_shared>> -> memref<48x128xf32, #tpu.memory_space<vmem_shared>>
      %dma_wait3A_201 = arith.constant 0 : i32
      %dma_wait3A_202 = tpu.memref_slice %arg12[%add3A_198, %dma_wait3A_201] : memref<10000x128xf32, #tpu.memory_space<vmem_shared>> -> memref<48x128xf32, #tpu.memory_space<vmem_shared>>
      tpu.wait_dma2 semaphore(%arg15 : memref<!tpu.dma_semaphore, #tpu.memory_space<semaphore_mem>>) src(%arg11 : memref<48x128xf32, #tpu.memory_space<vmem>>) dst(%dma_wait3A_202 : memref<48x128xf32, #tpu.memory_space<vmem_shared>>)
      %add3A_203 = arith.constant 384 : i32
      %add3A_204 = arith.addi %mul3A_17, %add3A_203 : i32
      %dma_wait3A_205 = arith.constant 0 : i32
      %dma_wait3A_206 = tpu.memref_slice %arg12[%add3A_204, %dma_wait3A_205] : memref<10000x128xf32, #tpu.memory_space<vmem_shared>> -> memref<48x128xf32, #tpu.memory_space<vmem_shared>>
      %dma_wait3A_207 = arith.constant 0 : i32
      %dma_wait3A_208 = tpu.memref_slice %arg12[%add3A_204, %dma_wait3A_207] : memref<10000x128xf32, #tpu.memory_space<vmem_shared>> -> memref<48x128xf32, #tpu.memory_space<vmem_shared>>
      tpu.wait_dma2 semaphore(%arg15 : memref<!tpu.dma_semaphore, #tpu.memory_space<semaphore_mem>>) src(%arg11 : memref<48x128xf32, #tpu.memory_space<vmem>>) dst(%dma_wait3A_208 : memref<48x128xf32, #tpu.memory_space<vmem_shared>>)
      %add3A_209 = arith.constant 432 : i32
      %add3A_210 = arith.addi %mul3A_17, %add3A_209 : i32
      %dma_wait3A_211 = arith.constant 0 : i32
      %dma_wait3A_212 = tpu.memref_slice %arg12[%add3A_210, %dma_wait3A_211] : memref<10000x128xf32, #tpu.memory_space<vmem_shared>> -> memref<48x128xf32, #tpu.memory_space<vmem_shared>>
      %dma_wait3A_213 = arith.constant 0 : i32
      %dma_wait3A_214 = tpu.memref_slice %arg12[%add3A_210, %dma_wait3A_213] : memref<10000x128xf32, #tpu.memory_space<vmem_shared>> -> memref<48x128xf32, #tpu.memory_space<vmem_shared>>
      tpu.wait_dma2 semaphore(%arg15 : memref<!tpu.dma_semaphore, #tpu.memory_space<semaphore_mem>>) src(%arg11 : memref<48x128xf32, #tpu.memory_space<vmem>>) dst(%dma_wait3A_214 : memref<48x128xf32, #tpu.memory_space<vmem_shared>>)
      %add3A_215 = arith.constant 480 : i32
      %add3A_216 = arith.addi %mul3A_17, %add3A_215 : i32
      %dma_wait3A_217 = arith.constant 0 : i32
      %dma_wait3A_218 = tpu.memref_slice %arg12[%add3A_216, %dma_wait3A_217] : memref<10000x128xf32, #tpu.memory_space<vmem_shared>> -> memref<48x128xf32, #tpu.memory_space<vmem_shared>>
      %dma_wait3A_219 = arith.constant 0 : i32
      %dma_wait3A_220 = tpu.memref_slice %arg12[%add3A_216, %dma_wait3A_219] : memref<10000x128xf32, #tpu.memory_space<vmem_shared>> -> memref<48x128xf32, #tpu.memory_space<vmem_shared>>
      tpu.wait_dma2 semaphore(%arg15 : memref<!tpu.dma_semaphore, #tpu.memory_space<semaphore_mem>>) src(%arg11 : memref<48x128xf32, #tpu.memory_space<vmem>>) dst(%dma_wait3A_220 : memref<48x128xf32, #tpu.memory_space<vmem_shared>>)
      %add3A_221 = arith.constant 528 : i32
      %add3A_222 = arith.addi %mul3A_17, %add3A_221 : i32
      %dma_wait3A_223 = arith.constant 0 : i32
      %dma_wait3A_224 = tpu.memref_slice %arg12[%add3A_222, %dma_wait3A_223] : memref<10000x128xf32, #tpu.memory_space<vmem_shared>> -> memref<48x128xf32, #tpu.memory_space<vmem_shared>>
      %dma_wait3A_225 = arith.constant 0 : i32
      %dma_wait3A_226 = tpu.memref_slice %arg12[%add3A_222, %dma_wait3A_225] : memref<10000x128xf32, #tpu.memory_space<vmem_shared>> -> memref<48x128xf32, #tpu.memory_space<vmem_shared>>
      tpu.wait_dma2 semaphore(%arg15 : memref<!tpu.dma_semaphore, #tpu.memory_space<semaphore_mem>>) src(%arg11 : memref<48x128xf32, #tpu.memory_space<vmem>>) dst(%dma_wait3A_226 : memref<48x128xf32, #tpu.memory_space<vmem_shared>>)
      %add3A_227 = arith.constant 576 : i32
      %add3A_228 = arith.addi %mul3A_17, %add3A_227 : i32
      %dma_wait3A_229 = arith.constant 0 : i32
      %dma_wait3A_230 = tpu.memref_slice %arg12[%add3A_228, %dma_wait3A_229] : memref<10000x128xf32, #tpu.memory_space<vmem_shared>> -> memref<48x128xf32, #tpu.memory_space<vmem_shared>>
      %dma_wait3A_231 = arith.constant 0 : i32
      %dma_wait3A_232 = tpu.memref_slice %arg12[%add3A_228, %dma_wait3A_231] : memref<10000x128xf32, #tpu.memory_space<vmem_shared>> -> memref<48x128xf32, #tpu.memory_space<vmem_shared>>
      tpu.wait_dma2 semaphore(%arg15 : memref<!tpu.dma_semaphore, #tpu.memory_space<semaphore_mem>>) src(%arg11 : memref<48x128xf32, #tpu.memory_space<vmem>>) dst(%dma_wait3A_232 : memref<48x128xf32, #tpu.memory_space<vmem_shared>>)
      %eq3A_233 = arith.constant 15 : i32
      %eq3A_234 = arith.cmpi eq, %arg1, %eq3A_233 : i32
      %convert_element_type3A_235 = arith.extui %eq3A_234 : i1 to i32
      %cond3A_236 = arith.constant 0 : i32
      %cond3A_237 = arith.cmpi ne, %convert_element_type3A_235, %cond3A_236 : i32
      scf.if %cond3A_237 {
        %dma_wait3A_238 = arith.constant 0 : i32
        %dma_wait3A_239 = arith.constant 0 : i32
        %dma_wait3A_240 = tpu.memref_slice %arg11[%dma_wait3A_238, %dma_wait3A_239] : memref<48x128xf32, #tpu.memory_space<vmem>> -> memref<16x128xf32, #tpu.memory_space<vmem>>
        %dma_wait3A_241 = arith.constant 9984 : i32
        %dma_wait3A_242 = arith.constant 0 : i32
        %dma_wait3A_243 = tpu.memref_slice %arg12[%dma_wait3A_241, %dma_wait3A_242] : memref<10000x128xf32, #tpu.memory_space<vmem_shared>> -> memref<16x128xf32, #tpu.memory_space<vmem_shared>>
        %dma_wait3A_244 = arith.constant 9984 : i32
        %dma_wait3A_245 = arith.constant 0 : i32
        %dma_wait3A_246 = tpu.memref_slice %arg12[%dma_wait3A_244, %dma_wait3A_245] : memref<10000x128xf32, #tpu.memory_space<vmem_shared>> -> memref<16x128xf32, #tpu.memory_space<vmem_shared>>
        %dma_wait3A_247 = arith.constant 0 : i32
        %dma_wait3A_248 = arith.constant 0 : i32
        %dma_wait3A_249 = tpu.memref_slice %arg11[%dma_wait3A_247, %dma_wait3A_248] : memref<48x128xf32, #tpu.memory_space<vmem>> -> memref<16x128xf32, #tpu.memory_space<vmem>>
        tpu.wait_dma2 semaphore(%arg15 : memref<!tpu.dma_semaphore, #tpu.memory_space<semaphore_mem>>) src(%dma_wait3A_249 : memref<16x128xf32, #tpu.memory_space<vmem>>) dst(%dma_wait3A_246 : memref<16x128xf32, #tpu.memory_space<vmem_shared>>)
      } else {
      }
    } else {
    }
    %barrier3A = arith.constant 0 : index
    tpu.barrier barrier_id(%barrier3A)
    %scan3A = arith.constant 0 : i32
    %scan3A_25 = arith.constant 0 : i32
    %scan3A_26 = arith.constant 20 : i32
    %scan3A_27 = arith.addi %scan3A_25, %scan3A_26 : i32
    %scan3A_28 = arith.constant 1 : i32
    scf.for %scan3A_67 = %scan3A_25 to %scan3A_27 step %scan3A_28  : i32 {
      %mul3A_68 = arith.constant 2 : i32
      %mul3A_69 = arith.muli %scan3A_67, %mul3A_68 : i32
      %dma_wait3A = arith.constant 0 : i32
      %dma_wait3A_70 = arith.constant 0 : i32
      %dma_wait3A_71 = tpu.memref_slice %arg7[%dma_wait3A, %dma_wait3A_70] : memref<40x125xi32, #tpu.memory_space<vmem>> -> memref<1x125xi32, #tpu.memory_space<vmem>>
      %dma_wait3A_72 = tpu.memref_squeeze %dma_wait3A_71 : memref<1x125xi32, #tpu.memory_space<vmem>> -> memref<125xi32, #tpu.memory_space<vmem>>
      %dma_wait3A_73 = arith.constant 0 : i32
      %dma_wait3A_74 = arith.constant 0 : i32
      %dma_wait3A_75 = tpu.memref_slice %arg2[%dma_wait3A_73, %dma_wait3A_74] : memref<10000x128xf32, #tpu.memory_space<hbm>> -> memref<10000x128xf32, #tpu.memory_space<hbm>>
      tpu.wait_indirect_dma semaphore(%arg13 : memref<!tpu.dma_semaphore, #tpu.memory_space<semaphore_mem>>) src(%dma_wait3A_75 : memref<10000x128xf32, #tpu.memory_space<hbm>>) dst(%arg9 : memref<125x128xf32, #tpu.memory_space<vmem>>)
      "tpu.region"() ({
        %run_scoped3A = tpu.sem_alloc : memref<!tpu.dma_semaphore, #tpu.memory_space<semaphore_mem>>
        %dma_start3A_98 = arith.constant 0 : i32
        %dma_start3A_99 = tpu.memref_slice %arg8[%mul3A_69, %dma_start3A_98] : memref<40x125xi32, #tpu.memory_space<vmem>> -> memref<1x125xi32, #tpu.memory_space<vmem>>
        %dma_start3A_100 = tpu.memref_squeeze %dma_start3A_99 : memref<1x125xi32, #tpu.memory_space<vmem>> -> memref<125xi32, #tpu.memory_space<vmem>>
        %dma_start3A_101 = arith.constant 0 : i32
        %dma_start3A_102 = arith.constant 0 : i32
        %dma_start3A_103 = tpu.memref_slice %arg12[%dma_start3A_101, %dma_start3A_102] : memref<10000x128xf32, #tpu.memory_space<vmem_shared>> -> memref<10000x128xf32, #tpu.memory_space<vmem_shared>>
        tpu.enqueue_indirect_dma source(%arg9 : memref<125x128xf32, #tpu.memory_space<vmem>>) target(%dma_start3A_103 : memref<10000x128xf32, #tpu.memory_space<vmem_shared>>) offsets(%dma_start3A_100 : memref<125xi32, #tpu.memory_space<vmem>>) semaphore(%run_scoped3A : memref<!tpu.dma_semaphore, #tpu.memory_space<semaphore_mem>>) {add = true}
        %dma_wait3A_104 = arith.constant 0 : i32
        %dma_wait3A_105 = tpu.memref_slice %arg8[%mul3A_69, %dma_wait3A_104] : memref<40x125xi32, #tpu.memory_space<vmem>> -> memref<1x125xi32, #tpu.memory_space<vmem>>
        %dma_wait3A_106 = tpu.memref_squeeze %dma_wait3A_105 : memref<1x125xi32, #tpu.memory_space<vmem>> -> memref<125xi32, #tpu.memory_space<vmem>>
        %dma_wait3A_107 = arith.constant 0 : i32
        %dma_wait3A_108 = arith.constant 0 : i32
        %dma_wait3A_109 = tpu.memref_slice %arg12[%dma_wait3A_107, %dma_wait3A_108] : memref<10000x128xf32, #tpu.memory_space<vmem_shared>> -> memref<10000x128xf32, #tpu.memory_space<vmem_shared>>
        tpu.wait_indirect_dma semaphore(%run_scoped3A : memref<!tpu.dma_semaphore, #tpu.memory_space<semaphore_mem>>) src(%arg9 : memref<125x128xf32, #tpu.memory_space<vmem>>) dst(%dma_wait3A_109 : memref<10000x128xf32, #tpu.memory_space<vmem_shared>>)
        tpu.yield
      }) : () -> ()
      %add3A_76 = arith.constant 2 : i32
      %add3A_77 = arith.addi %mul3A_69, %add3A_76 : i32
      %lt3A = arith.constant 40 : i32
      %lt3A_78 = arith.cmpi slt, %add3A_77, %lt3A : i32
      %convert_element_type3A_79 = arith.extui %lt3A_78 : i1 to i32
      %cond3A_80 = arith.constant 0 : i32
      %cond3A_81 = arith.cmpi ne, %convert_element_type3A_79, %cond3A_80 : i32
      scf.if %cond3A_81 {
        %add3A_98 = arith.constant 2 : i32
        %add3A_99 = arith.addi %mul3A_69, %add3A_98 : i32
        %dma_start3A_100 = arith.constant 0 : i32
        %dma_start3A_101 = tpu.memref_slice %arg7[%add3A_99, %dma_start3A_100] : memref<40x125xi32, #tpu.memory_space<vmem>> -> memref<1x125xi32, #tpu.memory_space<vmem>>
        %dma_start3A_102 = tpu.memref_squeeze %dma_start3A_101 : memref<1x125xi32, #tpu.memory_space<vmem>> -> memref<125xi32, #tpu.memory_space<vmem>>
        %dma_start3A_103 = arith.constant 0 : i32
        %dma_start3A_104 = arith.constant 0 : i32
        %dma_start3A_105 = tpu.memref_slice %arg2[%dma_start3A_103, %dma_start3A_104] : memref<10000x128xf32, #tpu.memory_space<hbm>> -> memref<10000x128xf32, #tpu.memory_space<hbm>>
        tpu.enqueue_indirect_dma source(%dma_start3A_105 : memref<10000x128xf32, #tpu.memory_space<hbm>>) target(%arg9 : memref<125x128xf32, #tpu.memory_space<vmem>>) offsets(%dma_start3A_102 : memref<125xi32, #tpu.memory_space<vmem>>) semaphore(%arg13 : memref<!tpu.dma_semaphore, #tpu.memory_space<semaphore_mem>>)
      } else {
      }
      %dma_wait3A_82 = arith.constant 0 : i32
      %dma_wait3A_83 = arith.constant 0 : i32
      %dma_wait3A_84 = tpu.memref_slice %arg7[%dma_wait3A_82, %dma_wait3A_83] : memref<40x125xi32, #tpu.memory_space<vmem>> -> memref<1x125xi32, #tpu.memory_space<vmem>>
      %dma_wait3A_85 = tpu.memref_squeeze %dma_wait3A_84 : memref<1x125xi32, #tpu.memory_space<vmem>> -> memref<125xi32, #tpu.memory_space<vmem>>
      %dma_wait3A_86 = arith.constant 0 : i32
      %dma_wait3A_87 = arith.constant 0 : i32
      %dma_wait3A_88 = tpu.memref_slice %arg2[%dma_wait3A_86, %dma_wait3A_87] : memref<10000x128xf32, #tpu.memory_space<hbm>> -> memref<10000x128xf32, #tpu.memory_space<hbm>>
      tpu.wait_indirect_dma semaphore(%arg14 : memref<!tpu.dma_semaphore, #tpu.memory_space<semaphore_mem>>) src(%dma_wait3A_88 : memref<10000x128xf32, #tpu.memory_space<hbm>>) dst(%arg10 : memref<125x128xf32, #tpu.memory_space<vmem>>)
      %add3A_89 = arith.constant 1 : i32
      %add3A_90 = arith.addi %mul3A_69, %add3A_89 : i32
      "tpu.region"() ({
        %run_scoped3A = tpu.sem_alloc : memref<!tpu.dma_semaphore, #tpu.memory_space<semaphore_mem>>
        %dma_start3A_98 = arith.constant 0 : i32
        %dma_start3A_99 = tpu.memref_slice %arg8[%add3A_90, %dma_start3A_98] : memref<40x125xi32, #tpu.memory_space<vmem>> -> memref<1x125xi32, #tpu.memory_space<vmem>>
        %dma_start3A_100 = tpu.memref_squeeze %dma_start3A_99 : memref<1x125xi32, #tpu.memory_space<vmem>> -> memref<125xi32, #tpu.memory_space<vmem>>
        %dma_start3A_101 = arith.constant 0 : i32
        %dma_start3A_102 = arith.constant 0 : i32
        %dma_start3A_103 = tpu.memref_slice %arg12[%dma_start3A_101, %dma_start3A_102] : memref<10000x128xf32, #tpu.memory_space<vmem_shared>> -> memref<10000x128xf32, #tpu.memory_space<vmem_shared>>
        tpu.enqueue_indirect_dma source(%arg10 : memref<125x128xf32, #tpu.memory_space<vmem>>) target(%dma_start3A_103 : memref<10000x128xf32, #tpu.memory_space<vmem_shared>>) offsets(%dma_start3A_100 : memref<125xi32, #tpu.memory_space<vmem>>) semaphore(%run_scoped3A : memref<!tpu.dma_semaphore, #tpu.memory_space<semaphore_mem>>) {add = true}
        %dma_wait3A_104 = arith.constant 0 : i32
        %dma_wait3A_105 = tpu.memref_slice %arg8[%add3A_90, %dma_wait3A_104] : memref<40x125xi32, #tpu.memory_space<vmem>> -> memref<1x125xi32, #tpu.memory_space<vmem>>
        %dma_wait3A_106 = tpu.memref_squeeze %dma_wait3A_105 : memref<1x125xi32, #tpu.memory_space<vmem>> -> memref<125xi32, #tpu.memory_space<vmem>>
        %dma_wait3A_107 = arith.constant 0 : i32
        %dma_wait3A_108 = arith.constant 0 : i32
        %dma_wait3A_109 = tpu.memref_slice %arg12[%dma_wait3A_107, %dma_wait3A_108] : memref<10000x128xf32, #tpu.memory_space<vmem_shared>> -> memref<10000x128xf32, #tpu.memory_space<vmem_shared>>
        tpu.wait_indirect_dma semaphore(%run_scoped3A : memref<!tpu.dma_semaphore, #tpu.memory_space<semaphore_mem>>) src(%arg10 : memref<125x128xf32, #tpu.memory_space<vmem>>) dst(%dma_wait3A_109 : memref<10000x128xf32, #tpu.memory_space<vmem_shared>>)
        tpu.yield
      }) : () -> ()
      %add3A_91 = arith.constant 3 : i32
      %add3A_92 = arith.addi %mul3A_69, %add3A_91 : i32
      %lt3A_93 = arith.constant 40 : i32
      %lt3A_94 = arith.cmpi slt, %add3A_92, %lt3A_93 : i32
      %convert_element_type3A_95 = arith.extui %lt3A_94 : i1 to i32
      %cond3A_96 = arith.constant 0 : i32
      %cond3A_97 = arith.cmpi ne, %convert_element_type3A_95, %cond3A_96 : i32
      scf.if %cond3A_97 {
        %add3A_98 = arith.constant 3 : i32
        %add3A_99 = arith.addi %mul3A_69, %add3A_98 : i32
        %dma_start3A_100 = arith.constant 0 : i32
        %dma_start3A_101 = tpu.memref_slice %arg7[%add3A_99, %dma_start3A_100] : memref<40x125xi32, #tpu.memory_space<vmem>> -> memref<1x125xi32, #tpu.memory_space<vmem>>
        %dma_start3A_102 = tpu.memref_squeeze %dma_start3A_101 : memref<1x125xi32, #tpu.memory_space<vmem>> -> memref<125xi32, #tpu.memory_space<vmem>>
        %dma_start3A_103 = arith.constant 0 : i32
        %dma_start3A_104 = arith.constant 0 : i32
        %dma_start3A_105 = tpu.memref_slice %arg2[%dma_start3A_103, %dma_start3A_104] : memref<10000x128xf32, #tpu.memory_space<hbm>> -> memref<10000x128xf32, #tpu.memory_space<hbm>>
        tpu.enqueue_indirect_dma source(%dma_start3A_105 : memref<10000x128xf32, #tpu.memory_space<hbm>>) target(%arg10 : memref<125x128xf32, #tpu.memory_space<vmem>>) offsets(%dma_start3A_102 : memref<125xi32, #tpu.memory_space<vmem>>) semaphore(%arg14 : memref<!tpu.dma_semaphore, #tpu.memory_space<semaphore_mem>>)
      } else {
      }
    }
    %scan3A_29 = arith.constant 20 : i32
    %add3A_30 = arith.constant 40 : i32
    %add3A_31 = arith.addi %mul3A_2, %add3A_30 : i32
    "tpu.region"() ({
      %run_scoped3A = tpu.sem_alloc : memref<!tpu.dma_semaphore, #tpu.memory_space<semaphore_mem>>
      %dma_start3A_67 = arith.constant 0 : i32
      %dma_start3A_68 = tpu.memref_slice %arg3[%add3A_31, %dma_start3A_67] : memref<2560x125xi32, #tpu.memory_space<hbm>> -> memref<40x125xi32, #tpu.memory_space<hbm>>
      %dma_start3A_69 = arith.constant 0 : i32
      %dma_start3A_70 = tpu.memref_slice %arg3[%add3A_31, %dma_start3A_69] : memref<2560x125xi32, #tpu.memory_space<hbm>> -> memref<40x125xi32, #tpu.memory_space<hbm>>
      tpu.enqueue_dma source(%dma_start3A_70 : memref<40x125xi32, #tpu.memory_space<hbm>>) target(%arg7 : memref<40x125xi32, #tpu.memory_space<vmem>>) target_semaphore(%run_scoped3A : memref<!tpu.dma_semaphore, #tpu.memory_space<semaphore_mem>>)
      %dma_wait3A = arith.constant 0 : i32
      %dma_wait3A_71 = tpu.memref_slice %arg3[%add3A_31, %dma_wait3A] : memref<2560x125xi32, #tpu.memory_space<hbm>> -> memref<40x125xi32, #tpu.memory_space<hbm>>
      %dma_wait3A_72 = arith.constant 0 : i32
      %dma_wait3A_73 = tpu.memref_slice %arg3[%add3A_31, %dma_wait3A_72] : memref<2560x125xi32, #tpu.memory_space<hbm>> -> memref<40x125xi32, #tpu.memory_space<hbm>>
      tpu.wait_dma2 semaphore(%run_scoped3A : memref<!tpu.dma_semaphore, #tpu.memory_space<semaphore_mem>>) src(%dma_wait3A_73 : memref<40x125xi32, #tpu.memory_space<hbm>>) dst(%arg7 : memref<40x125xi32, #tpu.memory_space<vmem>>)
      tpu.yield
    }) : () -> ()
    %add3A_32 = arith.constant 40 : i32
    %add3A_33 = arith.addi %mul3A_2, %add3A_32 : i32
    "tpu.region"() ({
      %run_scoped3A = tpu.sem_alloc : memref<!tpu.dma_semaphore, #tpu.memory_space<semaphore_mem>>
      %dma_start3A_67 = arith.constant 0 : i32
      %dma_start3A_68 = tpu.memref_slice %arg4[%add3A_33, %dma_start3A_67] : memref<2560x125xi32, #tpu.memory_space<hbm>> -> memref<40x125xi32, #tpu.memory_space<hbm>>
      %dma_start3A_69 = arith.constant 0 : i32
      %dma_start3A_70 = tpu.memref_slice %arg4[%add3A_33, %dma_start3A_69] : memref<2560x125xi32, #tpu.memory_space<hbm>> -> memref<40x125xi32, #tpu.memory_space<hbm>>
      tpu.enqueue_dma source(%dma_start3A_70 : memref<40x125xi32, #tpu.memory_space<hbm>>) target(%arg8 : memref<40x125xi32, #tpu.memory_space<vmem>>) target_semaphore(%run_scoped3A : memref<!tpu.dma_semaphore, #tpu.memory_space<semaphore_mem>>)
      %dma_wait3A = arith.constant 0 : i32
      %dma_wait3A_71 = tpu.memref_slice %arg4[%add3A_33, %dma_wait3A] : memref<2560x125xi32, #tpu.memory_space<hbm>> -> memref<40x125xi32, #tpu.memory_space<hbm>>
      %dma_wait3A_72 = arith.constant 0 : i32
      %dma_wait3A_73 = tpu.memref_slice %arg4[%add3A_33, %dma_wait3A_72] : memref<2560x125xi32, #tpu.memory_space<hbm>> -> memref<40x125xi32, #tpu.memory_space<hbm>>
      tpu.wait_dma2 semaphore(%run_scoped3A : memref<!tpu.dma_semaphore, #tpu.memory_space<semaphore_mem>>) src(%dma_wait3A_73 : memref<40x125xi32, #tpu.memory_space<hbm>>) dst(%arg8 : memref<40x125xi32, #tpu.memory_space<vmem>>)
      tpu.yield
    }) : () -> ()
    %dma_start3A_34 = arith.constant 0 : i32
    %dma_start3A_35 = arith.constant 0 : i32
    %dma_start3A_36 = tpu.memref_slice %arg7[%dma_start3A_34, %dma_start3A_35] : memref<40x125xi32, #tpu.memory_space<vmem>> -> memref<1x125xi32, #tpu.memory_space<vmem>>
    %dma_start3A_37 = tpu.memref_squeeze %dma_start3A_36 : memref<1x125xi32, #tpu.memory_space<vmem>> -> memref<125xi32, #tpu.memory_space<vmem>>
    %dma_start3A_38 = arith.constant 0 : i32
    %dma_start3A_39 = arith.constant 0 : i32
    %dma_start3A_40 = tpu.memref_slice %arg2[%dma_start3A_38, %dma_start3A_39] : memref<10000x128xf32, #tpu.memory_space<hbm>> -> memref<10000x128xf32, #tpu.memory_space<hbm>>
    tpu.enqueue_indirect_dma source(%dma_start3A_40 : memref<10000x128xf32, #tpu.memory_space<hbm>>) target(%arg9 : memref<125x128xf32, #tpu.memory_space<vmem>>) offsets(%dma_start3A_37 : memref<125xi32, #tpu.memory_space<vmem>>) semaphore(%arg13 : memref<!tpu.dma_semaphore, #tpu.memory_space<semaphore_mem>>)
    %dma_start3A_41 = arith.constant 1 : i32
    %dma_start3A_42 = arith.constant 0 : i32
    %dma_start3A_43 = tpu.memref_slice %arg7[%dma_start3A_41, %dma_start3A_42] : memref<40x125xi32, #tpu.memory_space<vmem>> -> memref<1x125xi32, #tpu.memory_space<vmem>>
    %dma_start3A_44 = tpu.memref_squeeze %dma_start3A_43 : memref<1x125xi32, #tpu.memory_space<vmem>> -> memref<125xi32, #tpu.memory_space<vmem>>
    %dma_start3A_45 = arith.constant 0 : i32
    %dma_start3A_46 = arith.constant 0 : i32
    %dma_start3A_47 = tpu.memref_slice %arg2[%dma_start3A_45, %dma_start3A_46] : memref<10000x128xf32, #tpu.memory_space<hbm>> -> memref<10000x128xf32, #tpu.memory_space<hbm>>
    tpu.enqueue_indirect_dma source(%dma_start3A_47 : memref<10000x128xf32, #tpu.memory_space<hbm>>) target(%arg10 : memref<125x128xf32, #tpu.memory_space<vmem>>) offsets(%dma_start3A_44 : memref<125xi32, #tpu.memory_space<vmem>>) semaphore(%arg14 : memref<!tpu.dma_semaphore, #tpu.memory_space<semaphore_mem>>)
    %scan3A_48 = arith.constant 0 : i32
    %scan3A_49 = arith.constant 0 : i32
    %scan3A_50 = arith.constant 20 : i32
    %scan3A_51 = arith.addi %scan3A_49, %scan3A_50 : i32
    %scan3A_52 = arith.constant 1 : i32
    scf.for %scan3A_67 = %scan3A_49 to %scan3A_51 step %scan3A_52  : i32 {
      %mul3A_68 = arith.constant 2 : i32
      %mul3A_69 = arith.muli %scan3A_67, %mul3A_68 : i32
      %dma_wait3A = arith.constant 0 : i32
      %dma_wait3A_70 = arith.constant 0 : i32
      %dma_wait3A_71 = tpu.memref_slice %arg7[%dma_wait3A, %dma_wait3A_70] : memref<40x125xi32, #tpu.memory_space<vmem>> -> memref<1x125xi32, #tpu.memory_space<vmem>>
      %dma_wait3A_72 = tpu.memref_squeeze %dma_wait3A_71 : memref<1x125xi32, #tpu.memory_space<vmem>> -> memref<125xi32, #tpu.memory_space<vmem>>
      %dma_wait3A_73 = arith.constant 0 : i32
      %dma_wait3A_74 = arith.constant 0 : i32
      %dma_wait3A_75 = tpu.memref_slice %arg2[%dma_wait3A_73, %dma_wait3A_74] : memref<10000x128xf32, #tpu.memory_space<hbm>> -> memref<10000x128xf32, #tpu.memory_space<hbm>>
      tpu.wait_indirect_dma semaphore(%arg13 : memref<!tpu.dma_semaphore, #tpu.memory_space<semaphore_mem>>) src(%dma_wait3A_75 : memref<10000x128xf32, #tpu.memory_space<hbm>>) dst(%arg9 : memref<125x128xf32, #tpu.memory_space<vmem>>)
      "tpu.region"() ({
        %run_scoped3A = tpu.sem_alloc : memref<!tpu.dma_semaphore, #tpu.memory_space<semaphore_mem>>
        %dma_start3A_98 = arith.constant 0 : i32
        %dma_start3A_99 = tpu.memref_slice %arg8[%mul3A_69, %dma_start3A_98] : memref<40x125xi32, #tpu.memory_space<vmem>> -> memref<1x125xi32, #tpu.memory_space<vmem>>
        %dma_start3A_100 = tpu.memref_squeeze %dma_start3A_99 : memref<1x125xi32, #tpu.memory_space<vmem>> -> memref<125xi32, #tpu.memory_space<vmem>>
        %dma_start3A_101 = arith.constant 0 : i32
        %dma_start3A_102 = arith.constant 0 : i32
        %dma_start3A_103 = tpu.memref_slice %arg12[%dma_start3A_101, %dma_start3A_102] : memref<10000x128xf32, #tpu.memory_space<vmem_shared>> -> memref<10000x128xf32, #tpu.memory_space<vmem_shared>>
        tpu.enqueue_indirect_dma source(%arg9 : memref<125x128xf32, #tpu.memory_space<vmem>>) target(%dma_start3A_103 : memref<10000x128xf32, #tpu.memory_space<vmem_shared>>) offsets(%dma_start3A_100 : memref<125xi32, #tpu.memory_space<vmem>>) semaphore(%run_scoped3A : memref<!tpu.dma_semaphore, #tpu.memory_space<semaphore_mem>>) {add = true}
        %dma_wait3A_104 = arith.constant 0 : i32
        %dma_wait3A_105 = tpu.memref_slice %arg8[%mul3A_69, %dma_wait3A_104] : memref<40x125xi32, #tpu.memory_space<vmem>> -> memref<1x125xi32, #tpu.memory_space<vmem>>
        %dma_wait3A_106 = tpu.memref_squeeze %dma_wait3A_105 : memref<1x125xi32, #tpu.memory_space<vmem>> -> memref<125xi32, #tpu.memory_space<vmem>>
        %dma_wait3A_107 = arith.constant 0 : i32
        %dma_wait3A_108 = arith.constant 0 : i32
        %dma_wait3A_109 = tpu.memref_slice %arg12[%dma_wait3A_107, %dma_wait3A_108] : memref<10000x128xf32, #tpu.memory_space<vmem_shared>> -> memref<10000x128xf32, #tpu.memory_space<vmem_shared>>
        tpu.wait_indirect_dma semaphore(%run_scoped3A : memref<!tpu.dma_semaphore, #tpu.memory_space<semaphore_mem>>) src(%arg9 : memref<125x128xf32, #tpu.memory_space<vmem>>) dst(%dma_wait3A_109 : memref<10000x128xf32, #tpu.memory_space<vmem_shared>>)
        tpu.yield
      }) : () -> ()
      %add3A_76 = arith.constant 2 : i32
      %add3A_77 = arith.addi %mul3A_69, %add3A_76 : i32
      %lt3A = arith.constant 40 : i32
      %lt3A_78 = arith.cmpi slt, %add3A_77, %lt3A : i32
      %convert_element_type3A_79 = arith.extui %lt3A_78 : i1 to i32
      %cond3A_80 = arith.constant 0 : i32
      %cond3A_81 = arith.cmpi ne, %convert_element_type3A_79, %cond3A_80 : i32
      scf.if %cond3A_81 {
        %add3A_98 = arith.constant 2 : i32
        %add3A_99 = arith.addi %mul3A_69, %add3A_98 : i32
        %dma_start3A_100 = arith.constant 0 : i32
        %dma_start3A_101 = tpu.memref_slice %arg7[%add3A_99, %dma_start3A_100] : memref<40x125xi32, #tpu.memory_space<vmem>> -> memref<1x125xi32, #tpu.memory_space<vmem>>
        %dma_start3A_102 = tpu.memref_squeeze %dma_start3A_101 : memref<1x125xi32, #tpu.memory_space<vmem>> -> memref<125xi32, #tpu.memory_space<vmem>>
        %dma_start3A_103 = arith.constant 0 : i32
        %dma_start3A_104 = arith.constant 0 : i32
        %dma_start3A_105 = tpu.memref_slice %arg2[%dma_start3A_103, %dma_start3A_104] : memref<10000x128xf32, #tpu.memory_space<hbm>> -> memref<10000x128xf32, #tpu.memory_space<hbm>>
        tpu.enqueue_indirect_dma source(%dma_start3A_105 : memref<10000x128xf32, #tpu.memory_space<hbm>>) target(%arg9 : memref<125x128xf32, #tpu.memory_space<vmem>>) offsets(%dma_start3A_102 : memref<125xi32, #tpu.memory_space<vmem>>) semaphore(%arg13 : memref<!tpu.dma_semaphore, #tpu.memory_space<semaphore_mem>>)
      } else {
      }
      %dma_wait3A_82 = arith.constant 0 : i32
      %dma_wait3A_83 = arith.constant 0 : i32
      %dma_wait3A_84 = tpu.memref_slice %arg7[%dma_wait3A_82, %dma_wait3A_83] : memref<40x125xi32, #tpu.memory_space<vmem>> -> memref<1x125xi32, #tpu.memory_space<vmem>>
      %dma_wait3A_85 = tpu.memref_squeeze %dma_wait3A_84 : memref<1x125xi32, #tpu.memory_space<vmem>> -> memref<125xi32, #tpu.memory_space<vmem>>
      %dma_wait3A_86 = arith.constant 0 : i32
      %dma_wait3A_87 = arith.constant 0 : i32
      %dma_wait3A_88 = tpu.memref_slice %arg2[%dma_wait3A_86, %dma_wait3A_87] : memref<10000x128xf32, #tpu.memory_space<hbm>> -> memref<10000x128xf32, #tpu.memory_space<hbm>>
      tpu.wait_indirect_dma semaphore(%arg14 : memref<!tpu.dma_semaphore, #tpu.memory_space<semaphore_mem>>) src(%dma_wait3A_88 : memref<10000x128xf32, #tpu.memory_space<hbm>>) dst(%arg10 : memref<125x128xf32, #tpu.memory_space<vmem>>)
      %add3A_89 = arith.constant 1 : i32
      %add3A_90 = arith.addi %mul3A_69, %add3A_89 : i32
      "tpu.region"() ({
        %run_scoped3A = tpu.sem_alloc : memref<!tpu.dma_semaphore, #tpu.memory_space<semaphore_mem>>
        %dma_start3A_98 = arith.constant 0 : i32
        %dma_start3A_99 = tpu.memref_slice %arg8[%add3A_90, %dma_start3A_98] : memref<40x125xi32, #tpu.memory_space<vmem>> -> memref<1x125xi32, #tpu.memory_space<vmem>>
        %dma_start3A_100 = tpu.memref_squeeze %dma_start3A_99 : memref<1x125xi32, #tpu.memory_space<vmem>> -> memref<125xi32, #tpu.memory_space<vmem>>
        %dma_start3A_101 = arith.constant 0 : i32
        %dma_start3A_102 = arith.constant 0 : i32
        %dma_start3A_103 = tpu.memref_slice %arg12[%dma_start3A_101, %dma_start3A_102] : memref<10000x128xf32, #tpu.memory_space<vmem_shared>> -> memref<10000x128xf32, #tpu.memory_space<vmem_shared>>
        tpu.enqueue_indirect_dma source(%arg10 : memref<125x128xf32, #tpu.memory_space<vmem>>) target(%dma_start3A_103 : memref<10000x128xf32, #tpu.memory_space<vmem_shared>>) offsets(%dma_start3A_100 : memref<125xi32, #tpu.memory_space<vmem>>) semaphore(%run_scoped3A : memref<!tpu.dma_semaphore, #tpu.memory_space<semaphore_mem>>) {add = true}
        %dma_wait3A_104 = arith.constant 0 : i32
        %dma_wait3A_105 = tpu.memref_slice %arg8[%add3A_90, %dma_wait3A_104] : memref<40x125xi32, #tpu.memory_space<vmem>> -> memref<1x125xi32, #tpu.memory_space<vmem>>
        %dma_wait3A_106 = tpu.memref_squeeze %dma_wait3A_105 : memref<1x125xi32, #tpu.memory_space<vmem>> -> memref<125xi32, #tpu.memory_space<vmem>>
        %dma_wait3A_107 = arith.constant 0 : i32
        %dma_wait3A_108 = arith.constant 0 : i32
        %dma_wait3A_109 = tpu.memref_slice %arg12[%dma_wait3A_107, %dma_wait3A_108] : memref<10000x128xf32, #tpu.memory_space<vmem_shared>> -> memref<10000x128xf32, #tpu.memory_space<vmem_shared>>
        tpu.wait_indirect_dma semaphore(%run_scoped3A : memref<!tpu.dma_semaphore, #tpu.memory_space<semaphore_mem>>) src(%arg10 : memref<125x128xf32, #tpu.memory_space<vmem>>) dst(%dma_wait3A_109 : memref<10000x128xf32, #tpu.memory_space<vmem_shared>>)
        tpu.yield
      }) : () -> ()
      %add3A_91 = arith.constant 3 : i32
      %add3A_92 = arith.addi %mul3A_69, %add3A_91 : i32
      %lt3A_93 = arith.constant 40 : i32
      %lt3A_94 = arith.cmpi slt, %add3A_92, %lt3A_93 : i32
      %convert_element_type3A_95 = arith.extui %lt3A_94 : i1 to i32
      %cond3A_96 = arith.constant 0 : i32
      %cond3A_97 = arith.cmpi ne, %convert_element_type3A_95, %cond3A_96 : i32
      scf.if %cond3A_97 {
        %add3A_98 = arith.constant 3 : i32
        %add3A_99 = arith.addi %mul3A_69, %add3A_98 : i32
        %dma_start3A_100 = arith.constant 0 : i32
        %dma_start3A_101 = tpu.memref_slice %arg7[%add3A_99, %dma_start3A_100] : memref<40x125xi32, #tpu.memory_space<vmem>> -> memref<1x125xi32, #tpu.memory_space<vmem>>
        %dma_start3A_102 = tpu.memref_squeeze %dma_start3A_101 : memref<1x125xi32, #tpu.memory_space<vmem>> -> memref<125xi32, #tpu.memory_space<vmem>>
        %dma_start3A_103 = arith.constant 0 : i32
        %dma_start3A_104 = arith.constant 0 : i32
        %dma_start3A_105 = tpu.memref_slice %arg2[%dma_start3A_103, %dma_start3A_104] : memref<10000x128xf32, #tpu.memory_space<hbm>> -> memref<10000x128xf32, #tpu.memory_space<hbm>>
        tpu.enqueue_indirect_dma source(%dma_start3A_105 : memref<10000x128xf32, #tpu.memory_space<hbm>>) target(%arg10 : memref<125x128xf32, #tpu.memory_space<vmem>>) offsets(%dma_start3A_102 : memref<125xi32, #tpu.memory_space<vmem>>) semaphore(%arg14 : memref<!tpu.dma_semaphore, #tpu.memory_space<semaphore_mem>>)
      } else {
      }
    }
    %scan3A_53 = arith.constant 20 : i32
    %barrier3A_54 = arith.constant 0 : index
    tpu.barrier barrier_id(%barrier3A_54)
    %mul3A_55 = arith.constant 624 : i32
    %mul3A_56 = arith.muli %arg1, %mul3A_55 : i32
    %eq3A_57 = arith.constant 0 : i32
    %eq3A_58 = arith.cmpi eq, %arg0, %eq3A_57 : i32
    %convert_element_type3A_59 = arith.extui %eq3A_58 : i1 to i32
    %cond3A_60 = arith.constant 0 : i32
    %cond3A_61 = arith.cmpi ne, %convert_element_type3A_59, %cond3A_60 : i32
    scf.if %cond3A_61 {
      "tpu.region"() ({
        %run_scoped3A = tpu.sem_alloc : memref<!tpu.dma_semaphore, #tpu.memory_space<semaphore_mem>>
        %dma_start3A_72 = arith.constant 0 : i32
        %dma_start3A_73 = tpu.memref_slice %arg5[%mul3A_56, %dma_start3A_72] : memref<10000x128xf32, #tpu.memory_space<hbm>> -> memref<624x128xf32, #tpu.memory_space<hbm>>
        %dma_start3A_74 = arith.constant 0 : i32
        %dma_start3A_75 = tpu.memref_slice %arg12[%mul3A_56, %dma_start3A_74] : memref<10000x128xf32, #tpu.memory_space<vmem_shared>> -> memref<624x128xf32, #tpu.memory_space<vmem_shared>>
        tpu.enqueue_dma source(%dma_start3A_75 : memref<624x128xf32, #tpu.memory_space<vmem_shared>>) target(%dma_start3A_73 : memref<624x128xf32, #tpu.memory_space<hbm>>) target_semaphore(%run_scoped3A : memref<!tpu.dma_semaphore, #tpu.memory_space<semaphore_mem>>)
        %dma_wait3A = arith.constant 0 : i32
        %dma_wait3A_76 = tpu.memref_slice %arg5[%mul3A_56, %dma_wait3A] : memref<10000x128xf32, #tpu.memory_space<hbm>> -> memref<624x128xf32, #tpu.memory_space<hbm>>
        %dma_wait3A_77 = arith.constant 0 : i32
        %dma_wait3A_78 = tpu.memref_slice %arg12[%mul3A_56, %dma_wait3A_77] : memref<10000x128xf32, #tpu.memory_space<vmem_shared>> -> memref<624x128xf32, #tpu.memory_space<vmem_shared>>
        tpu.wait_dma2 semaphore(%run_scoped3A : memref<!tpu.dma_semaphore, #tpu.memory_space<semaphore_mem>>) src(%dma_wait3A_78 : memref<624x128xf32, #tpu.memory_space<vmem_shared>>) dst(%dma_wait3A_76 : memref<624x128xf32, #tpu.memory_space<hbm>>)
        tpu.yield
      }) : () -> ()
      %eq3A_67 = arith.constant 15 : i32
      %eq3A_68 = arith.cmpi eq, %arg1, %eq3A_67 : i32
      %convert_element_type3A_69 = arith.extui %eq3A_68 : i1 to i32
      %cond3A_70 = arith.constant 0 : i32
      %cond3A_71 = arith.cmpi ne, %convert_element_type3A_69, %cond3A_70 : i32
      scf.if %cond3A_71 {
        "tpu.region"() ({
          %run_scoped3A = tpu.sem_alloc : memref<!tpu.dma_semaphore, #tpu.memory_space<semaphore_mem>>
          %dma_start3A_72 = arith.constant 9984 : i32
          %dma_start3A_73 = arith.constant 0 : i32
          %dma_start3A_74 = tpu.memref_slice %arg5[%dma_start3A_72, %dma_start3A_73] : memref<10000x128xf32, #tpu.memory_space<hbm>> -> memref<16x128xf32, #tpu.memory_space<hbm>>
          %dma_start3A_75 = arith.constant 9984 : i32
          %dma_start3A_76 = arith.constant 0 : i32
          %dma_start3A_77 = tpu.memref_slice %arg12[%dma_start3A_75, %dma_start3A_76] : memref<10000x128xf32, #tpu.memory_space<vmem_shared>> -> memref<16x128xf32, #tpu.memory_space<vmem_shared>>
          tpu.enqueue_dma source(%dma_start3A_77 : memref<16x128xf32, #tpu.memory_space<vmem_shared>>) target(%dma_start3A_74 : memref<16x128xf32, #tpu.memory_space<hbm>>) target_semaphore(%run_scoped3A : memref<!tpu.dma_semaphore, #tpu.memory_space<semaphore_mem>>)
          %dma_wait3A = arith.constant 9984 : i32
          %dma_wait3A_78 = arith.constant 0 : i32
          %dma_wait3A_79 = tpu.memref_slice %arg5[%dma_wait3A, %dma_wait3A_78] : memref<10000x128xf32, #tpu.memory_space<hbm>> -> memref<16x128xf32, #tpu.memory_space<hbm>>
          %dma_wait3A_80 = arith.constant 9984 : i32
          %dma_wait3A_81 = arith.constant 0 : i32
          %dma_wait3A_82 = tpu.memref_slice %arg12[%dma_wait3A_80, %dma_wait3A_81] : memref<10000x128xf32, #tpu.memory_space<vmem_shared>> -> memref<16x128xf32, #tpu.memory_space<vmem_shared>>
          tpu.wait_dma2 semaphore(%run_scoped3A : memref<!tpu.dma_semaphore, #tpu.memory_space<semaphore_mem>>) src(%dma_wait3A_82 : memref<16x128xf32, #tpu.memory_space<vmem_shared>>) dst(%dma_wait3A_79 : memref<16x128xf32, #tpu.memory_space<hbm>>)
          tpu.yield
        }) : () -> ()
      } else {
      }
    } else {
    }
    %eq3A_62 = arith.constant 1 : i32
    %eq3A_63 = arith.cmpi eq, %arg0, %eq3A_62 : i32
    %convert_element_type3A_64 = arith.extui %eq3A_63 : i1 to i32
    %cond3A_65 = arith.constant 0 : i32
    %cond3A_66 = arith.cmpi ne, %convert_element_type3A_64, %cond3A_65 : i32
    scf.if %cond3A_66 {
      "tpu.region"() ({
        %run_scoped3A = tpu.sem_alloc : memref<!tpu.dma_semaphore, #tpu.memory_space<semaphore_mem>>
        %dma_start3A_72 = arith.constant 0 : i32
        %dma_start3A_73 = tpu.memref_slice %arg6[%mul3A_56, %dma_start3A_72] : memref<10000x128xf32, #tpu.memory_space<hbm>> -> memref<624x128xf32, #tpu.memory_space<hbm>>
        %dma_start3A_74 = arith.constant 0 : i32
        %dma_start3A_75 = tpu.memref_slice %arg12[%mul3A_56, %dma_start3A_74] : memref<10000x128xf32, #tpu.memory_space<vmem_shared>> -> memref<624x128xf32, #tpu.memory_space<vmem_shared>>
        tpu.enqueue_dma source(%dma_start3A_75 : memref<624x128xf32, #tpu.memory_space<vmem_shared>>) target(%dma_start3A_73 : memref<624x128xf32, #tpu.memory_space<hbm>>) target_semaphore(%run_scoped3A : memref<!tpu.dma_semaphore, #tpu.memory_space<semaphore_mem>>)
        %dma_wait3A = arith.constant 0 : i32
        %dma_wait3A_76 = tpu.memref_slice %arg6[%mul3A_56, %dma_wait3A] : memref<10000x128xf32, #tpu.memory_space<hbm>> -> memref<624x128xf32, #tpu.memory_space<hbm>>
        %dma_wait3A_77 = arith.constant 0 : i32
        %dma_wait3A_78 = tpu.memref_slice %arg12[%mul3A_56, %dma_wait3A_77] : memref<10000x128xf32, #tpu.memory_space<vmem_shared>> -> memref<624x128xf32, #tpu.memory_space<vmem_shared>>
        tpu.wait_dma2 semaphore(%run_scoped3A : memref<!tpu.dma_semaphore, #tpu.memory_space<semaphore_mem>>) src(%dma_wait3A_78 : memref<624x128xf32, #tpu.memory_space<vmem_shared>>) dst(%dma_wait3A_76 : memref<624x128xf32, #tpu.memory_space<hbm>>)
        tpu.yield
      }) : () -> ()
      %eq3A_67 = arith.constant 15 : i32
      %eq3A_68 = arith.cmpi eq, %arg1, %eq3A_67 : i32
      %convert_element_type3A_69 = arith.extui %eq3A_68 : i1 to i32
      %cond3A_70 = arith.constant 0 : i32
      %cond3A_71 = arith.cmpi ne, %convert_element_type3A_69, %cond3A_70 : i32
      scf.if %cond3A_71 {
        "tpu.region"() ({
          %run_scoped3A = tpu.sem_alloc : memref<!tpu.dma_semaphore, #tpu.memory_space<semaphore_mem>>
          %dma_start3A_72 = arith.constant 9984 : i32
          %dma_start3A_73 = arith.constant 0 : i32
          %dma_start3A_74 = tpu.memref_slice %arg6[%dma_start3A_72, %dma_start3A_73] : memref<10000x128xf32, #tpu.memory_space<hbm>> -> memref<16x128xf32, #tpu.memory_space<hbm>>
          %dma_start3A_75 = arith.constant 9984 : i32
          %dma_start3A_76 = arith.constant 0 : i32
          %dma_start3A_77 = tpu.memref_slice %arg12[%dma_start3A_75, %dma_start3A_76] : memref<10000x128xf32, #tpu.memory_space<vmem_shared>> -> memref<16x128xf32, #tpu.memory_space<vmem_shared>>
          tpu.enqueue_dma source(%dma_start3A_77 : memref<16x128xf32, #tpu.memory_space<vmem_shared>>) target(%dma_start3A_74 : memref<16x128xf32, #tpu.memory_space<hbm>>) target_semaphore(%run_scoped3A : memref<!tpu.dma_semaphore, #tpu.memory_space<semaphore_mem>>)
          %dma_wait3A = arith.constant 9984 : i32
          %dma_wait3A_78 = arith.constant 0 : i32
          %dma_wait3A_79 = tpu.memref_slice %arg6[%dma_wait3A, %dma_wait3A_78] : memref<10000x128xf32, #tpu.memory_space<hbm>> -> memref<16x128xf32, #tpu.memory_space<hbm>>
          %dma_wait3A_80 = arith.constant 9984 : i32
          %dma_wait3A_81 = arith.constant 0 : i32
          %dma_wait3A_82 = tpu.memref_slice %arg12[%dma_wait3A_80, %dma_wait3A_81] : memref<10000x128xf32, #tpu.memory_space<vmem_shared>> -> memref<16x128xf32, #tpu.memory_space<vmem_shared>>
          tpu.wait_dma2 semaphore(%run_scoped3A : memref<!tpu.dma_semaphore, #tpu.memory_space<semaphore_mem>>) src(%dma_wait3A_82 : memref<16x128xf32, #tpu.memory_space<vmem_shared>>) dst(%dma_wait3A_79 : memref<16x128xf32, #tpu.memory_space<hbm>>)
          tpu.yield
        }) : () -> ()
      } else {
      }
    } else {
    }
    return
  }
}

#map = affine_map<(d0, d1) -> (0, 0)>
module attributes {stable_mosaic.version = 14 : i64} {
  func.func @_agg_body(%arg0: i32, %arg1: i32, %arg2: memref<10000x128xf32, #tpu.memory_space<hbm>>, %arg3: memref<2560x125xi32, #tpu.memory_space<hbm>>, %arg4: memref<2560x125xi32, #tpu.memory_space<hbm>>, %arg5: memref<10000x128xf32, #tpu.memory_space<hbm>>, %arg6: memref<10000x128xf32, #tpu.memory_space<hbm>>, %arg7: memref<40x125xi32, #tpu.memory_space<vmem>>, %arg8: memref<40x125xi32, #tpu.memory_space<vmem>>, %arg9: memref<125x128xf32, #tpu.memory_space<vmem>>, %arg10: memref<125x128xf32, #tpu.memory_space<vmem>>, %arg11: memref<48x128xf32, #tpu.memory_space<vmem>>, %arg12: memref<10000x128xf32, #tpu.memory_space<vmem_shared>>, %arg13: memref<!tpu.dma_semaphore, #tpu.memory_space<semaphore_mem>>, %arg14: memref<!tpu.dma_semaphore, #tpu.memory_space<semaphore_mem>>, %arg15: memref<!tpu.dma_semaphore, #tpu.memory_space<semaphore_mem>>) attributes {dimension_semantics = [#tpu.dimension_semantics<core_parallel>, #tpu.dimension_semantics<subcore_parallel>], iteration_bounds = array<i64: 2, 16>, scalar_prefetch = 0 : i64, scratch_operands = 9 : i64, tpu.core_type = #tpu.core_type<sc_vector_subcore>, window_params = [{transform_indices = #map}, {transform_indices = #map}, {transform_indices = #map}, {transform_indices = #map}, {transform_indices = #map}]} {
    %mul3A = arith.constant 2 : i32
    %mul3A_0 = arith.muli %arg1, %mul3A : i32
    %add3A = arith.addi %mul3A_0, %arg0 : i32
    %mul3A_1 = arith.constant 80 : i32
    %mul3A_2 = arith.muli %add3A, %mul3A_1 : i32
    "tpu.region"() ({
      %run_scoped3A = tpu.sem_alloc : memref<!tpu.dma_semaphore, #tpu.memory_space<semaphore_mem>>
      %dma_start3A_67 = arith.constant 0 : i32
      %dma_start3A_68 = tpu.memref_slice %arg3[%mul3A_2, %dma_start3A_67] : memref<2560x125xi32, #tpu.memory_space<hbm>> -> memref<40x125xi32, #tpu.memory_space<hbm>>
      %dma_start3A_69 = arith.constant 0 : i32
      %dma_start3A_70 = tpu.memref_slice %arg3[%mul3A_2, %dma_start3A_69] : memref<2560x125xi32, #tpu.memory_space<hbm>> -> memref<40x125xi32, #tpu.memory_space<hbm>>
      tpu.enqueue_dma source(%dma_start3A_70 : memref<40x125xi32, #tpu.memory_space<hbm>>) target(%arg7 : memref<40x125xi32, #tpu.memory_space<vmem>>) target_semaphore(%run_scoped3A : memref<!tpu.dma_semaphore, #tpu.memory_space<semaphore_mem>>)
      %dma_wait3A = arith.constant 0 : i32
      %dma_wait3A_71 = tpu.memref_slice %arg3[%mul3A_2, %dma_wait3A] : memref<2560x125xi32, #tpu.memory_space<hbm>> -> memref<40x125xi32, #tpu.memory_space<hbm>>
      %dma_wait3A_72 = arith.constant 0 : i32
      %dma_wait3A_73 = tpu.memref_slice %arg3[%mul3A_2, %dma_wait3A_72] : memref<2560x125xi32, #tpu.memory_space<hbm>> -> memref<40x125xi32, #tpu.memory_space<hbm>>
      tpu.wait_dma2 semaphore(%run_scoped3A : memref<!tpu.dma_semaphore, #tpu.memory_space<semaphore_mem>>) src(%dma_wait3A_73 : memref<40x125xi32, #tpu.memory_space<hbm>>) dst(%arg7 : memref<40x125xi32, #tpu.memory_space<vmem>>)
      tpu.yield
    }) : () -> ()
    "tpu.region"() ({
      %run_scoped3A = tpu.sem_alloc : memref<!tpu.dma_semaphore, #tpu.memory_space<semaphore_mem>>
      %dma_start3A_67 = arith.constant 0 : i32
      %dma_start3A_68 = tpu.memref_slice %arg4[%mul3A_2, %dma_start3A_67] : memref<2560x125xi32, #tpu.memory_space<hbm>> -> memref<40x125xi32, #tpu.memory_space<hbm>>
      %dma_start3A_69 = arith.constant 0 : i32
      %dma_start3A_70 = tpu.memref_slice %arg4[%mul3A_2, %dma_start3A_69] : memref<2560x125xi32, #tpu.memory_space<hbm>> -> memref<40x125xi32, #tpu.memory_space<hbm>>
      tpu.enqueue_dma source(%dma_start3A_70 : memref<40x125xi32, #tpu.memory_space<hbm>>) target(%arg8 : memref<40x125xi32, #tpu.memory_space<vmem>>) target_semaphore(%run_scoped3A : memref<!tpu.dma_semaphore, #tpu.memory_space<semaphore_mem>>)
      %dma_wait3A = arith.constant 0 : i32
      %dma_wait3A_71 = tpu.memref_slice %arg4[%mul3A_2, %dma_wait3A] : memref<2560x125xi32, #tpu.memory_space<hbm>> -> memref<40x125xi32, #tpu.memory_space<hbm>>
      %dma_wait3A_72 = arith.constant 0 : i32
      %dma_wait3A_73 = tpu.memref_slice %arg4[%mul3A_2, %dma_wait3A_72] : memref<2560x125xi32, #tpu.memory_space<hbm>> -> memref<40x125xi32, #tpu.memory_space<hbm>>
      tpu.wait_dma2 semaphore(%run_scoped3A : memref<!tpu.dma_semaphore, #tpu.memory_space<semaphore_mem>>) src(%dma_wait3A_73 : memref<40x125xi32, #tpu.memory_space<hbm>>) dst(%arg8 : memref<40x125xi32, #tpu.memory_space<vmem>>)
      tpu.yield
    }) : () -> ()
    %dma_start3A = arith.constant 0 : i32
    %dma_start3A_3 = arith.constant 0 : i32
    %dma_start3A_4 = tpu.memref_slice %arg7[%dma_start3A, %dma_start3A_3] : memref<40x125xi32, #tpu.memory_space<vmem>> -> memref<1x125xi32, #tpu.memory_space<vmem>>
    %dma_start3A_5 = tpu.memref_squeeze %dma_start3A_4 : memref<1x125xi32, #tpu.memory_space<vmem>> -> memref<125xi32, #tpu.memory_space<vmem>>
    %dma_start3A_6 = arith.constant 0 : i32
    %dma_start3A_7 = arith.constant 0 : i32
    %dma_start3A_8 = tpu.memref_slice %arg2[%dma_start3A_6, %dma_start3A_7] : memref<10000x128xf32, #tpu.memory_space<hbm>> -> memref<10000x128xf32, #tpu.memory_space<hbm>>
    tpu.enqueue_indirect_dma source(%dma_start3A_8 : memref<10000x128xf32, #tpu.memory_space<hbm>>) target(%arg9 : memref<125x128xf32, #tpu.memory_space<vmem>>) offsets(%dma_start3A_5 : memref<125xi32, #tpu.memory_space<vmem>>) semaphore(%arg13 : memref<!tpu.dma_semaphore, #tpu.memory_space<semaphore_mem>>)
    %dma_start3A_9 = arith.constant 1 : i32
    %dma_start3A_10 = arith.constant 0 : i32
    %dma_start3A_11 = tpu.memref_slice %arg7[%dma_start3A_9, %dma_start3A_10] : memref<40x125xi32, #tpu.memory_space<vmem>> -> memref<1x125xi32, #tpu.memory_space<vmem>>
    %dma_start3A_12 = tpu.memref_squeeze %dma_start3A_11 : memref<1x125xi32, #tpu.memory_space<vmem>> -> memref<125xi32, #tpu.memory_space<vmem>>
    %dma_start3A_13 = arith.constant 0 : i32
    %dma_start3A_14 = arith.constant 0 : i32
    %dma_start3A_15 = tpu.memref_slice %arg2[%dma_start3A_13, %dma_start3A_14] : memref<10000x128xf32, #tpu.memory_space<hbm>> -> memref<10000x128xf32, #tpu.memory_space<hbm>>
    tpu.enqueue_indirect_dma source(%dma_start3A_15 : memref<10000x128xf32, #tpu.memory_space<hbm>>) target(%arg10 : memref<125x128xf32, #tpu.memory_space<vmem>>) offsets(%dma_start3A_12 : memref<125xi32, #tpu.memory_space<vmem>>) semaphore(%arg14 : memref<!tpu.dma_semaphore, #tpu.memory_space<semaphore_mem>>)
    %mul3A_16 = arith.constant 624 : i32
    %mul3A_17 = arith.muli %arg1, %mul3A_16 : i32
    %eq3A = arith.constant 0 : i32
    %eq3A_18 = arith.cmpi eq, %arg0, %eq3A : i32
    %convert_element_type3A = arith.extui %eq3A_18 : i1 to i32
    %cond3A = arith.constant 0 : i32
    %cond3A_19 = arith.cmpi ne, %convert_element_type3A, %cond3A : i32
    scf.if %cond3A_19 {
      %add3A_67 = arith.constant 0 : i32
      %add3A_68 = arith.addi %mul3A_17, %add3A_67 : i32
      %add3A_69 = arith.constant 0 : i32
      %add3A_70 = arith.addi %mul3A_17, %add3A_69 : i32
      %dma_start3A_71 = arith.constant 0 : i32
      %dma_start3A_72 = tpu.memref_slice %arg12[%add3A_70, %dma_start3A_71] : memref<10000x128xf32, #tpu.memory_space<vmem_shared>> -> memref<104x128xf32, #tpu.memory_space<vmem_shared>>
      %dma_start3A_73 = arith.constant 0 : i32
      %dma_start3A_74 = tpu.memref_slice %arg2[%add3A_68, %dma_start3A_73] : memref<10000x128xf32, #tpu.memory_space<hbm>> -> memref<104x128xf32, #tpu.memory_space<hbm>>
      tpu.enqueue_dma source(%dma_start3A_74 : memref<104x128xf32, #tpu.memory_space<hbm>>) target(%dma_start3A_72 : memref<104x128xf32, #tpu.memory_space<vmem_shared>>) target_semaphore(%arg15 : memref<!tpu.dma_semaphore, #tpu.memory_space<semaphore_mem>>)
      %add3A_75 = arith.constant 104 : i32
      %add3A_76 = arith.addi %mul3A_17, %add3A_75 : i32
      %add3A_77 = arith.constant 104 : i32
      %add3A_78 = arith.addi %mul3A_17, %add3A_77 : i32
      %dma_start3A_79 = arith.constant 0 : i32
      %dma_start3A_80 = tpu.memref_slice %arg12[%add3A_78, %dma_start3A_79] : memref<10000x128xf32, #tpu.memory_space<vmem_shared>> -> memref<104x128xf32, #tpu.memory_space<vmem_shared>>
      %dma_start3A_81 = arith.constant 0 : i32
      %dma_start3A_82 = tpu.memref_slice %arg2[%add3A_76, %dma_start3A_81] : memref<10000x128xf32, #tpu.memory_space<hbm>> -> memref<104x128xf32, #tpu.memory_space<hbm>>
      tpu.enqueue_dma source(%dma_start3A_82 : memref<104x128xf32, #tpu.memory_space<hbm>>) target(%dma_start3A_80 : memref<104x128xf32, #tpu.memory_space<vmem_shared>>) target_semaphore(%arg15 : memref<!tpu.dma_semaphore, #tpu.memory_space<semaphore_mem>>)
      %add3A_83 = arith.constant 208 : i32
      %add3A_84 = arith.addi %mul3A_17, %add3A_83 : i32
      %add3A_85 = arith.constant 208 : i32
      %add3A_86 = arith.addi %mul3A_17, %add3A_85 : i32
      %dma_start3A_87 = arith.constant 0 : i32
      %dma_start3A_88 = tpu.memref_slice %arg12[%add3A_86, %dma_start3A_87] : memref<10000x128xf32, #tpu.memory_space<vmem_shared>> -> memref<104x128xf32, #tpu.memory_space<vmem_shared>>
      %dma_start3A_89 = arith.constant 0 : i32
      %dma_start3A_90 = tpu.memref_slice %arg2[%add3A_84, %dma_start3A_89] : memref<10000x128xf32, #tpu.memory_space<hbm>> -> memref<104x128xf32, #tpu.memory_space<hbm>>
      tpu.enqueue_dma source(%dma_start3A_90 : memref<104x128xf32, #tpu.memory_space<hbm>>) target(%dma_start3A_88 : memref<104x128xf32, #tpu.memory_space<vmem_shared>>) target_semaphore(%arg15 : memref<!tpu.dma_semaphore, #tpu.memory_space<semaphore_mem>>)
      %add3A_91 = arith.constant 312 : i32
      %add3A_92 = arith.addi %mul3A_17, %add3A_91 : i32
      %add3A_93 = arith.constant 312 : i32
      %add3A_94 = arith.addi %mul3A_17, %add3A_93 : i32
      %dma_start3A_95 = arith.constant 0 : i32
      %dma_start3A_96 = tpu.memref_slice %arg12[%add3A_94, %dma_start3A_95] : memref<10000x128xf32, #tpu.memory_space<vmem_shared>> -> memref<104x128xf32, #tpu.memory_space<vmem_shared>>
      %dma_start3A_97 = arith.constant 0 : i32
      %dma_start3A_98 = tpu.memref_slice %arg2[%add3A_92, %dma_start3A_97] : memref<10000x128xf32, #tpu.memory_space<hbm>> -> memref<104x128xf32, #tpu.memory_space<hbm>>
      tpu.enqueue_dma source(%dma_start3A_98 : memref<104x128xf32, #tpu.memory_space<hbm>>) target(%dma_start3A_96 : memref<104x128xf32, #tpu.memory_space<vmem_shared>>) target_semaphore(%arg15 : memref<!tpu.dma_semaphore, #tpu.memory_space<semaphore_mem>>)
      %add3A_99 = arith.constant 416 : i32
      %add3A_100 = arith.addi %mul3A_17, %add3A_99 : i32
      %add3A_101 = arith.constant 416 : i32
      %add3A_102 = arith.addi %mul3A_17, %add3A_101 : i32
      %dma_start3A_103 = arith.constant 0 : i32
      %dma_start3A_104 = tpu.memref_slice %arg12[%add3A_102, %dma_start3A_103] : memref<10000x128xf32, #tpu.memory_space<vmem_shared>> -> memref<104x128xf32, #tpu.memory_space<vmem_shared>>
      %dma_start3A_105 = arith.constant 0 : i32
      %dma_start3A_106 = tpu.memref_slice %arg2[%add3A_100, %dma_start3A_105] : memref<10000x128xf32, #tpu.memory_space<hbm>> -> memref<104x128xf32, #tpu.memory_space<hbm>>
      tpu.enqueue_dma source(%dma_start3A_106 : memref<104x128xf32, #tpu.memory_space<hbm>>) target(%dma_start3A_104 : memref<104x128xf32, #tpu.memory_space<vmem_shared>>) target_semaphore(%arg15 : memref<!tpu.dma_semaphore, #tpu.memory_space<semaphore_mem>>)
      %add3A_107 = arith.constant 520 : i32
      %add3A_108 = arith.addi %mul3A_17, %add3A_107 : i32
      %add3A_109 = arith.constant 520 : i32
      %add3A_110 = arith.addi %mul3A_17, %add3A_109 : i32
      %dma_start3A_111 = arith.constant 0 : i32
      %dma_start3A_112 = tpu.memref_slice %arg12[%add3A_110, %dma_start3A_111] : memref<10000x128xf32, #tpu.memory_space<vmem_shared>> -> memref<104x128xf32, #tpu.memory_space<vmem_shared>>
      %dma_start3A_113 = arith.constant 0 : i32
      %dma_start3A_114 = tpu.memref_slice %arg2[%add3A_108, %dma_start3A_113] : memref<10000x128xf32, #tpu.memory_space<hbm>> -> memref<104x128xf32, #tpu.memory_space<hbm>>
      tpu.enqueue_dma source(%dma_start3A_114 : memref<104x128xf32, #tpu.memory_space<hbm>>) target(%dma_start3A_112 : memref<104x128xf32, #tpu.memory_space<vmem_shared>>) target_semaphore(%arg15 : memref<!tpu.dma_semaphore, #tpu.memory_space<semaphore_mem>>)
      %eq3A_115 = arith.constant 15 : i32
      %eq3A_116 = arith.cmpi eq, %arg1, %eq3A_115 : i32
      %convert_element_type3A_117 = arith.extui %eq3A_116 : i1 to i32
      %cond3A_118 = arith.constant 0 : i32
      %cond3A_119 = arith.cmpi ne, %convert_element_type3A_117, %cond3A_118 : i32
      scf.if %cond3A_119 {
        %dma_start3A_172 = arith.constant 9984 : i32
        %dma_start3A_173 = arith.constant 0 : i32
        %dma_start3A_174 = tpu.memref_slice %arg12[%dma_start3A_172, %dma_start3A_173] : memref<10000x128xf32, #tpu.memory_space<vmem_shared>> -> memref<16x128xf32, #tpu.memory_space<vmem_shared>>
        %dma_start3A_175 = arith.constant 9984 : i32
        %dma_start3A_176 = arith.constant 0 : i32
        %dma_start3A_177 = tpu.memref_slice %arg2[%dma_start3A_175, %dma_start3A_176] : memref<10000x128xf32, #tpu.memory_space<hbm>> -> memref<16x128xf32, #tpu.memory_space<hbm>>
        tpu.enqueue_dma source(%dma_start3A_177 : memref<16x128xf32, #tpu.memory_space<hbm>>) target(%dma_start3A_174 : memref<16x128xf32, #tpu.memory_space<vmem_shared>>) target_semaphore(%arg15 : memref<!tpu.dma_semaphore, #tpu.memory_space<semaphore_mem>>)
      } else {
      }
      %add3A_120 = arith.constant 0 : i32
      %add3A_121 = arith.addi %mul3A_17, %add3A_120 : i32
      %add3A_122 = arith.constant 0 : i32
      %add3A_123 = arith.addi %mul3A_17, %add3A_122 : i32
      %dma_wait3A = arith.constant 0 : i32
      %dma_wait3A_124 = tpu.memref_slice %arg12[%add3A_123, %dma_wait3A] : memref<10000x128xf32, #tpu.memory_space<vmem_shared>> -> memref<104x128xf32, #tpu.memory_space<vmem_shared>>
      %dma_wait3A_125 = arith.constant 0 : i32
      %dma_wait3A_126 = tpu.memref_slice %arg2[%add3A_121, %dma_wait3A_125] : memref<10000x128xf32, #tpu.memory_space<hbm>> -> memref<104x128xf32, #tpu.memory_space<hbm>>
      tpu.wait_dma2 semaphore(%arg15 : memref<!tpu.dma_semaphore, #tpu.memory_space<semaphore_mem>>) src(%dma_wait3A_126 : memref<104x128xf32, #tpu.memory_space<hbm>>) dst(%dma_wait3A_124 : memref<104x128xf32, #tpu.memory_space<vmem_shared>>)
      %add3A_127 = arith.constant 104 : i32
      %add3A_128 = arith.addi %mul3A_17, %add3A_127 : i32
      %add3A_129 = arith.constant 104 : i32
      %add3A_130 = arith.addi %mul3A_17, %add3A_129 : i32
      %dma_wait3A_131 = arith.constant 0 : i32
      %dma_wait3A_132 = tpu.memref_slice %arg12[%add3A_130, %dma_wait3A_131] : memref<10000x128xf32, #tpu.memory_space<vmem_shared>> -> memref<104x128xf32, #tpu.memory_space<vmem_shared>>
      %dma_wait3A_133 = arith.constant 0 : i32
      %dma_wait3A_134 = tpu.memref_slice %arg2[%add3A_128, %dma_wait3A_133] : memref<10000x128xf32, #tpu.memory_space<hbm>> -> memref<104x128xf32, #tpu.memory_space<hbm>>
      tpu.wait_dma2 semaphore(%arg15 : memref<!tpu.dma_semaphore, #tpu.memory_space<semaphore_mem>>) src(%dma_wait3A_134 : memref<104x128xf32, #tpu.memory_space<hbm>>) dst(%dma_wait3A_132 : memref<104x128xf32, #tpu.memory_space<vmem_shared>>)
      %add3A_135 = arith.constant 208 : i32
      %add3A_136 = arith.addi %mul3A_17, %add3A_135 : i32
      %add3A_137 = arith.constant 208 : i32
      %add3A_138 = arith.addi %mul3A_17, %add3A_137 : i32
      %dma_wait3A_139 = arith.constant 0 : i32
      %dma_wait3A_140 = tpu.memref_slice %arg12[%add3A_138, %dma_wait3A_139] : memref<10000x128xf32, #tpu.memory_space<vmem_shared>> -> memref<104x128xf32, #tpu.memory_space<vmem_shared>>
      %dma_wait3A_141 = arith.constant 0 : i32
      %dma_wait3A_142 = tpu.memref_slice %arg2[%add3A_136, %dma_wait3A_141] : memref<10000x128xf32, #tpu.memory_space<hbm>> -> memref<104x128xf32, #tpu.memory_space<hbm>>
      tpu.wait_dma2 semaphore(%arg15 : memref<!tpu.dma_semaphore, #tpu.memory_space<semaphore_mem>>) src(%dma_wait3A_142 : memref<104x128xf32, #tpu.memory_space<hbm>>) dst(%dma_wait3A_140 : memref<104x128xf32, #tpu.memory_space<vmem_shared>>)
      %add3A_143 = arith.constant 312 : i32
      %add3A_144 = arith.addi %mul3A_17, %add3A_143 : i32
      %add3A_145 = arith.constant 312 : i32
      %add3A_146 = arith.addi %mul3A_17, %add3A_145 : i32
      %dma_wait3A_147 = arith.constant 0 : i32
      %dma_wait3A_148 = tpu.memref_slice %arg12[%add3A_146, %dma_wait3A_147] : memref<10000x128xf32, #tpu.memory_space<vmem_shared>> -> memref<104x128xf32, #tpu.memory_space<vmem_shared>>
      %dma_wait3A_149 = arith.constant 0 : i32
      %dma_wait3A_150 = tpu.memref_slice %arg2[%add3A_144, %dma_wait3A_149] : memref<10000x128xf32, #tpu.memory_space<hbm>> -> memref<104x128xf32, #tpu.memory_space<hbm>>
      tpu.wait_dma2 semaphore(%arg15 : memref<!tpu.dma_semaphore, #tpu.memory_space<semaphore_mem>>) src(%dma_wait3A_150 : memref<104x128xf32, #tpu.memory_space<hbm>>) dst(%dma_wait3A_148 : memref<104x128xf32, #tpu.memory_space<vmem_shared>>)
      %add3A_151 = arith.constant 416 : i32
      %add3A_152 = arith.addi %mul3A_17, %add3A_151 : i32
      %add3A_153 = arith.constant 416 : i32
      %add3A_154 = arith.addi %mul3A_17, %add3A_153 : i32
      %dma_wait3A_155 = arith.constant 0 : i32
      %dma_wait3A_156 = tpu.memref_slice %arg12[%add3A_154, %dma_wait3A_155] : memref<10000x128xf32, #tpu.memory_space<vmem_shared>> -> memref<104x128xf32, #tpu.memory_space<vmem_shared>>
      %dma_wait3A_157 = arith.constant 0 : i32
      %dma_wait3A_158 = tpu.memref_slice %arg2[%add3A_152, %dma_wait3A_157] : memref<10000x128xf32, #tpu.memory_space<hbm>> -> memref<104x128xf32, #tpu.memory_space<hbm>>
      tpu.wait_dma2 semaphore(%arg15 : memref<!tpu.dma_semaphore, #tpu.memory_space<semaphore_mem>>) src(%dma_wait3A_158 : memref<104x128xf32, #tpu.memory_space<hbm>>) dst(%dma_wait3A_156 : memref<104x128xf32, #tpu.memory_space<vmem_shared>>)
      %add3A_159 = arith.constant 520 : i32
      %add3A_160 = arith.addi %mul3A_17, %add3A_159 : i32
      %add3A_161 = arith.constant 520 : i32
      %add3A_162 = arith.addi %mul3A_17, %add3A_161 : i32
      %dma_wait3A_163 = arith.constant 0 : i32
      %dma_wait3A_164 = tpu.memref_slice %arg12[%add3A_162, %dma_wait3A_163] : memref<10000x128xf32, #tpu.memory_space<vmem_shared>> -> memref<104x128xf32, #tpu.memory_space<vmem_shared>>
      %dma_wait3A_165 = arith.constant 0 : i32
      %dma_wait3A_166 = tpu.memref_slice %arg2[%add3A_160, %dma_wait3A_165] : memref<10000x128xf32, #tpu.memory_space<hbm>> -> memref<104x128xf32, #tpu.memory_space<hbm>>
      tpu.wait_dma2 semaphore(%arg15 : memref<!tpu.dma_semaphore, #tpu.memory_space<semaphore_mem>>) src(%dma_wait3A_166 : memref<104x128xf32, #tpu.memory_space<hbm>>) dst(%dma_wait3A_164 : memref<104x128xf32, #tpu.memory_space<vmem_shared>>)
      %eq3A_167 = arith.constant 15 : i32
      %eq3A_168 = arith.cmpi eq, %arg1, %eq3A_167 : i32
      %convert_element_type3A_169 = arith.extui %eq3A_168 : i1 to i32
      %cond3A_170 = arith.constant 0 : i32
      %cond3A_171 = arith.cmpi ne, %convert_element_type3A_169, %cond3A_170 : i32
      scf.if %cond3A_171 {
        %dma_wait3A_172 = arith.constant 9984 : i32
        %dma_wait3A_173 = arith.constant 0 : i32
        %dma_wait3A_174 = tpu.memref_slice %arg12[%dma_wait3A_172, %dma_wait3A_173] : memref<10000x128xf32, #tpu.memory_space<vmem_shared>> -> memref<16x128xf32, #tpu.memory_space<vmem_shared>>
        %dma_wait3A_175 = arith.constant 9984 : i32
        %dma_wait3A_176 = arith.constant 0 : i32
        %dma_wait3A_177 = tpu.memref_slice %arg2[%dma_wait3A_175, %dma_wait3A_176] : memref<10000x128xf32, #tpu.memory_space<hbm>> -> memref<16x128xf32, #tpu.memory_space<hbm>>
        tpu.wait_dma2 semaphore(%arg15 : memref<!tpu.dma_semaphore, #tpu.memory_space<semaphore_mem>>) src(%dma_wait3A_177 : memref<16x128xf32, #tpu.memory_space<hbm>>) dst(%dma_wait3A_174 : memref<16x128xf32, #tpu.memory_space<vmem_shared>>)
      } else {
      }
    } else {
    }
    %eq3A_20 = arith.constant 1 : i32
    %eq3A_21 = arith.cmpi eq, %arg0, %eq3A_20 : i32
    %convert_element_type3A_22 = arith.extui %eq3A_21 : i1 to i32
    %cond3A_23 = arith.constant 0 : i32
    %cond3A_24 = arith.cmpi ne, %convert_element_type3A_22, %cond3A_23 : i32
    scf.if %cond3A_24 {
      %scan3A_67 = arith.constant 0 : i32
      %scan3A_68 = arith.constant 0 : i32
      %scan3A_69 = arith.constant 48 : i32
      %scan3A_70 = arith.addi %scan3A_68, %scan3A_69 : i32
      %scan3A_71 = arith.constant 1 : i32
      scf.for %scan3A_238 = %scan3A_68 to %scan3A_70 step %scan3A_71  : i32 {
        %broadcast_in_dim3A = arith.constant 0.000000e+00 : f32
        %broadcast_in_dim3A_239 = vector.broadcast %broadcast_in_dim3A : f32 to vector<16xf32>
        %swap3A = arith.index_cast %scan3A_238 : i32 to index
        %swap3A_240 = arith.constant 0 : index
        %swap3A_241 = tpu.vector_load %arg11[%swap3A, %swap3A_240] {strides = array<i32>} : memref<48x128xf32, #tpu.memory_space<vmem>>, vector<1x16xf32>,
        %swap3A_242 = vector.shape_cast %swap3A_241 : vector<1x16xf32> to vector<16xf32>
        %swap3A_243 = vector.shape_cast %broadcast_in_dim3A_239 : vector<16xf32> to vector<1x16xf32>
        tpu.vector_store %arg11[%swap3A, %swap3A_240], %swap3A_243 {strides = array<i32>} : memref<48x128xf32, #tpu.memory_space<vmem>>, vector<1x16xf32>,
        %broadcast_in_dim3A_244 = arith.constant 0.000000e+00 : f32
        %broadcast_in_dim3A_245 = vector.broadcast %broadcast_in_dim3A_244 : f32 to vector<16xf32>
        %swap3A_246 = arith.index_cast %scan3A_238 : i32 to index
        %swap3A_247 = arith.constant 16 : index
        %swap3A_248 = tpu.vector_load %arg11[%swap3A_246, %swap3A_247] {strides = array<i32>} : memref<48x128xf32, #tpu.memory_space<vmem>>, vector<1x16xf32>,
        %swap3A_249 = vector.shape_cast %swap3A_248 : vector<1x16xf32> to vector<16xf32>
        %swap3A_250 = vector.shape_cast %broadcast_in_dim3A_245 : vector<16xf32> to vector<1x16xf32>
        tpu.vector_store %arg11[%swap3A_246, %swap3A_247], %swap3A_250 {strides = array<i32>} : memref<48x128xf32, #tpu.memory_space<vmem>>, vector<1x16xf32>,
        %broadcast_in_dim3A_251 = arith.constant 0.000000e+00 : f32
        %broadcast_in_dim3A_252 = vector.broadcast %broadcast_in_dim3A_251 : f32 to vector<16xf32>
        %swap3A_253 = arith.index_cast %scan3A_238 : i32 to index
        %swap3A_254 = arith.constant 32 : index
        %swap3A_255 = tpu.vector_load %arg11[%swap3A_253, %swap3A_254] {strides = array<i32>} : memref<48x128xf32, #tpu.memory_space<vmem>>, vector<1x16xf32>,
        %swap3A_256 = vector.shape_cast %swap3A_255 : vector<1x16xf32> to vector<16xf32>
        %swap3A_257 = vector.shape_cast %broadcast_in_dim3A_252 : vector<16xf32> to vector<1x16xf32>
        tpu.vector_store %arg11[%swap3A_253, %swap3A_254], %swap3A_257 {strides = array<i32>} : memref<48x128xf32, #tpu.memory_space<vmem>>, vector<1x16xf32>,
        %broadcast_in_dim3A_258 = arith.constant 0.000000e+00 : f32
        %broadcast_in_dim3A_259 = vector.broadcast %broadcast_in_dim3A_258 : f32 to vector<16xf32>
        %swap3A_260 = arith.index_cast %scan3A_238 : i32 to index
        %swap3A_261 = arith.constant 48 : index
        %swap3A_262 = tpu.vector_load %arg11[%swap3A_260, %swap3A_261] {strides = array<i32>} : memref<48x128xf32, #tpu.memory_space<vmem>>, vector<1x16xf32>,
        %swap3A_263 = vector.shape_cast %swap3A_262 : vector<1x16xf32> to vector<16xf32>
        %swap3A_264 = vector.shape_cast %broadcast_in_dim3A_259 : vector<16xf32> to vector<1x16xf32>
        tpu.vector_store %arg11[%swap3A_260, %swap3A_261], %swap3A_264 {strides = array<i32>} : memref<48x128xf32, #tpu.memory_space<vmem>>, vector<1x16xf32>,
        %broadcast_in_dim3A_265 = arith.constant 0.000000e+00 : f32
        %broadcast_in_dim3A_266 = vector.broadcast %broadcast_in_dim3A_265 : f32 to vector<16xf32>
        %swap3A_267 = arith.index_cast %scan3A_238 : i32 to index
        %swap3A_268 = arith.constant 64 : index
        %swap3A_269 = tpu.vector_load %arg11[%swap3A_267, %swap3A_268] {strides = array<i32>} : memref<48x128xf32, #tpu.memory_space<vmem>>, vector<1x16xf32>,
        %swap3A_270 = vector.shape_cast %swap3A_269 : vector<1x16xf32> to vector<16xf32>
        %swap3A_271 = vector.shape_cast %broadcast_in_dim3A_266 : vector<16xf32> to vector<1x16xf32>
        tpu.vector_store %arg11[%swap3A_267, %swap3A_268], %swap3A_271 {strides = array<i32>} : memref<48x128xf32, #tpu.memory_space<vmem>>, vector<1x16xf32>,
        %broadcast_in_dim3A_272 = arith.constant 0.000000e+00 : f32
        %broadcast_in_dim3A_273 = vector.broadcast %broadcast_in_dim3A_272 : f32 to vector<16xf32>
        %swap3A_274 = arith.index_cast %scan3A_238 : i32 to index
        %swap3A_275 = arith.constant 80 : index
        %swap3A_276 = tpu.vector_load %arg11[%swap3A_274, %swap3A_275] {strides = array<i32>} : memref<48x128xf32, #tpu.memory_space<vmem>>, vector<1x16xf32>,
        %swap3A_277 = vector.shape_cast %swap3A_276 : vector<1x16xf32> to vector<16xf32>
        %swap3A_278 = vector.shape_cast %broadcast_in_dim3A_273 : vector<16xf32> to vector<1x16xf32>
        tpu.vector_store %arg11[%swap3A_274, %swap3A_275], %swap3A_278 {strides = array<i32>} : memref<48x128xf32, #tpu.memory_space<vmem>>, vector<1x16xf32>,
        %broadcast_in_dim3A_279 = arith.constant 0.000000e+00 : f32
        %broadcast_in_dim3A_280 = vector.broadcast %broadcast_in_dim3A_279 : f32 to vector<16xf32>
        %swap3A_281 = arith.index_cast %scan3A_238 : i32 to index
        %swap3A_282 = arith.constant 96 : index
        %swap3A_283 = tpu.vector_load %arg11[%swap3A_281, %swap3A_282] {strides = array<i32>} : memref<48x128xf32, #tpu.memory_space<vmem>>, vector<1x16xf32>,
        %swap3A_284 = vector.shape_cast %swap3A_283 : vector<1x16xf32> to vector<16xf32>
        %swap3A_285 = vector.shape_cast %broadcast_in_dim3A_280 : vector<16xf32> to vector<1x16xf32>
        tpu.vector_store %arg11[%swap3A_281, %swap3A_282], %swap3A_285 {strides = array<i32>} : memref<48x128xf32, #tpu.memory_space<vmem>>, vector<1x16xf32>,
        %broadcast_in_dim3A_286 = arith.constant 0.000000e+00 : f32
        %broadcast_in_dim3A_287 = vector.broadcast %broadcast_in_dim3A_286 : f32 to vector<16xf32>
        %swap3A_288 = arith.index_cast %scan3A_238 : i32 to index
        %swap3A_289 = arith.constant 112 : index
        %swap3A_290 = tpu.vector_load %arg11[%swap3A_288, %swap3A_289] {strides = array<i32>} : memref<48x128xf32, #tpu.memory_space<vmem>>, vector<1x16xf32>,
        %swap3A_291 = vector.shape_cast %swap3A_290 : vector<1x16xf32> to vector<16xf32>
        %swap3A_292 = vector.shape_cast %broadcast_in_dim3A_287 : vector<16xf32> to vector<1x16xf32>
        tpu.vector_store %arg11[%swap3A_288, %swap3A_289], %swap3A_292 {strides = array<i32>} : memref<48x128xf32, #tpu.memory_space<vmem>>, vector<1x16xf32>,
      }
      %scan3A_72 = arith.constant 48 : i32
      %add3A_73 = arith.constant 0 : i32
      %add3A_74 = arith.addi %mul3A_17, %add3A_73 : i32
      %dma_start3A_75 = arith.constant 0 : i32
      %dma_start3A_76 = tpu.memref_slice %arg12[%add3A_74, %dma_start3A_75] : memref<10000x128xf32, #tpu.memory_space<vmem_shared>> -> memref<48x128xf32, #tpu.memory_space<vmem_shared>>
      %dma_start3A_77 = arith.constant 0 : i32
      %dma_start3A_78 = tpu.memref_slice %arg12[%add3A_74, %dma_start3A_77] : memref<10000x128xf32, #tpu.memory_space<vmem_shared>> -> memref<48x128xf32, #tpu.memory_space<vmem_shared>>
      tpu.enqueue_dma source(%arg11 : memref<48x128xf32, #tpu.memory_space<vmem>>) target(%dma_start3A_78 : memref<48x128xf32, #tpu.memory_space<vmem_shared>>) target_semaphore(%arg15 : memref<!tpu.dma_semaphore, #tpu.memory_space<semaphore_mem>>)
      %add3A_79 = arith.constant 48 : i32
      %add3A_80 = arith.addi %mul3A_17, %add3A_79 : i32
      %dma_start3A_81 = arith.constant 0 : i32
      %dma_start3A_82 = tpu.memref_slice %arg12[%add3A_80, %dma_start3A_81] : memref<10000x128xf32, #tpu.memory_space<vmem_shared>> -> memref<48x128xf32, #tpu.memory_space<vmem_shared>>
      %dma_start3A_83 = arith.constant 0 : i32
      %dma_start3A_84 = tpu.memref_slice %arg12[%add3A_80, %dma_start3A_83] : memref<10000x128xf32, #tpu.memory_space<vmem_shared>> -> memref<48x128xf32, #tpu.memory_space<vmem_shared>>
      tpu.enqueue_dma source(%arg11 : memref<48x128xf32, #tpu.memory_space<vmem>>) target(%dma_start3A_84 : memref<48x128xf32, #tpu.memory_space<vmem_shared>>) target_semaphore(%arg15 : memref<!tpu.dma_semaphore, #tpu.memory_space<semaphore_mem>>)
      %add3A_85 = arith.constant 96 : i32
      %add3A_86 = arith.addi %mul3A_17, %add3A_85 : i32
      %dma_start3A_87 = arith.constant 0 : i32
      %dma_start3A_88 = tpu.memref_slice %arg12[%add3A_86, %dma_start3A_87] : memref<10000x128xf32, #tpu.memory_space<vmem_shared>> -> memref<48x128xf32, #tpu.memory_space<vmem_shared>>
      %dma_start3A_89 = arith.constant 0 : i32
      %dma_start3A_90 = tpu.memref_slice %arg12[%add3A_86, %dma_start3A_89] : memref<10000x128xf32, #tpu.memory_space<vmem_shared>> -> memref<48x128xf32, #tpu.memory_space<vmem_shared>>
      tpu.enqueue_dma source(%arg11 : memref<48x128xf32, #tpu.memory_space<vmem>>) target(%dma_start3A_90 : memref<48x128xf32, #tpu.memory_space<vmem_shared>>) target_semaphore(%arg15 : memref<!tpu.dma_semaphore, #tpu.memory_space<semaphore_mem>>)
      %add3A_91 = arith.constant 144 : i32
      %add3A_92 = arith.addi %mul3A_17, %add3A_91 : i32
      %dma_start3A_93 = arith.constant 0 : i32
      %dma_start3A_94 = tpu.memref_slice %arg12[%add3A_92, %dma_start3A_93] : memref<10000x128xf32, #tpu.memory_space<vmem_shared>> -> memref<48x128xf32, #tpu.memory_space<vmem_shared>>
      %dma_start3A_95 = arith.constant 0 : i32
      %dma_start3A_96 = tpu.memref_slice %arg12[%add3A_92, %dma_start3A_95] : memref<10000x128xf32, #tpu.memory_space<vmem_shared>> -> memref<48x128xf32, #tpu.memory_space<vmem_shared>>
      tpu.enqueue_dma source(%arg11 : memref<48x128xf32, #tpu.memory_space<vmem>>) target(%dma_start3A_96 : memref<48x128xf32, #tpu.memory_space<vmem_shared>>) target_semaphore(%arg15 : memref<!tpu.dma_semaphore, #tpu.memory_space<semaphore_mem>>)
      %add3A_97 = arith.constant 192 : i32
      %add3A_98 = arith.addi %mul3A_17, %add3A_97 : i32
      %dma_start3A_99 = arith.constant 0 : i32
      %dma_start3A_100 = tpu.memref_slice %arg12[%add3A_98, %dma_start3A_99] : memref<10000x128xf32, #tpu.memory_space<vmem_shared>> -> memref<48x128xf32, #tpu.memory_space<vmem_shared>>
      %dma_start3A_101 = arith.constant 0 : i32
      %dma_start3A_102 = tpu.memref_slice %arg12[%add3A_98, %dma_start3A_101] : memref<10000x128xf32, #tpu.memory_space<vmem_shared>> -> memref<48x128xf32, #tpu.memory_space<vmem_shared>>
      tpu.enqueue_dma source(%arg11 : memref<48x128xf32, #tpu.memory_space<vmem>>) target(%dma_start3A_102 : memref<48x128xf32, #tpu.memory_space<vmem_shared>>) target_semaphore(%arg15 : memref<!tpu.dma_semaphore, #tpu.memory_space<semaphore_mem>>)
      %add3A_103 = arith.constant 240 : i32
      %add3A_104 = arith.addi %mul3A_17, %add3A_103 : i32
      %dma_start3A_105 = arith.constant 0 : i32
      %dma_start3A_106 = tpu.memref_slice %arg12[%add3A_104, %dma_start3A_105] : memref<10000x128xf32, #tpu.memory_space<vmem_shared>> -> memref<48x128xf32, #tpu.memory_space<vmem_shared>>
      %dma_start3A_107 = arith.constant 0 : i32
      %dma_start3A_108 = tpu.memref_slice %arg12[%add3A_104, %dma_start3A_107] : memref<10000x128xf32, #tpu.memory_space<vmem_shared>> -> memref<48x128xf32, #tpu.memory_space<vmem_shared>>
      tpu.enqueue_dma source(%arg11 : memref<48x128xf32, #tpu.memory_space<vmem>>) target(%dma_start3A_108 : memref<48x128xf32, #tpu.memory_space<vmem_shared>>) target_semaphore(%arg15 : memref<!tpu.dma_semaphore, #tpu.memory_space<semaphore_mem>>)
      %add3A_109 = arith.constant 288 : i32
      %add3A_110 = arith.addi %mul3A_17, %add3A_109 : i32
      %dma_start3A_111 = arith.constant 0 : i32
      %dma_start3A_112 = tpu.memref_slice %arg12[%add3A_110, %dma_start3A_111] : memref<10000x128xf32, #tpu.memory_space<vmem_shared>> -> memref<48x128xf32, #tpu.memory_space<vmem_shared>>
      %dma_start3A_113 = arith.constant 0 : i32
      %dma_start3A_114 = tpu.memref_slice %arg12[%add3A_110, %dma_start3A_113] : memref<10000x128xf32, #tpu.memory_space<vmem_shared>> -> memref<48x128xf32, #tpu.memory_space<vmem_shared>>
      tpu.enqueue_dma source(%arg11 : memref<48x128xf32, #tpu.memory_space<vmem>>) target(%dma_start3A_114 : memref<48x128xf32, #tpu.memory_space<vmem_shared>>) target_semaphore(%arg15 : memref<!tpu.dma_semaphore, #tpu.memory_space<semaphore_mem>>)
      %add3A_115 = arith.constant 336 : i32
      %add3A_116 = arith.addi %mul3A_17, %add3A_115 : i32
      %dma_start3A_117 = arith.constant 0 : i32
      %dma_start3A_118 = tpu.memref_slice %arg12[%add3A_116, %dma_start3A_117] : memref<10000x128xf32, #tpu.memory_space<vmem_shared>> -> memref<48x128xf32, #tpu.memory_space<vmem_shared>>
      %dma_start3A_119 = arith.constant 0 : i32
      %dma_start3A_120 = tpu.memref_slice %arg12[%add3A_116, %dma_start3A_119] : memref<10000x128xf32, #tpu.memory_space<vmem_shared>> -> memref<48x128xf32, #tpu.memory_space<vmem_shared>>
      tpu.enqueue_dma source(%arg11 : memref<48x128xf32, #tpu.memory_space<vmem>>) target(%dma_start3A_120 : memref<48x128xf32, #tpu.memory_space<vmem_shared>>) target_semaphore(%arg15 : memref<!tpu.dma_semaphore, #tpu.memory_space<semaphore_mem>>)
      %add3A_121 = arith.constant 384 : i32
      %add3A_122 = arith.addi %mul3A_17, %add3A_121 : i32
      %dma_start3A_123 = arith.constant 0 : i32
      %dma_start3A_124 = tpu.memref_slice %arg12[%add3A_122, %dma_start3A_123] : memref<10000x128xf32, #tpu.memory_space<vmem_shared>> -> memref<48x128xf32, #tpu.memory_space<vmem_shared>>
      %dma_start3A_125 = arith.constant 0 : i32
      %dma_start3A_126 = tpu.memref_slice %arg12[%add3A_122, %dma_start3A_125] : memref<10000x128xf32, #tpu.memory_space<vmem_shared>> -> memref<48x128xf32, #tpu.memory_space<vmem_shared>>
      tpu.enqueue_dma source(%arg11 : memref<48x128xf32, #tpu.memory_space<vmem>>) target(%dma_start3A_126 : memref<48x128xf32, #tpu.memory_space<vmem_shared>>) target_semaphore(%arg15 : memref<!tpu.dma_semaphore, #tpu.memory_space<semaphore_mem>>)
      %add3A_127 = arith.constant 432 : i32
      %add3A_128 = arith.addi %mul3A_17, %add3A_127 : i32
      %dma_start3A_129 = arith.constant 0 : i32
      %dma_start3A_130 = tpu.memref_slice %arg12[%add3A_128, %dma_start3A_129] : memref<10000x128xf32, #tpu.memory_space<vmem_shared>> -> memref<48x128xf32, #tpu.memory_space<vmem_shared>>
      %dma_start3A_131 = arith.constant 0 : i32
      %dma_start3A_132 = tpu.memref_slice %arg12[%add3A_128, %dma_start3A_131] : memref<10000x128xf32, #tpu.memory_space<vmem_shared>> -> memref<48x128xf32, #tpu.memory_space<vmem_shared>>
      tpu.enqueue_dma source(%arg11 : memref<48x128xf32, #tpu.memory_space<vmem>>) target(%dma_start3A_132 : memref<48x128xf32, #tpu.memory_space<vmem_shared>>) target_semaphore(%arg15 : memref<!tpu.dma_semaphore, #tpu.memory_space<semaphore_mem>>)
      %add3A_133 = arith.constant 480 : i32
      %add3A_134 = arith.addi %mul3A_17, %add3A_133 : i32
      %dma_start3A_135 = arith.constant 0 : i32
      %dma_start3A_136 = tpu.memref_slice %arg12[%add3A_134, %dma_start3A_135] : memref<10000x128xf32, #tpu.memory_space<vmem_shared>> -> memref<48x128xf32, #tpu.memory_space<vmem_shared>>
      %dma_start3A_137 = arith.constant 0 : i32
      %dma_start3A_138 = tpu.memref_slice %arg12[%add3A_134, %dma_start3A_137] : memref<10000x128xf32, #tpu.memory_space<vmem_shared>> -> memref<48x128xf32, #tpu.memory_space<vmem_shared>>
      tpu.enqueue_dma source(%arg11 : memref<48x128xf32, #tpu.memory_space<vmem>>) target(%dma_start3A_138 : memref<48x128xf32, #tpu.memory_space<vmem_shared>>) target_semaphore(%arg15 : memref<!tpu.dma_semaphore, #tpu.memory_space<semaphore_mem>>)
      %add3A_139 = arith.constant 528 : i32
      %add3A_140 = arith.addi %mul3A_17, %add3A_139 : i32
      %dma_start3A_141 = arith.constant 0 : i32
      %dma_start3A_142 = tpu.memref_slice %arg12[%add3A_140, %dma_start3A_141] : memref<10000x128xf32, #tpu.memory_space<vmem_shared>> -> memref<48x128xf32, #tpu.memory_space<vmem_shared>>
      %dma_start3A_143 = arith.constant 0 : i32
      %dma_start3A_144 = tpu.memref_slice %arg12[%add3A_140, %dma_start3A_143] : memref<10000x128xf32, #tpu.memory_space<vmem_shared>> -> memref<48x128xf32, #tpu.memory_space<vmem_shared>>
      tpu.enqueue_dma source(%arg11 : memref<48x128xf32, #tpu.memory_space<vmem>>) target(%dma_start3A_144 : memref<48x128xf32, #tpu.memory_space<vmem_shared>>) target_semaphore(%arg15 : memref<!tpu.dma_semaphore, #tpu.memory_space<semaphore_mem>>)
      %add3A_145 = arith.constant 576 : i32
      %add3A_146 = arith.addi %mul3A_17, %add3A_145 : i32
      %dma_start3A_147 = arith.constant 0 : i32
      %dma_start3A_148 = tpu.memref_slice %arg12[%add3A_146, %dma_start3A_147] : memref<10000x128xf32, #tpu.memory_space<vmem_shared>> -> memref<48x128xf32, #tpu.memory_space<vmem_shared>>
      %dma_start3A_149 = arith.constant 0 : i32
      %dma_start3A_150 = tpu.memref_slice %arg12[%add3A_146, %dma_start3A_149] : memref<10000x128xf32, #tpu.memory_space<vmem_shared>> -> memref<48x128xf32, #tpu.memory_space<vmem_shared>>
      tpu.enqueue_dma source(%arg11 : memref<48x128xf32, #tpu.memory_space<vmem>>) target(%dma_start3A_150 : memref<48x128xf32, #tpu.memory_space<vmem_shared>>) target_semaphore(%arg15 : memref<!tpu.dma_semaphore, #tpu.memory_space<semaphore_mem>>)
      %eq3A_151 = arith.constant 15 : i32
      %eq3A_152 = arith.cmpi eq, %arg1, %eq3A_151 : i32
      %convert_element_type3A_153 = arith.extui %eq3A_152 : i1 to i32
      %cond3A_154 = arith.constant 0 : i32
      %cond3A_155 = arith.cmpi ne, %convert_element_type3A_153, %cond3A_154 : i32
      scf.if %cond3A_155 {
        %dma_start3A_238 = arith.constant 0 : i32
        %dma_start3A_239 = arith.constant 0 : i32
        %dma_start3A_240 = tpu.memref_slice %arg11[%dma_start3A_238, %dma_start3A_239] : memref<48x128xf32, #tpu.memory_space<vmem>> -> memref<16x128xf32, #tpu.memory_space<vmem>>
        %dma_start3A_241 = arith.constant 9984 : i32
        %dma_start3A_242 = arith.constant 0 : i32
        %dma_start3A_243 = tpu.memref_slice %arg12[%dma_start3A_241, %dma_start3A_242] : memref<10000x128xf32, #tpu.memory_space<vmem_shared>> -> memref<16x128xf32, #tpu.memory_space<vmem_shared>>
        %dma_start3A_244 = arith.constant 9984 : i32
        %dma_start3A_245 = arith.constant 0 : i32
        %dma_start3A_246 = tpu.memref_slice %arg12[%dma_start3A_244, %dma_start3A_245] : memref<10000x128xf32, #tpu.memory_space<vmem_shared>> -> memref<16x128xf32, #tpu.memory_space<vmem_shared>>
        %dma_start3A_247 = arith.constant 0 : i32
        %dma_start3A_248 = arith.constant 0 : i32
        %dma_start3A_249 = tpu.memref_slice %arg11[%dma_start3A_247, %dma_start3A_248] : memref<48x128xf32, #tpu.memory_space<vmem>> -> memref<16x128xf32, #tpu.memory_space<vmem>>
        tpu.enqueue_dma source(%dma_start3A_249 : memref<16x128xf32, #tpu.memory_space<vmem>>) target(%dma_start3A_246 : memref<16x128xf32, #tpu.memory_space<vmem_shared>>) target_semaphore(%arg15 : memref<!tpu.dma_semaphore, #tpu.memory_space<semaphore_mem>>)
      } else {
      }
      %add3A_156 = arith.constant 0 : i32
      %add3A_157 = arith.addi %mul3A_17, %add3A_156 : i32
      %dma_wait3A = arith.constant 0 : i32
      %dma_wait3A_158 = tpu.memref_slice %arg12[%add3A_157, %dma_wait3A] : memref<10000x128xf32, #tpu.memory_space<vmem_shared>> -> memref<48x128xf32, #tpu.memory_space<vmem_shared>>
      %dma_wait3A_159 = arith.constant 0 : i32
      %dma_wait3A_160 = tpu.memref_slice %arg12[%add3A_157, %dma_wait3A_159] : memref<10000x128xf32, #tpu.memory_space<vmem_shared>> -> memref<48x128xf32, #tpu.memory_space<vmem_shared>>
      tpu.wait_dma2 semaphore(%arg15 : memref<!tpu.dma_semaphore, #tpu.memory_space<semaphore_mem>>) src(%arg11 : memref<48x128xf32, #tpu.memory_space<vmem>>) dst(%dma_wait3A_160 : memref<48x128xf32, #tpu.memory_space<vmem_shared>>)
      %add3A_161 = arith.constant 48 : i32
      %add3A_162 = arith.addi %mul3A_17, %add3A_161 : i32
      %dma_wait3A_163 = arith.constant 0 : i32
      %dma_wait3A_164 = tpu.memref_slice %arg12[%add3A_162, %dma_wait3A_163] : memref<10000x128xf32, #tpu.memory_space<vmem_shared>> -> memref<48x128xf32, #tpu.memory_space<vmem_shared>>
      %dma_wait3A_165 = arith.constant 0 : i32
      %dma_wait3A_166 = tpu.memref_slice %arg12[%add3A_162, %dma_wait3A_165] : memref<10000x128xf32, #tpu.memory_space<vmem_shared>> -> memref<48x128xf32, #tpu.memory_space<vmem_shared>>
      tpu.wait_dma2 semaphore(%arg15 : memref<!tpu.dma_semaphore, #tpu.memory_space<semaphore_mem>>) src(%arg11 : memref<48x128xf32, #tpu.memory_space<vmem>>) dst(%dma_wait3A_166 : memref<48x128xf32, #tpu.memory_space<vmem_shared>>)
      %add3A_167 = arith.constant 96 : i32
      %add3A_168 = arith.addi %mul3A_17, %add3A_167 : i32
      %dma_wait3A_169 = arith.constant 0 : i32
      %dma_wait3A_170 = tpu.memref_slice %arg12[%add3A_168, %dma_wait3A_169] : memref<10000x128xf32, #tpu.memory_space<vmem_shared>> -> memref<48x128xf32, #tpu.memory_space<vmem_shared>>
      %dma_wait3A_171 = arith.constant 0 : i32
      %dma_wait3A_172 = tpu.memref_slice %arg12[%add3A_168, %dma_wait3A_171] : memref<10000x128xf32, #tpu.memory_space<vmem_shared>> -> memref<48x128xf32, #tpu.memory_space<vmem_shared>>
      tpu.wait_dma2 semaphore(%arg15 : memref<!tpu.dma_semaphore, #tpu.memory_space<semaphore_mem>>) src(%arg11 : memref<48x128xf32, #tpu.memory_space<vmem>>) dst(%dma_wait3A_172 : memref<48x128xf32, #tpu.memory_space<vmem_shared>>)
      %add3A_173 = arith.constant 144 : i32
      %add3A_174 = arith.addi %mul3A_17, %add3A_173 : i32
      %dma_wait3A_175 = arith.constant 0 : i32
      %dma_wait3A_176 = tpu.memref_slice %arg12[%add3A_174, %dma_wait3A_175] : memref<10000x128xf32, #tpu.memory_space<vmem_shared>> -> memref<48x128xf32, #tpu.memory_space<vmem_shared>>
      %dma_wait3A_177 = arith.constant 0 : i32
      %dma_wait3A_178 = tpu.memref_slice %arg12[%add3A_174, %dma_wait3A_177] : memref<10000x128xf32, #tpu.memory_space<vmem_shared>> -> memref<48x128xf32, #tpu.memory_space<vmem_shared>>
      tpu.wait_dma2 semaphore(%arg15 : memref<!tpu.dma_semaphore, #tpu.memory_space<semaphore_mem>>) src(%arg11 : memref<48x128xf32, #tpu.memory_space<vmem>>) dst(%dma_wait3A_178 : memref<48x128xf32, #tpu.memory_space<vmem_shared>>)
      %add3A_179 = arith.constant 192 : i32
      %add3A_180 = arith.addi %mul3A_17, %add3A_179 : i32
      %dma_wait3A_181 = arith.constant 0 : i32
      %dma_wait3A_182 = tpu.memref_slice %arg12[%add3A_180, %dma_wait3A_181] : memref<10000x128xf32, #tpu.memory_space<vmem_shared>> -> memref<48x128xf32, #tpu.memory_space<vmem_shared>>
      %dma_wait3A_183 = arith.constant 0 : i32
      %dma_wait3A_184 = tpu.memref_slice %arg12[%add3A_180, %dma_wait3A_183] : memref<10000x128xf32, #tpu.memory_space<vmem_shared>> -> memref<48x128xf32, #tpu.memory_space<vmem_shared>>
      tpu.wait_dma2 semaphore(%arg15 : memref<!tpu.dma_semaphore, #tpu.memory_space<semaphore_mem>>) src(%arg11 : memref<48x128xf32, #tpu.memory_space<vmem>>) dst(%dma_wait3A_184 : memref<48x128xf32, #tpu.memory_space<vmem_shared>>)
      %add3A_185 = arith.constant 240 : i32
      %add3A_186 = arith.addi %mul3A_17, %add3A_185 : i32
      %dma_wait3A_187 = arith.constant 0 : i32
      %dma_wait3A_188 = tpu.memref_slice %arg12[%add3A_186, %dma_wait3A_187] : memref<10000x128xf32, #tpu.memory_space<vmem_shared>> -> memref<48x128xf32, #tpu.memory_space<vmem_shared>>
      %dma_wait3A_189 = arith.constant 0 : i32
      %dma_wait3A_190 = tpu.memref_slice %arg12[%add3A_186, %dma_wait3A_189] : memref<10000x128xf32, #tpu.memory_space<vmem_shared>> -> memref<48x128xf32, #tpu.memory_space<vmem_shared>>
      tpu.wait_dma2 semaphore(%arg15 : memref<!tpu.dma_semaphore, #tpu.memory_space<semaphore_mem>>) src(%arg11 : memref<48x128xf32, #tpu.memory_space<vmem>>) dst(%dma_wait3A_190 : memref<48x128xf32, #tpu.memory_space<vmem_shared>>)
      %add3A_191 = arith.constant 288 : i32
      %add3A_192 = arith.addi %mul3A_17, %add3A_191 : i32
      %dma_wait3A_193 = arith.constant 0 : i32
      %dma_wait3A_194 = tpu.memref_slice %arg12[%add3A_192, %dma_wait3A_193] : memref<10000x128xf32, #tpu.memory_space<vmem_shared>> -> memref<48x128xf32, #tpu.memory_space<vmem_shared>>
      %dma_wait3A_195 = arith.constant 0 : i32
      %dma_wait3A_196 = tpu.memref_slice %arg12[%add3A_192, %dma_wait3A_195] : memref<10000x128xf32, #tpu.memory_space<vmem_shared>> -> memref<48x128xf32, #tpu.memory_space<vmem_shared>>
      tpu.wait_dma2 semaphore(%arg15 : memref<!tpu.dma_semaphore, #tpu.memory_space<semaphore_mem>>) src(%arg11 : memref<48x128xf32, #tpu.memory_space<vmem>>) dst(%dma_wait3A_196 : memref<48x128xf32, #tpu.memory_space<vmem_shared>>)
      %add3A_197 = arith.constant 336 : i32
      %add3A_198 = arith.addi %mul3A_17, %add3A_197 : i32
      %dma_wait3A_199 = arith.constant 0 : i32
      %dma_wait3A_200 = tpu.memref_slice %arg12[%add3A_198, %dma_wait3A_199] : memref<10000x128xf32, #tpu.memory_space<vmem_shared>> -> memref<48x128xf32, #tpu.memory_space<vmem_shared>>
      %dma_wait3A_201 = arith.constant 0 : i32
      %dma_wait3A_202 = tpu.memref_slice %arg12[%add3A_198, %dma_wait3A_201] : memref<10000x128xf32, #tpu.memory_space<vmem_shared>> -> memref<48x128xf32, #tpu.memory_space<vmem_shared>>
      tpu.wait_dma2 semaphore(%arg15 : memref<!tpu.dma_semaphore, #tpu.memory_space<semaphore_mem>>) src(%arg11 : memref<48x128xf32, #tpu.memory_space<vmem>>) dst(%dma_wait3A_202 : memref<48x128xf32, #tpu.memory_space<vmem_shared>>)
      %add3A_203 = arith.constant 384 : i32
      %add3A_204 = arith.addi %mul3A_17, %add3A_203 : i32
      %dma_wait3A_205 = arith.constant 0 : i32
      %dma_wait3A_206 = tpu.memref_slice %arg12[%add3A_204, %dma_wait3A_205] : memref<10000x128xf32, #tpu.memory_space<vmem_shared>> -> memref<48x128xf32, #tpu.memory_space<vmem_shared>>
      %dma_wait3A_207 = arith.constant 0 : i32
      %dma_wait3A_208 = tpu.memref_slice %arg12[%add3A_204, %dma_wait3A_207] : memref<10000x128xf32, #tpu.memory_space<vmem_shared>> -> memref<48x128xf32, #tpu.memory_space<vmem_shared>>
      tpu.wait_dma2 semaphore(%arg15 : memref<!tpu.dma_semaphore, #tpu.memory_space<semaphore_mem>>) src(%arg11 : memref<48x128xf32, #tpu.memory_space<vmem>>) dst(%dma_wait3A_208 : memref<48x128xf32, #tpu.memory_space<vmem_shared>>)
      %add3A_209 = arith.constant 432 : i32
      %add3A_210 = arith.addi %mul3A_17, %add3A_209 : i32
      %dma_wait3A_211 = arith.constant 0 : i32
      %dma_wait3A_212 = tpu.memref_slice %arg12[%add3A_210, %dma_wait3A_211] : memref<10000x128xf32, #tpu.memory_space<vmem_shared>> -> memref<48x128xf32, #tpu.memory_space<vmem_shared>>
      %dma_wait3A_213 = arith.constant 0 : i32
      %dma_wait3A_214 = tpu.memref_slice %arg12[%add3A_210, %dma_wait3A_213] : memref<10000x128xf32, #tpu.memory_space<vmem_shared>> -> memref<48x128xf32, #tpu.memory_space<vmem_shared>>
      tpu.wait_dma2 semaphore(%arg15 : memref<!tpu.dma_semaphore, #tpu.memory_space<semaphore_mem>>) src(%arg11 : memref<48x128xf32, #tpu.memory_space<vmem>>) dst(%dma_wait3A_214 : memref<48x128xf32, #tpu.memory_space<vmem_shared>>)
      %add3A_215 = arith.constant 480 : i32
      %add3A_216 = arith.addi %mul3A_17, %add3A_215 : i32
      %dma_wait3A_217 = arith.constant 0 : i32
      %dma_wait3A_218 = tpu.memref_slice %arg12[%add3A_216, %dma_wait3A_217] : memref<10000x128xf32, #tpu.memory_space<vmem_shared>> -> memref<48x128xf32, #tpu.memory_space<vmem_shared>>
      %dma_wait3A_219 = arith.constant 0 : i32
      %dma_wait3A_220 = tpu.memref_slice %arg12[%add3A_216, %dma_wait3A_219] : memref<10000x128xf32, #tpu.memory_space<vmem_shared>> -> memref<48x128xf32, #tpu.memory_space<vmem_shared>>
      tpu.wait_dma2 semaphore(%arg15 : memref<!tpu.dma_semaphore, #tpu.memory_space<semaphore_mem>>) src(%arg11 : memref<48x128xf32, #tpu.memory_space<vmem>>) dst(%dma_wait3A_220 : memref<48x128xf32, #tpu.memory_space<vmem_shared>>)
      %add3A_221 = arith.constant 528 : i32
      %add3A_222 = arith.addi %mul3A_17, %add3A_221 : i32
      %dma_wait3A_223 = arith.constant 0 : i32
      %dma_wait3A_224 = tpu.memref_slice %arg12[%add3A_222, %dma_wait3A_223] : memref<10000x128xf32, #tpu.memory_space<vmem_shared>> -> memref<48x128xf32, #tpu.memory_space<vmem_shared>>
      %dma_wait3A_225 = arith.constant 0 : i32
      %dma_wait3A_226 = tpu.memref_slice %arg12[%add3A_222, %dma_wait3A_225] : memref<10000x128xf32, #tpu.memory_space<vmem_shared>> -> memref<48x128xf32, #tpu.memory_space<vmem_shared>>
      tpu.wait_dma2 semaphore(%arg15 : memref<!tpu.dma_semaphore, #tpu.memory_space<semaphore_mem>>) src(%arg11 : memref<48x128xf32, #tpu.memory_space<vmem>>) dst(%dma_wait3A_226 : memref<48x128xf32, #tpu.memory_space<vmem_shared>>)
      %add3A_227 = arith.constant 576 : i32
      %add3A_228 = arith.addi %mul3A_17, %add3A_227 : i32
      %dma_wait3A_229 = arith.constant 0 : i32
      %dma_wait3A_230 = tpu.memref_slice %arg12[%add3A_228, %dma_wait3A_229] : memref<10000x128xf32, #tpu.memory_space<vmem_shared>> -> memref<48x128xf32, #tpu.memory_space<vmem_shared>>
      %dma_wait3A_231 = arith.constant 0 : i32
      %dma_wait3A_232 = tpu.memref_slice %arg12[%add3A_228, %dma_wait3A_231] : memref<10000x128xf32, #tpu.memory_space<vmem_shared>> -> memref<48x128xf32, #tpu.memory_space<vmem_shared>>
      tpu.wait_dma2 semaphore(%arg15 : memref<!tpu.dma_semaphore, #tpu.memory_space<semaphore_mem>>) src(%arg11 : memref<48x128xf32, #tpu.memory_space<vmem>>) dst(%dma_wait3A_232 : memref<48x128xf32, #tpu.memory_space<vmem_shared>>)
      %eq3A_233 = arith.constant 15 : i32
      %eq3A_234 = arith.cmpi eq, %arg1, %eq3A_233 : i32
      %convert_element_type3A_235 = arith.extui %eq3A_234 : i1 to i32
      %cond3A_236 = arith.constant 0 : i32
      %cond3A_237 = arith.cmpi ne, %convert_element_type3A_235, %cond3A_236 : i32
      scf.if %cond3A_237 {
        %dma_wait3A_238 = arith.constant 0 : i32
        %dma_wait3A_239 = arith.constant 0 : i32
        %dma_wait3A_240 = tpu.memref_slice %arg11[%dma_wait3A_238, %dma_wait3A_239] : memref<48x128xf32, #tpu.memory_space<vmem>> -> memref<16x128xf32, #tpu.memory_space<vmem>>
        %dma_wait3A_241 = arith.constant 9984 : i32
        %dma_wait3A_242 = arith.constant 0 : i32
        %dma_wait3A_243 = tpu.memref_slice %arg12[%dma_wait3A_241, %dma_wait3A_242] : memref<10000x128xf32, #tpu.memory_space<vmem_shared>> -> memref<16x128xf32, #tpu.memory_space<vmem_shared>>
        %dma_wait3A_244 = arith.constant 9984 : i32
        %dma_wait3A_245 = arith.constant 0 : i32
        %dma_wait3A_246 = tpu.memref_slice %arg12[%dma_wait3A_244, %dma_wait3A_245] : memref<10000x128xf32, #tpu.memory_space<vmem_shared>> -> memref<16x128xf32, #tpu.memory_space<vmem_shared>>
        %dma_wait3A_247 = arith.constant 0 : i32
        %dma_wait3A_248 = arith.constant 0 : i32
        %dma_wait3A_249 = tpu.memref_slice %arg11[%dma_wait3A_247, %dma_wait3A_248] : memref<48x128xf32, #tpu.memory_space<vmem>> -> memref<16x128xf32, #tpu.memory_space<vmem>>
        tpu.wait_dma2 semaphore(%arg15 : memref<!tpu.dma_semaphore, #tpu.memory_space<semaphore_mem>>) src(%dma_wait3A_249 : memref<16x128xf32, #tpu.memory_space<vmem>>) dst(%dma_wait3A_246 : memref<16x128xf32, #tpu.memory_space<vmem_shared>>)
      } else {
      }
    } else {
    }
    %barrier3A = arith.constant 0 : index
    tpu.barrier barrier_id(%barrier3A)
    %scan3A = arith.constant 0 : i32
    %scan3A_25 = arith.constant 0 : i32
    %scan3A_26 = arith.constant 20 : i32
    %scan3A_27 = arith.addi %scan3A_25, %scan3A_26 : i32
    %scan3A_28 = arith.constant 1 : i32
    scf.for %scan3A_67 = %scan3A_25 to %scan3A_27 step %scan3A_28  : i32 {
      %mul3A_68 = arith.constant 2 : i32
      %mul3A_69 = arith.muli %scan3A_67, %mul3A_68 : i32
      %dma_wait3A = arith.constant 0 : i32
      %dma_wait3A_70 = arith.constant 0 : i32
      %dma_wait3A_71 = tpu.memref_slice %arg7[%dma_wait3A, %dma_wait3A_70] : memref<40x125xi32, #tpu.memory_space<vmem>> -> memref<1x125xi32, #tpu.memory_space<vmem>>
      %dma_wait3A_72 = tpu.memref_squeeze %dma_wait3A_71 : memref<1x125xi32, #tpu.memory_space<vmem>> -> memref<125xi32, #tpu.memory_space<vmem>>
      %dma_wait3A_73 = arith.constant 0 : i32
      %dma_wait3A_74 = arith.constant 0 : i32
      %dma_wait3A_75 = tpu.memref_slice %arg2[%dma_wait3A_73, %dma_wait3A_74] : memref<10000x128xf32, #tpu.memory_space<hbm>> -> memref<10000x128xf32, #tpu.memory_space<hbm>>
      tpu.wait_indirect_dma semaphore(%arg13 : memref<!tpu.dma_semaphore, #tpu.memory_space<semaphore_mem>>) src(%dma_wait3A_75 : memref<10000x128xf32, #tpu.memory_space<hbm>>) dst(%arg9 : memref<125x128xf32, #tpu.memory_space<vmem>>)
      "tpu.region"() ({
        %run_scoped3A = tpu.sem_alloc : memref<!tpu.dma_semaphore, #tpu.memory_space<semaphore_mem>>
        %dma_start3A_98 = arith.constant 0 : i32
        %dma_start3A_99 = tpu.memref_slice %arg8[%mul3A_69, %dma_start3A_98] : memref<40x125xi32, #tpu.memory_space<vmem>> -> memref<1x125xi32, #tpu.memory_space<vmem>>
        %dma_start3A_100 = tpu.memref_squeeze %dma_start3A_99 : memref<1x125xi32, #tpu.memory_space<vmem>> -> memref<125xi32, #tpu.memory_space<vmem>>
        %dma_start3A_101 = arith.constant 0 : i32
        %dma_start3A_102 = arith.constant 0 : i32
        %dma_start3A_103 = tpu.memref_slice %arg12[%dma_start3A_101, %dma_start3A_102] : memref<10000x128xf32, #tpu.memory_space<vmem_shared>> -> memref<10000x128xf32, #tpu.memory_space<vmem_shared>>
        tpu.enqueue_indirect_dma source(%arg9 : memref<125x128xf32, #tpu.memory_space<vmem>>) target(%dma_start3A_103 : memref<10000x128xf32, #tpu.memory_space<vmem_shared>>) offsets(%dma_start3A_100 : memref<125xi32, #tpu.memory_space<vmem>>) semaphore(%run_scoped3A : memref<!tpu.dma_semaphore, #tpu.memory_space<semaphore_mem>>) {add = true}
        %dma_wait3A_104 = arith.constant 0 : i32
        %dma_wait3A_105 = tpu.memref_slice %arg8[%mul3A_69, %dma_wait3A_104] : memref<40x125xi32, #tpu.memory_space<vmem>> -> memref<1x125xi32, #tpu.memory_space<vmem>>
        %dma_wait3A_106 = tpu.memref_squeeze %dma_wait3A_105 : memref<1x125xi32, #tpu.memory_space<vmem>> -> memref<125xi32, #tpu.memory_space<vmem>>
        %dma_wait3A_107 = arith.constant 0 : i32
        %dma_wait3A_108 = arith.constant 0 : i32
        %dma_wait3A_109 = tpu.memref_slice %arg12[%dma_wait3A_107, %dma_wait3A_108] : memref<10000x128xf32, #tpu.memory_space<vmem_shared>> -> memref<10000x128xf32, #tpu.memory_space<vmem_shared>>
        tpu.wait_indirect_dma semaphore(%run_scoped3A : memref<!tpu.dma_semaphore, #tpu.memory_space<semaphore_mem>>) src(%arg9 : memref<125x128xf32, #tpu.memory_space<vmem>>) dst(%dma_wait3A_109 : memref<10000x128xf32, #tpu.memory_space<vmem_shared>>)
        tpu.yield
      }) : () -> ()
      %add3A_76 = arith.constant 2 : i32
      %add3A_77 = arith.addi %mul3A_69, %add3A_76 : i32
      %lt3A = arith.constant 40 : i32
      %lt3A_78 = arith.cmpi slt, %add3A_77, %lt3A : i32
      %convert_element_type3A_79 = arith.extui %lt3A_78 : i1 to i32
      %cond3A_80 = arith.constant 0 : i32
      %cond3A_81 = arith.cmpi ne, %convert_element_type3A_79, %cond3A_80 : i32
      scf.if %cond3A_81 {
        %add3A_98 = arith.constant 2 : i32
        %add3A_99 = arith.addi %mul3A_69, %add3A_98 : i32
        %dma_start3A_100 = arith.constant 0 : i32
        %dma_start3A_101 = tpu.memref_slice %arg7[%add3A_99, %dma_start3A_100] : memref<40x125xi32, #tpu.memory_space<vmem>> -> memref<1x125xi32, #tpu.memory_space<vmem>>
        %dma_start3A_102 = tpu.memref_squeeze %dma_start3A_101 : memref<1x125xi32, #tpu.memory_space<vmem>> -> memref<125xi32, #tpu.memory_space<vmem>>
        %dma_start3A_103 = arith.constant 0 : i32
        %dma_start3A_104 = arith.constant 0 : i32
        %dma_start3A_105 = tpu.memref_slice %arg2[%dma_start3A_103, %dma_start3A_104] : memref<10000x128xf32, #tpu.memory_space<hbm>> -> memref<10000x128xf32, #tpu.memory_space<hbm>>
        tpu.enqueue_indirect_dma source(%dma_start3A_105 : memref<10000x128xf32, #tpu.memory_space<hbm>>) target(%arg9 : memref<125x128xf32, #tpu.memory_space<vmem>>) offsets(%dma_start3A_102 : memref<125xi32, #tpu.memory_space<vmem>>) semaphore(%arg13 : memref<!tpu.dma_semaphore, #tpu.memory_space<semaphore_mem>>)
      } else {
      }
      %dma_wait3A_82 = arith.constant 0 : i32
      %dma_wait3A_83 = arith.constant 0 : i32
      %dma_wait3A_84 = tpu.memref_slice %arg7[%dma_wait3A_82, %dma_wait3A_83] : memref<40x125xi32, #tpu.memory_space<vmem>> -> memref<1x125xi32, #tpu.memory_space<vmem>>
      %dma_wait3A_85 = tpu.memref_squeeze %dma_wait3A_84 : memref<1x125xi32, #tpu.memory_space<vmem>> -> memref<125xi32, #tpu.memory_space<vmem>>
      %dma_wait3A_86 = arith.constant 0 : i32
      %dma_wait3A_87 = arith.constant 0 : i32
      %dma_wait3A_88 = tpu.memref_slice %arg2[%dma_wait3A_86, %dma_wait3A_87] : memref<10000x128xf32, #tpu.memory_space<hbm>> -> memref<10000x128xf32, #tpu.memory_space<hbm>>
      tpu.wait_indirect_dma semaphore(%arg14 : memref<!tpu.dma_semaphore, #tpu.memory_space<semaphore_mem>>) src(%dma_wait3A_88 : memref<10000x128xf32, #tpu.memory_space<hbm>>) dst(%arg10 : memref<125x128xf32, #tpu.memory_space<vmem>>)
      %add3A_89 = arith.constant 1 : i32
      %add3A_90 = arith.addi %mul3A_69, %add3A_89 : i32
      "tpu.region"() ({
        %run_scoped3A = tpu.sem_alloc : memref<!tpu.dma_semaphore, #tpu.memory_space<semaphore_mem>>
        %dma_start3A_98 = arith.constant 0 : i32
        %dma_start3A_99 = tpu.memref_slice %arg8[%add3A_90, %dma_start3A_98] : memref<40x125xi32, #tpu.memory_space<vmem>> -> memref<1x125xi32, #tpu.memory_space<vmem>>
        %dma_start3A_100 = tpu.memref_squeeze %dma_start3A_99 : memref<1x125xi32, #tpu.memory_space<vmem>> -> memref<125xi32, #tpu.memory_space<vmem>>
        %dma_start3A_101 = arith.constant 0 : i32
        %dma_start3A_102 = arith.constant 0 : i32
        %dma_start3A_103 = tpu.memref_slice %arg12[%dma_start3A_101, %dma_start3A_102] : memref<10000x128xf32, #tpu.memory_space<vmem_shared>> -> memref<10000x128xf32, #tpu.memory_space<vmem_shared>>
        tpu.enqueue_indirect_dma source(%arg10 : memref<125x128xf32, #tpu.memory_space<vmem>>) target(%dma_start3A_103 : memref<10000x128xf32, #tpu.memory_space<vmem_shared>>) offsets(%dma_start3A_100 : memref<125xi32, #tpu.memory_space<vmem>>) semaphore(%run_scoped3A : memref<!tpu.dma_semaphore, #tpu.memory_space<semaphore_mem>>) {add = true}
        %dma_wait3A_104 = arith.constant 0 : i32
        %dma_wait3A_105 = tpu.memref_slice %arg8[%add3A_90, %dma_wait3A_104] : memref<40x125xi32, #tpu.memory_space<vmem>> -> memref<1x125xi32, #tpu.memory_space<vmem>>
        %dma_wait3A_106 = tpu.memref_squeeze %dma_wait3A_105 : memref<1x125xi32, #tpu.memory_space<vmem>> -> memref<125xi32, #tpu.memory_space<vmem>>
        %dma_wait3A_107 = arith.constant 0 : i32
        %dma_wait3A_108 = arith.constant 0 : i32
        %dma_wait3A_109 = tpu.memref_slice %arg12[%dma_wait3A_107, %dma_wait3A_108] : memref<10000x128xf32, #tpu.memory_space<vmem_shared>> -> memref<10000x128xf32, #tpu.memory_space<vmem_shared>>
        tpu.wait_indirect_dma semaphore(%run_scoped3A : memref<!tpu.dma_semaphore, #tpu.memory_space<semaphore_mem>>) src(%arg10 : memref<125x128xf32, #tpu.memory_space<vmem>>) dst(%dma_wait3A_109 : memref<10000x128xf32, #tpu.memory_space<vmem_shared>>)
        tpu.yield
      }) : () -> ()
      %add3A_91 = arith.constant 3 : i32
      %add3A_92 = arith.addi %mul3A_69, %add3A_91 : i32
      %lt3A_93 = arith.constant 40 : i32
      %lt3A_94 = arith.cmpi slt, %add3A_92, %lt3A_93 : i32
      %convert_element_type3A_95 = arith.extui %lt3A_94 : i1 to i32
      %cond3A_96 = arith.constant 0 : i32
      %cond3A_97 = arith.cmpi ne, %convert_element_type3A_95, %cond3A_96 : i32
      scf.if %cond3A_97 {
        %add3A_98 = arith.constant 3 : i32
        %add3A_99 = arith.addi %mul3A_69, %add3A_98 : i32
        %dma_start3A_100 = arith.constant 0 : i32
        %dma_start3A_101 = tpu.memref_slice %arg7[%add3A_99, %dma_start3A_100] : memref<40x125xi32, #tpu.memory_space<vmem>> -> memref<1x125xi32, #tpu.memory_space<vmem>>
        %dma_start3A_102 = tpu.memref_squeeze %dma_start3A_101 : memref<1x125xi32, #tpu.memory_space<vmem>> -> memref<125xi32, #tpu.memory_space<vmem>>
        %dma_start3A_103 = arith.constant 0 : i32
        %dma_start3A_104 = arith.constant 0 : i32
        %dma_start3A_105 = tpu.memref_slice %arg2[%dma_start3A_103, %dma_start3A_104] : memref<10000x128xf32, #tpu.memory_space<hbm>> -> memref<10000x128xf32, #tpu.memory_space<hbm>>
        tpu.enqueue_indirect_dma source(%dma_start3A_105 : memref<10000x128xf32, #tpu.memory_space<hbm>>) target(%arg10 : memref<125x128xf32, #tpu.memory_space<vmem>>) offsets(%dma_start3A_102 : memref<125xi32, #tpu.memory_space<vmem>>) semaphore(%arg14 : memref<!tpu.dma_semaphore, #tpu.memory_space<semaphore_mem>>)
      } else {
      }
    }
    %scan3A_29 = arith.constant 20 : i32
    %add3A_30 = arith.constant 40 : i32
    %add3A_31 = arith.addi %mul3A_2, %add3A_30 : i32
    "tpu.region"() ({
      %run_scoped3A = tpu.sem_alloc : memref<!tpu.dma_semaphore, #tpu.memory_space<semaphore_mem>>
      %dma_start3A_67 = arith.constant 0 : i32
      %dma_start3A_68 = tpu.memref_slice %arg3[%add3A_31, %dma_start3A_67] : memref<2560x125xi32, #tpu.memory_space<hbm>> -> memref<40x125xi32, #tpu.memory_space<hbm>>
      %dma_start3A_69 = arith.constant 0 : i32
      %dma_start3A_70 = tpu.memref_slice %arg3[%add3A_31, %dma_start3A_69] : memref<2560x125xi32, #tpu.memory_space<hbm>> -> memref<40x125xi32, #tpu.memory_space<hbm>>
      tpu.enqueue_dma source(%dma_start3A_70 : memref<40x125xi32, #tpu.memory_space<hbm>>) target(%arg7 : memref<40x125xi32, #tpu.memory_space<vmem>>) target_semaphore(%run_scoped3A : memref<!tpu.dma_semaphore, #tpu.memory_space<semaphore_mem>>)
      %dma_wait3A = arith.constant 0 : i32
      %dma_wait3A_71 = tpu.memref_slice %arg3[%add3A_31, %dma_wait3A] : memref<2560x125xi32, #tpu.memory_space<hbm>> -> memref<40x125xi32, #tpu.memory_space<hbm>>
      %dma_wait3A_72 = arith.constant 0 : i32
      %dma_wait3A_73 = tpu.memref_slice %arg3[%add3A_31, %dma_wait3A_72] : memref<2560x125xi32, #tpu.memory_space<hbm>> -> memref<40x125xi32, #tpu.memory_space<hbm>>
      tpu.wait_dma2 semaphore(%run_scoped3A : memref<!tpu.dma_semaphore, #tpu.memory_space<semaphore_mem>>) src(%dma_wait3A_73 : memref<40x125xi32, #tpu.memory_space<hbm>>) dst(%arg7 : memref<40x125xi32, #tpu.memory_space<vmem>>)
      tpu.yield
    }) : () -> ()
    %add3A_32 = arith.constant 40 : i32
    %add3A_33 = arith.addi %mul3A_2, %add3A_32 : i32
    "tpu.region"() ({
      %run_scoped3A = tpu.sem_alloc : memref<!tpu.dma_semaphore, #tpu.memory_space<semaphore_mem>>
      %dma_start3A_67 = arith.constant 0 : i32
      %dma_start3A_68 = tpu.memref_slice %arg4[%add3A_33, %dma_start3A_67] : memref<2560x125xi32, #tpu.memory_space<hbm>> -> memref<40x125xi32, #tpu.memory_space<hbm>>
      %dma_start3A_69 = arith.constant 0 : i32
      %dma_start3A_70 = tpu.memref_slice %arg4[%add3A_33, %dma_start3A_69] : memref<2560x125xi32, #tpu.memory_space<hbm>> -> memref<40x125xi32, #tpu.memory_space<hbm>>
      tpu.enqueue_dma source(%dma_start3A_70 : memref<40x125xi32, #tpu.memory_space<hbm>>) target(%arg8 : memref<40x125xi32, #tpu.memory_space<vmem>>) target_semaphore(%run_scoped3A : memref<!tpu.dma_semaphore, #tpu.memory_space<semaphore_mem>>)
      %dma_wait3A = arith.constant 0 : i32
      %dma_wait3A_71 = tpu.memref_slice %arg4[%add3A_33, %dma_wait3A] : memref<2560x125xi32, #tpu.memory_space<hbm>> -> memref<40x125xi32, #tpu.memory_space<hbm>>
      %dma_wait3A_72 = arith.constant 0 : i32
      %dma_wait3A_73 = tpu.memref_slice %arg4[%add3A_33, %dma_wait3A_72] : memref<2560x125xi32, #tpu.memory_space<hbm>> -> memref<40x125xi32, #tpu.memory_space<hbm>>
      tpu.wait_dma2 semaphore(%run_scoped3A : memref<!tpu.dma_semaphore, #tpu.memory_space<semaphore_mem>>) src(%dma_wait3A_73 : memref<40x125xi32, #tpu.memory_space<hbm>>) dst(%arg8 : memref<40x125xi32, #tpu.memory_space<vmem>>)
      tpu.yield
    }) : () -> ()
    %dma_start3A_34 = arith.constant 0 : i32
    %dma_start3A_35 = arith.constant 0 : i32
    %dma_start3A_36 = tpu.memref_slice %arg7[%dma_start3A_34, %dma_start3A_35] : memref<40x125xi32, #tpu.memory_space<vmem>> -> memref<1x125xi32, #tpu.memory_space<vmem>>
    %dma_start3A_37 = tpu.memref_squeeze %dma_start3A_36 : memref<1x125xi32, #tpu.memory_space<vmem>> -> memref<125xi32, #tpu.memory_space<vmem>>
    %dma_start3A_38 = arith.constant 0 : i32
    %dma_start3A_39 = arith.constant 0 : i32
    %dma_start3A_40 = tpu.memref_slice %arg2[%dma_start3A_38, %dma_start3A_39] : memref<10000x128xf32, #tpu.memory_space<hbm>> -> memref<10000x128xf32, #tpu.memory_space<hbm>>
    tpu.enqueue_indirect_dma source(%dma_start3A_40 : memref<10000x128xf32, #tpu.memory_space<hbm>>) target(%arg9 : memref<125x128xf32, #tpu.memory_space<vmem>>) offsets(%dma_start3A_37 : memref<125xi32, #tpu.memory_space<vmem>>) semaphore(%arg13 : memref<!tpu.dma_semaphore, #tpu.memory_space<semaphore_mem>>)
    %dma_start3A_41 = arith.constant 1 : i32
    %dma_start3A_42 = arith.constant 0 : i32
    %dma_start3A_43 = tpu.memref_slice %arg7[%dma_start3A_41, %dma_start3A_42] : memref<40x125xi32, #tpu.memory_space<vmem>> -> memref<1x125xi32, #tpu.memory_space<vmem>>
    %dma_start3A_44 = tpu.memref_squeeze %dma_start3A_43 : memref<1x125xi32, #tpu.memory_space<vmem>> -> memref<125xi32, #tpu.memory_space<vmem>>
    %dma_start3A_45 = arith.constant 0 : i32
    %dma_start3A_46 = arith.constant 0 : i32
    %dma_start3A_47 = tpu.memref_slice %arg2[%dma_start3A_45, %dma_start3A_46] : memref<10000x128xf32, #tpu.memory_space<hbm>> -> memref<10000x128xf32, #tpu.memory_space<hbm>>
    tpu.enqueue_indirect_dma source(%dma_start3A_47 : memref<10000x128xf32, #tpu.memory_space<hbm>>) target(%arg10 : memref<125x128xf32, #tpu.memory_space<vmem>>) offsets(%dma_start3A_44 : memref<125xi32, #tpu.memory_space<vmem>>) semaphore(%arg14 : memref<!tpu.dma_semaphore, #tpu.memory_space<semaphore_mem>>)
    %scan3A_48 = arith.constant 0 : i32
    %scan3A_49 = arith.constant 0 : i32
    %scan3A_50 = arith.constant 20 : i32
    %scan3A_51 = arith.addi %scan3A_49, %scan3A_50 : i32
    %scan3A_52 = arith.constant 1 : i32
    scf.for %scan3A_67 = %scan3A_49 to %scan3A_51 step %scan3A_52  : i32 {
      %mul3A_68 = arith.constant 2 : i32
      %mul3A_69 = arith.muli %scan3A_67, %mul3A_68 : i32
      %dma_wait3A = arith.constant 0 : i32
      %dma_wait3A_70 = arith.constant 0 : i32
      %dma_wait3A_71 = tpu.memref_slice %arg7[%dma_wait3A, %dma_wait3A_70] : memref<40x125xi32, #tpu.memory_space<vmem>> -> memref<1x125xi32, #tpu.memory_space<vmem>>
      %dma_wait3A_72 = tpu.memref_squeeze %dma_wait3A_71 : memref<1x125xi32, #tpu.memory_space<vmem>> -> memref<125xi32, #tpu.memory_space<vmem>>
      %dma_wait3A_73 = arith.constant 0 : i32
      %dma_wait3A_74 = arith.constant 0 : i32
      %dma_wait3A_75 = tpu.memref_slice %arg2[%dma_wait3A_73, %dma_wait3A_74] : memref<10000x128xf32, #tpu.memory_space<hbm>> -> memref<10000x128xf32, #tpu.memory_space<hbm>>
      tpu.wait_indirect_dma semaphore(%arg13 : memref<!tpu.dma_semaphore, #tpu.memory_space<semaphore_mem>>) src(%dma_wait3A_75 : memref<10000x128xf32, #tpu.memory_space<hbm>>) dst(%arg9 : memref<125x128xf32, #tpu.memory_space<vmem>>)
      "tpu.region"() ({
        %run_scoped3A = tpu.sem_alloc : memref<!tpu.dma_semaphore, #tpu.memory_space<semaphore_mem>>
        %dma_start3A_98 = arith.constant 0 : i32
        %dma_start3A_99 = tpu.memref_slice %arg8[%mul3A_69, %dma_start3A_98] : memref<40x125xi32, #tpu.memory_space<vmem>> -> memref<1x125xi32, #tpu.memory_space<vmem>>
        %dma_start3A_100 = tpu.memref_squeeze %dma_start3A_99 : memref<1x125xi32, #tpu.memory_space<vmem>> -> memref<125xi32, #tpu.memory_space<vmem>>
        %dma_start3A_101 = arith.constant 0 : i32
        %dma_start3A_102 = arith.constant 0 : i32
        %dma_start3A_103 = tpu.memref_slice %arg12[%dma_start3A_101, %dma_start3A_102] : memref<10000x128xf32, #tpu.memory_space<vmem_shared>> -> memref<10000x128xf32, #tpu.memory_space<vmem_shared>>
        tpu.enqueue_indirect_dma source(%arg9 : memref<125x128xf32, #tpu.memory_space<vmem>>) target(%dma_start3A_103 : memref<10000x128xf32, #tpu.memory_space<vmem_shared>>) offsets(%dma_start3A_100 : memref<125xi32, #tpu.memory_space<vmem>>) semaphore(%run_scoped3A : memref<!tpu.dma_semaphore, #tpu.memory_space<semaphore_mem>>) {add = true}
        %dma_wait3A_104 = arith.constant 0 : i32
        %dma_wait3A_105 = tpu.memref_slice %arg8[%mul3A_69, %dma_wait3A_104] : memref<40x125xi32, #tpu.memory_space<vmem>> -> memref<1x125xi32, #tpu.memory_space<vmem>>
        %dma_wait3A_106 = tpu.memref_squeeze %dma_wait3A_105 : memref<1x125xi32, #tpu.memory_space<vmem>> -> memref<125xi32, #tpu.memory_space<vmem>>
        %dma_wait3A_107 = arith.constant 0 : i32
        %dma_wait3A_108 = arith.constant 0 : i32
        %dma_wait3A_109 = tpu.memref_slice %arg12[%dma_wait3A_107, %dma_wait3A_108] : memref<10000x128xf32, #tpu.memory_space<vmem_shared>> -> memref<10000x128xf32, #tpu.memory_space<vmem_shared>>
        tpu.wait_indirect_dma semaphore(%run_scoped3A : memref<!tpu.dma_semaphore, #tpu.memory_space<semaphore_mem>>) src(%arg9 : memref<125x128xf32, #tpu.memory_space<vmem>>) dst(%dma_wait3A_109 : memref<10000x128xf32, #tpu.memory_space<vmem_shared>>)
        tpu.yield
      }) : () -> ()
      %add3A_76 = arith.constant 2 : i32
      %add3A_77 = arith.addi %mul3A_69, %add3A_76 : i32
      %lt3A = arith.constant 40 : i32
      %lt3A_78 = arith.cmpi slt, %add3A_77, %lt3A : i32
      %convert_element_type3A_79 = arith.extui %lt3A_78 : i1 to i32
      %cond3A_80 = arith.constant 0 : i32
      %cond3A_81 = arith.cmpi ne, %convert_element_type3A_79, %cond3A_80 : i32
      scf.if %cond3A_81 {
        %add3A_98 = arith.constant 2 : i32
        %add3A_99 = arith.addi %mul3A_69, %add3A_98 : i32
        %dma_start3A_100 = arith.constant 0 : i32
        %dma_start3A_101 = tpu.memref_slice %arg7[%add3A_99, %dma_start3A_100] : memref<40x125xi32, #tpu.memory_space<vmem>> -> memref<1x125xi32, #tpu.memory_space<vmem>>
        %dma_start3A_102 = tpu.memref_squeeze %dma_start3A_101 : memref<1x125xi32, #tpu.memory_space<vmem>> -> memref<125xi32, #tpu.memory_space<vmem>>
        %dma_start3A_103 = arith.constant 0 : i32
        %dma_start3A_104 = arith.constant 0 : i32
        %dma_start3A_105 = tpu.memref_slice %arg2[%dma_start3A_103, %dma_start3A_104] : memref<10000x128xf32, #tpu.memory_space<hbm>> -> memref<10000x128xf32, #tpu.memory_space<hbm>>
        tpu.enqueue_indirect_dma source(%dma_start3A_105 : memref<10000x128xf32, #tpu.memory_space<hbm>>) target(%arg9 : memref<125x128xf32, #tpu.memory_space<vmem>>) offsets(%dma_start3A_102 : memref<125xi32, #tpu.memory_space<vmem>>) semaphore(%arg13 : memref<!tpu.dma_semaphore, #tpu.memory_space<semaphore_mem>>)
      } else {
      }
      %dma_wait3A_82 = arith.constant 0 : i32
      %dma_wait3A_83 = arith.constant 0 : i32
      %dma_wait3A_84 = tpu.memref_slice %arg7[%dma_wait3A_82, %dma_wait3A_83] : memref<40x125xi32, #tpu.memory_space<vmem>> -> memref<1x125xi32, #tpu.memory_space<vmem>>
      %dma_wait3A_85 = tpu.memref_squeeze %dma_wait3A_84 : memref<1x125xi32, #tpu.memory_space<vmem>> -> memref<125xi32, #tpu.memory_space<vmem>>
      %dma_wait3A_86 = arith.constant 0 : i32
      %dma_wait3A_87 = arith.constant 0 : i32
      %dma_wait3A_88 = tpu.memref_slice %arg2[%dma_wait3A_86, %dma_wait3A_87] : memref<10000x128xf32, #tpu.memory_space<hbm>> -> memref<10000x128xf32, #tpu.memory_space<hbm>>
      tpu.wait_indirect_dma semaphore(%arg14 : memref<!tpu.dma_semaphore, #tpu.memory_space<semaphore_mem>>) src(%dma_wait3A_88 : memref<10000x128xf32, #tpu.memory_space<hbm>>) dst(%arg10 : memref<125x128xf32, #tpu.memory_space<vmem>>)
      %add3A_89 = arith.constant 1 : i32
      %add3A_90 = arith.addi %mul3A_69, %add3A_89 : i32
      "tpu.region"() ({
        %run_scoped3A = tpu.sem_alloc : memref<!tpu.dma_semaphore, #tpu.memory_space<semaphore_mem>>
        %dma_start3A_98 = arith.constant 0 : i32
        %dma_start3A_99 = tpu.memref_slice %arg8[%add3A_90, %dma_start3A_98] : memref<40x125xi32, #tpu.memory_space<vmem>> -> memref<1x125xi32, #tpu.memory_space<vmem>>
        %dma_start3A_100 = tpu.memref_squeeze %dma_start3A_99 : memref<1x125xi32, #tpu.memory_space<vmem>> -> memref<125xi32, #tpu.memory_space<vmem>>
        %dma_start3A_101 = arith.constant 0 : i32
        %dma_start3A_102 = arith.constant 0 : i32
        %dma_start3A_103 = tpu.memref_slice %arg12[%dma_start3A_101, %dma_start3A_102] : memref<10000x128xf32, #tpu.memory_space<vmem_shared>> -> memref<10000x128xf32, #tpu.memory_space<vmem_shared>>
        tpu.enqueue_indirect_dma source(%arg10 : memref<125x128xf32, #tpu.memory_space<vmem>>) target(%dma_start3A_103 : memref<10000x128xf32, #tpu.memory_space<vmem_shared>>) offsets(%dma_start3A_100 : memref<125xi32, #tpu.memory_space<vmem>>) semaphore(%run_scoped3A : memref<!tpu.dma_semaphore, #tpu.memory_space<semaphore_mem>>) {add = true}
        %dma_wait3A_104 = arith.constant 0 : i32
        %dma_wait3A_105 = tpu.memref_slice %arg8[%add3A_90, %dma_wait3A_104] : memref<40x125xi32, #tpu.memory_space<vmem>> -> memref<1x125xi32, #tpu.memory_space<vmem>>
        %dma_wait3A_106 = tpu.memref_squeeze %dma_wait3A_105 : memref<1x125xi32, #tpu.memory_space<vmem>> -> memref<125xi32, #tpu.memory_space<vmem>>
        %dma_wait3A_107 = arith.constant 0 : i32
        %dma_wait3A_108 = arith.constant 0 : i32
        %dma_wait3A_109 = tpu.memref_slice %arg12[%dma_wait3A_107, %dma_wait3A_108] : memref<10000x128xf32, #tpu.memory_space<vmem_shared>> -> memref<10000x128xf32, #tpu.memory_space<vmem_shared>>
        tpu.wait_indirect_dma semaphore(%run_scoped3A : memref<!tpu.dma_semaphore, #tpu.memory_space<semaphore_mem>>) src(%arg10 : memref<125x128xf32, #tpu.memory_space<vmem>>) dst(%dma_wait3A_109 : memref<10000x128xf32, #tpu.memory_space<vmem_shared>>)
        tpu.yield
      }) : () -> ()
      %add3A_91 = arith.constant 3 : i32
      %add3A_92 = arith.addi %mul3A_69, %add3A_91 : i32
      %lt3A_93 = arith.constant 40 : i32
      %lt3A_94 = arith.cmpi slt, %add3A_92, %lt3A_93 : i32
      %convert_element_type3A_95 = arith.extui %lt3A_94 : i1 to i32
      %cond3A_96 = arith.constant 0 : i32
      %cond3A_97 = arith.cmpi ne, %convert_element_type3A_95, %cond3A_96 : i32
      scf.if %cond3A_97 {
        %add3A_98 = arith.constant 3 : i32
        %add3A_99 = arith.addi %mul3A_69, %add3A_98 : i32
        %dma_start3A_100 = arith.constant 0 : i32
        %dma_start3A_101 = tpu.memref_slice %arg7[%add3A_99, %dma_start3A_100] : memref<40x125xi32, #tpu.memory_space<vmem>> -> memref<1x125xi32, #tpu.memory_space<vmem>>
        %dma_start3A_102 = tpu.memref_squeeze %dma_start3A_101 : memref<1x125xi32, #tpu.memory_space<vmem>> -> memref<125xi32, #tpu.memory_space<vmem>>
        %dma_start3A_103 = arith.constant 0 : i32
        %dma_start3A_104 = arith.constant 0 : i32
        %dma_start3A_105 = tpu.memref_slice %arg2[%dma_start3A_103, %dma_start3A_104] : memref<10000x128xf32, #tpu.memory_space<hbm>> -> memref<10000x128xf32, #tpu.memory_space<hbm>>
        tpu.enqueue_indirect_dma source(%dma_start3A_105 : memref<10000x128xf32, #tpu.memory_space<hbm>>) target(%arg10 : memref<125x128xf32, #tpu.memory_space<vmem>>) offsets(%dma_start3A_102 : memref<125xi32, #tpu.memory_space<vmem>>) semaphore(%arg14 : memref<!tpu.dma_semaphore, #tpu.memory_space<semaphore_mem>>)
      } else {
      }
    }
    %scan3A_53 = arith.constant 20 : i32
    %barrier3A_54 = arith.constant 0 : index
    tpu.barrier barrier_id(%barrier3A_54)
    %mul3A_55 = arith.constant 624 : i32
    %mul3A_56 = arith.muli %arg1, %mul3A_55 : i32
    %eq3A_57 = arith.constant 0 : i32
    %eq3A_58 = arith.cmpi eq, %arg0, %eq3A_57 : i32
    %convert_element_type3A_59 = arith.extui %eq3A_58 : i1 to i32
    %cond3A_60 = arith.constant 0 : i32
    %cond3A_61 = arith.cmpi ne, %convert_element_type3A_59, %cond3A_60 : i32
    scf.if %cond3A_61 {
      "tpu.region"() ({
        %run_scoped3A = tpu.sem_alloc : memref<!tpu.dma_semaphore, #tpu.memory_space<semaphore_mem>>
        %dma_start3A_72 = arith.constant 0 : i32
        %dma_start3A_73 = tpu.memref_slice %arg5[%mul3A_56, %dma_start3A_72] : memref<10000x128xf32, #tpu.memory_space<hbm>> -> memref<624x128xf32, #tpu.memory_space<hbm>>
        %dma_start3A_74 = arith.constant 0 : i32
        %dma_start3A_75 = tpu.memref_slice %arg12[%mul3A_56, %dma_start3A_74] : memref<10000x128xf32, #tpu.memory_space<vmem_shared>> -> memref<624x128xf32, #tpu.memory_space<vmem_shared>>
        tpu.enqueue_dma source(%dma_start3A_75 : memref<624x128xf32, #tpu.memory_space<vmem_shared>>) target(%dma_start3A_73 : memref<624x128xf32, #tpu.memory_space<hbm>>) target_semaphore(%run_scoped3A : memref<!tpu.dma_semaphore, #tpu.memory_space<semaphore_mem>>)
        %dma_wait3A = arith.constant 0 : i32
        %dma_wait3A_76 = tpu.memref_slice %arg5[%mul3A_56, %dma_wait3A] : memref<10000x128xf32, #tpu.memory_space<hbm>> -> memref<624x128xf32, #tpu.memory_space<hbm>>
        %dma_wait3A_77 = arith.constant 0 : i32
        %dma_wait3A_78 = tpu.memref_slice %arg12[%mul3A_56, %dma_wait3A_77] : memref<10000x128xf32, #tpu.memory_space<vmem_shared>> -> memref<624x128xf32, #tpu.memory_space<vmem_shared>>
        tpu.wait_dma2 semaphore(%run_scoped3A : memref<!tpu.dma_semaphore, #tpu.memory_space<semaphore_mem>>) src(%dma_wait3A_78 : memref<624x128xf32, #tpu.memory_space<vmem_shared>>) dst(%dma_wait3A_76 : memref<624x128xf32, #tpu.memory_space<hbm>>)
        tpu.yield
      }) : () -> ()
      %eq3A_67 = arith.constant 15 : i32
      %eq3A_68 = arith.cmpi eq, %arg1, %eq3A_67 : i32
      %convert_element_type3A_69 = arith.extui %eq3A_68 : i1 to i32
      %cond3A_70 = arith.constant 0 : i32
      %cond3A_71 = arith.cmpi ne, %convert_element_type3A_69, %cond3A_70 : i32
      scf.if %cond3A_71 {
        "tpu.region"() ({
          %run_scoped3A = tpu.sem_alloc : memref<!tpu.dma_semaphore, #tpu.memory_space<semaphore_mem>>
          %dma_start3A_72 = arith.constant 9984 : i32
          %dma_start3A_73 = arith.constant 0 : i32
          %dma_start3A_74 = tpu.memref_slice %arg5[%dma_start3A_72, %dma_start3A_73] : memref<10000x128xf32, #tpu.memory_space<hbm>> -> memref<16x128xf32, #tpu.memory_space<hbm>>
          %dma_start3A_75 = arith.constant 9984 : i32
          %dma_start3A_76 = arith.constant 0 : i32
          %dma_start3A_77 = tpu.memref_slice %arg12[%dma_start3A_75, %dma_start3A_76] : memref<10000x128xf32, #tpu.memory_space<vmem_shared>> -> memref<16x128xf32, #tpu.memory_space<vmem_shared>>
          tpu.enqueue_dma source(%dma_start3A_77 : memref<16x128xf32, #tpu.memory_space<vmem_shared>>) target(%dma_start3A_74 : memref<16x128xf32, #tpu.memory_space<hbm>>) target_semaphore(%run_scoped3A : memref<!tpu.dma_semaphore, #tpu.memory_space<semaphore_mem>>)
          %dma_wait3A = arith.constant 9984 : i32
          %dma_wait3A_78 = arith.constant 0 : i32
          %dma_wait3A_79 = tpu.memref_slice %arg5[%dma_wait3A, %dma_wait3A_78] : memref<10000x128xf32, #tpu.memory_space<hbm>> -> memref<16x128xf32, #tpu.memory_space<hbm>>
          %dma_wait3A_80 = arith.constant 9984 : i32
          %dma_wait3A_81 = arith.constant 0 : i32
          %dma_wait3A_82 = tpu.memref_slice %arg12[%dma_wait3A_80, %dma_wait3A_81] : memref<10000x128xf32, #tpu.memory_space<vmem_shared>> -> memref<16x128xf32, #tpu.memory_space<vmem_shared>>
          tpu.wait_dma2 semaphore(%run_scoped3A : memref<!tpu.dma_semaphore, #tpu.memory_space<semaphore_mem>>) src(%dma_wait3A_82 : memref<16x128xf32, #tpu.memory_space<vmem_shared>>) dst(%dma_wait3A_79 : memref<16x128xf32, #tpu.memory_space<hbm>>)
          tpu.yield
        }) : () -> ()
      } else {
      }
    } else {
    }
    %eq3A_62 = arith.constant 1 : i32
    %eq3A_63 = arith.cmpi eq, %arg0, %eq3A_62 : i32
    %convert_element_type3A_64 = arith.extui %eq3A_63 : i1 to i32
    %cond3A_65 = arith.constant 0 : i32
    %cond3A_66 = arith.cmpi ne, %convert_element_type3A_64, %cond3A_65 : i32
    scf.if %cond3A_66 {
      "tpu.region"() ({
        %run_scoped3A = tpu.sem_alloc : memref<!tpu.dma_semaphore, #tpu.memory_space<semaphore_mem>>
        %dma_start3A_72 = arith.constant 0 : i32
        %dma_start3A_73 = tpu.memref_slice %arg6[%mul3A_56, %dma_start3A_72] : memref<10000x128xf32, #tpu.memory_space<hbm>> -> memref<624x128xf32, #tpu.memory_space<hbm>>
        %dma_start3A_74 = arith.constant 0 : i32
        %dma_start3A_75 = tpu.memref_slice %arg12[%mul3A_56, %dma_start3A_74] : memref<10000x128xf32, #tpu.memory_space<vmem_shared>> -> memref<624x128xf32, #tpu.memory_space<vmem_shared>>
        tpu.enqueue_dma source(%dma_start3A_75 : memref<624x128xf32, #tpu.memory_space<vmem_shared>>) target(%dma_start3A_73 : memref<624x128xf32, #tpu.memory_space<hbm>>) target_semaphore(%run_scoped3A : memref<!tpu.dma_semaphore, #tpu.memory_space<semaphore_mem>>)
        %dma_wait3A = arith.constant 0 : i32
        %dma_wait3A_76 = tpu.memref_slice %arg6[%mul3A_56, %dma_wait3A] : memref<10000x128xf32, #tpu.memory_space<hbm>> -> memref<624x128xf32, #tpu.memory_space<hbm>>
        %dma_wait3A_77 = arith.constant 0 : i32
        %dma_wait3A_78 = tpu.memref_slice %arg12[%mul3A_56, %dma_wait3A_77] : memref<10000x128xf32, #tpu.memory_space<vmem_shared>> -> memref<624x128xf32, #tpu.memory_space<vmem_shared>>
        tpu.wait_dma2 semaphore(%run_scoped3A : memref<!tpu.dma_semaphore, #tpu.memory_space<semaphore_mem>>) src(%dma_wait3A_78 : memref<624x128xf32, #tpu.memory_space<vmem_shared>>) dst(%dma_wait3A_76 : memref<624x128xf32, #tpu.memory_space<hbm>>)
        tpu.yield
      }) : () -> ()
      %eq3A_67 = arith.constant 15 : i32
      %eq3A_68 = arith.cmpi eq, %arg1, %eq3A_67 : i32
      %convert_element_type3A_69 = arith.extui %eq3A_68 : i1 to i32
      %cond3A_70 = arith.constant 0 : i32
      %cond3A_71 = arith.cmpi ne, %convert_element_type3A_69, %cond3A_70 : i32
      scf.if %cond3A_71 {
        "tpu.region"() ({
          %run_scoped3A = tpu.sem_alloc : memref<!tpu.dma_semaphore, #tpu.memory_space<semaphore_mem>>
          %dma_start3A_72 = arith.constant 9984 : i32
          %dma_start3A_73 = arith.constant 0 : i32
          %dma_start3A_74 = tpu.memref_slice %arg6[%dma_start3A_72, %dma_start3A_73] : memref<10000x128xf32, #tpu.memory_space<hbm>> -> memref<16x128xf32, #tpu.memory_space<hbm>>
          %dma_start3A_75 = arith.constant 9984 : i32
          %dma_start3A_76 = arith.constant 0 : i32
          %dma_start3A_77 = tpu.memref_slice %arg12[%dma_start3A_75, %dma_start3A_76] : memref<10000x128xf32, #tpu.memory_space<vmem_shared>> -> memref<16x128xf32, #tpu.memory_space<vmem_shared>>
          tpu.enqueue_dma source(%dma_start3A_77 : memref<16x128xf32, #tpu.memory_space<vmem_shared>>) target(%dma_start3A_74 : memref<16x128xf32, #tpu.memory_space<hbm>>) target_semaphore(%run_scoped3A : memref<!tpu.dma_semaphore, #tpu.memory_space<semaphore_mem>>)
          %dma_wait3A = arith.constant 9984 : i32
          %dma_wait3A_78 = arith.constant 0 : i32
          %dma_wait3A_79 = tpu.memref_slice %arg6[%dma_wait3A, %dma_wait3A_78] : memref<10000x128xf32, #tpu.memory_space<hbm>> -> memref<16x128xf32, #tpu.memory_space<hbm>>
          %dma_wait3A_80 = arith.constant 9984 : i32
          %dma_wait3A_81 = arith.constant 0 : i32
          %dma_wait3A_82 = tpu.memref_slice %arg12[%dma_wait3A_80, %dma_wait3A_81] : memref<10000x128xf32, #tpu.memory_space<vmem_shared>> -> memref<16x128xf32, #tpu.memory_space<vmem_shared>>
          tpu.wait_dma2 semaphore(%run_scoped3A : memref<!tpu.dma_semaphore, #tpu.memory_space<semaphore_mem>>) src(%dma_wait3A_82 : memref<16x128xf32, #tpu.memory_space<vmem_shared>>) dst(%dma_wait3A_79 : memref<16x128xf32, #tpu.memory_space<hbm>>)
          tpu.yield
        }) : () -> ()
      } else {
      }
    } else {
    }
    return
  }
}

module attributes {stable_mosaic.version = 14 : i64} {
  func.func @_stage1_body(%arg0: i32, %arg1: memref<2000x128xf32, #tpu.memory_space<vmem>>, %arg2: memref<128x128xf32, #tpu.memory_space<vmem>>, %arg3: memref<1x128xf32, #tpu.memory_space<vmem>>, %arg4: memref<1x128xf32, #tpu.memory_space<vmem>>, %arg5: memref<1x128xf32, #tpu.memory_space<vmem>>, %arg6: memref<1x128xf32, #tpu.memory_space<vmem>>, %arg7: memref<1x128xf32, #tpu.memory_space<vmem>>, %arg8: memref<128x128xf32, #tpu.memory_space<vmem>>, %arg9: memref<1x128xf32, #tpu.memory_space<vmem>>, %arg10: memref<2000x128xf32, #tpu.memory_space<vmem>>) attributes {dimension_semantics = [#tpu.dimension_semantics<arbitrary>], iteration_bounds = array<i64: 5>, scalar_prefetch = 0 : i64, scratch_operands = 0 : i64, tpu.core_type = #tpu.core_type<tc>, window_params = [{transform_indices = @transform_0, window_bounds = array<i64: 2000, 128>}, {pipeline_mode = #tpu.pipeline_mode<synchronous>, transform_indices = @transform_1, window_bounds = array<i64: 128, 128>}, {pipeline_mode = #tpu.pipeline_mode<synchronous>, transform_indices = @transform_2, window_bounds = array<i64: 1, 128>}, {pipeline_mode = #tpu.pipeline_mode<synchronous>, transform_indices = @transform_3, window_bounds = array<i64: 1, 128>}, {pipeline_mode = #tpu.pipeline_mode<synchronous>, transform_indices = @transform_4, window_bounds = array<i64: 1, 128>}, {pipeline_mode = #tpu.pipeline_mode<synchronous>, transform_indices = @transform_5, window_bounds = array<i64: 1, 128>}, {pipeline_mode = #tpu.pipeline_mode<synchronous>, transform_indices = @transform_6, window_bounds = array<i64: 1, 128>}, {pipeline_mode = #tpu.pipeline_mode<synchronous>, transform_indices = @transform_7, window_bounds = array<i64: 128, 128>}, {pipeline_mode = #tpu.pipeline_mode<synchronous>, transform_indices = @transform_8, window_bounds = array<i64: 1, 128>}, {transform_indices = @transform_9, window_bounds = array<i64: 2000, 128>}]} {
    %get3A = arith.constant 0 : index
    %get3A_0 = arith.constant 0 : index
    %get3A_1 = vector.load %arg1[%get3A, %get3A_0] : memref<2000x128xf32, #tpu.memory_space<vmem>>, vector<2000x128xf32>
    %get3A_2 = arith.constant 0 : index
    %get3A_3 = arith.constant 0 : index
    %get3A_4 = vector.load %arg2[%get3A_2, %get3A_3] : memref<128x128xf32, #tpu.memory_space<vmem>>, vector<128x128xf32>
    %dot_general3A = arith.constant dense<0.000000e+00> : vector<2000x128xf32>
    %dot_general3A_5 = tpu.matmul %get3A_1, %get3A_4, %dot_general3A {dimension_numbers = #tpu.dot_dimension_numbers<[1], [0], [0], [1], [0, 0, 1, 1], [], []>, transpose_lhs_hint = false} : vector<2000x128xf32>, vector<128x128xf32>, vector<2000x128xf32> -> vector<2000x128xf32>
    %get3A_6 = arith.constant 0 : index
    %get3A_7 = arith.constant 0 : index
    %get3A_8 = vector.load %arg3[%get3A_6, %get3A_7] : memref<1x128xf32, #tpu.memory_space<vmem>>, vector<1x128xf32>
    %add3A = vector.broadcast %get3A_8 : vector<1x128xf32> to vector<2000x128xf32>
    %add3A_9 = arith.addf %dot_general3A_5, %add3A : vector<2000x128xf32>
    %max3A = arith.constant 0.000000e+00 : f32
    %max3A_10 = vector.broadcast %max3A : f32 to vector<2000x128xf32>
    %max3A_11 = arith.maximumf %add3A_9, %max3A_10 : vector<2000x128xf32>
    %get3A_12 = arith.constant 0 : index
    %get3A_13 = arith.constant 0 : index
    %get3A_14 = vector.load %arg6[%get3A_12, %get3A_13] : memref<1x128xf32, #tpu.memory_space<vmem>>, vector<1x128xf32>
    %sub3A = vector.broadcast %get3A_14 : vector<1x128xf32> to vector<2000x128xf32>
    %sub3A_15 = arith.subf %max3A_11, %sub3A : vector<2000x128xf32>
    %get3A_16 = arith.constant 0 : index
    %get3A_17 = arith.constant 0 : index
    %get3A_18 = vector.load %arg7[%get3A_16, %get3A_17] : memref<1x128xf32, #tpu.memory_space<vmem>>, vector<1x128xf32>
    %add3A_19 = arith.constant 1.000000e-03 : f32
    %add3A_20 = vector.broadcast %add3A_19 : f32 to vector<1x128xf32>
    %add3A_21 = arith.addf %get3A_18, %add3A_20 : vector<1x128xf32>
    %sqrt3A = math.sqrt %add3A_21 : vector<1x128xf32>
    %div3A = vector.broadcast %sqrt3A : vector<1x128xf32> to vector<2000x128xf32>
    %div3A_22 = arith.divf %sub3A_15, %div3A : vector<2000x128xf32>
    %get3A_23 = arith.constant 0 : index
    %get3A_24 = arith.constant 0 : index
    %get3A_25 = vector.load %arg4[%get3A_23, %get3A_24] : memref<1x128xf32, #tpu.memory_space<vmem>>, vector<1x128xf32>
    %mul3A = vector.broadcast %get3A_25 : vector<1x128xf32> to vector<2000x128xf32>
    %mul3A_26 = arith.mulf %div3A_22, %mul3A : vector<2000x128xf32>
    %get3A_27 = arith.constant 0 : index
    %get3A_28 = arith.constant 0 : index
    %get3A_29 = vector.load %arg5[%get3A_27, %get3A_28] : memref<1x128xf32, #tpu.memory_space<vmem>>, vector<1x128xf32>
    %add3A_30 = vector.broadcast %get3A_29 : vector<1x128xf32> to vector<2000x128xf32>
    %add3A_31 = arith.addf %mul3A_26, %add3A_30 : vector<2000x128xf32>
    %get3A_32 = arith.constant 0 : index
    %get3A_33 = arith.constant 0 : index
    %get3A_34 = vector.load %arg8[%get3A_32, %get3A_33] : memref<128x128xf32, #tpu.memory_space<vmem>>, vector<128x128xf32>
    %dot_general3A_35 = arith.constant dense<0.000000e+00> : vector<2000x128xf32>
    %dot_general3A_36 = tpu.matmul %add3A_31, %get3A_34, %dot_general3A_35 {dimension_numbers = #tpu.dot_dimension_numbers<[1], [0], [0], [1], [0, 0, 1, 1], [], []>, transpose_lhs_hint = false} : vector<2000x128xf32>, vector<128x128xf32>, vector<2000x128xf32> -> vector<2000x128xf32>
    %get3A_37 = arith.constant 0 : index
    %get3A_38 = arith.constant 0 : index
    %get3A_39 = vector.load %arg9[%get3A_37, %get3A_38] : memref<1x128xf32, #tpu.memory_space<vmem>>, vector<1x128xf32>
    %add3A_40 = vector.broadcast %get3A_39 : vector<1x128xf32> to vector<2000x128xf32>
    %add3A_41 = arith.addf %dot_general3A_36, %add3A_40 : vector<2000x128xf32>
    %max3A_42 = arith.constant 0.000000e+00 : f32
    %max3A_43 = vector.broadcast %max3A_42 : f32 to vector<2000x128xf32>
    %max3A_44 = arith.maximumf %add3A_41, %max3A_43 : vector<2000x128xf32>
    %swap3A = arith.constant 0 : index
    %swap3A_45 = arith.constant 0 : index
    %swap3A_46 = vector.load %arg10[%swap3A, %swap3A_45] : memref<2000x128xf32, #tpu.memory_space<vmem>>, vector<2000x128xf32>
    tpu.vector_store %arg10[%swap3A, %swap3A_45], %max3A_44 {strides = array<i32>} : memref<2000x128xf32, #tpu.memory_space<vmem>>, vector<2000x128xf32>,
    return
  }
  func.func @transform_0(%arg0: i32) -> (i32, i32) {
    %c0_i32 = arith.constant 0 : i32
    %c0_i32_0 = arith.constant 0 : i32
    return %arg0, %c0_i32 : i32, i32
  }
  func.func @transform_1(%arg0: i32) -> (i32, i32) {
    %c0_i32 = arith.constant 0 : i32
    %c0_i32_0 = arith.constant 0 : i32
    %c0_i32_1 = arith.constant 0 : i32
    return %c0_i32, %c0_i32_0 : i32, i32
  }
  func.func @transform_2(%arg0: i32) -> (i32, i32) {
    %c0_i32 = arith.constant 0 : i32
    %c0_i32_0 = arith.constant 0 : i32
    %c0_i32_1 = arith.constant 0 : i32
    return %c0_i32, %c0_i32_0 : i32, i32
  }
  func.func @transform_3(%arg0: i32) -> (i32, i32) {
    %c0_i32 = arith.constant 0 : i32
    %c0_i32_0 = arith.constant 0 : i32
    %c0_i32_1 = arith.constant 0 : i32
    return %c0_i32, %c0_i32_0 : i32, i32
  }
  func.func @transform_4(%arg0: i32) -> (i32, i32) {
    %c0_i32 = arith.constant 0 : i32
    %c0_i32_0 = arith.constant 0 : i32
    %c0_i32_1 = arith.constant 0 : i32
    return %c0_i32, %c0_i32_0 : i32, i32
  }
  func.func @transform_5(%arg0: i32) -> (i32, i32) {
    %c0_i32 = arith.constant 0 : i32
    %c0_i32_0 = arith.constant 0 : i32
    %c0_i32_1 = arith.constant 0 : i32
    return %c0_i32, %c0_i32_0 : i32, i32
  }
  func.func @transform_6(%arg0: i32) -> (i32, i32) {
    %c0_i32 = arith.constant 0 : i32
    %c0_i32_0 = arith.constant 0 : i32
    %c0_i32_1 = arith.constant 0 : i32
    return %c0_i32, %c0_i32_0 : i32, i32
  }
  func.func @transform_7(%arg0: i32) -> (i32, i32) {
    %c0_i32 = arith.constant 0 : i32
    %c0_i32_0 = arith.constant 0 : i32
    %c0_i32_1 = arith.constant 0 : i32
    return %c0_i32, %c0_i32_0 : i32, i32
  }
  func.func @transform_8(%arg0: i32) -> (i32, i32) {
    %c0_i32 = arith.constant 0 : i32
    %c0_i32_0 = arith.constant 0 : i32
    %c0_i32_1 = arith.constant 0 : i32
    return %c0_i32, %c0_i32_0 : i32, i32
  }
  func.func @transform_9(%arg0: i32) -> (i32, i32) {
    %c0_i32 = arith.constant 0 : i32
    %c0_i32_0 = arith.constant 0 : i32
    return %arg0, %c0_i32 : i32, i32
  }
}

module attributes {stable_mosaic.version = 14 : i64} {
  func.func @_stage2_body(%arg0: i32, %arg1: memref<2000x128xf32, #tpu.memory_space<vmem>>, %arg2: memref<2000x128xf32, #tpu.memory_space<vmem>>, %arg3: memref<128x128xf32, #tpu.memory_space<vmem>>, %arg4: memref<1x128xf32, #tpu.memory_space<vmem>>, %arg5: memref<1x128xf32, #tpu.memory_space<vmem>>, %arg6: memref<1x128xf32, #tpu.memory_space<vmem>>, %arg7: memref<1x128xf32, #tpu.memory_space<vmem>>, %arg8: memref<1x128xf32, #tpu.memory_space<vmem>>, %arg9: memref<2000x128xf32, #tpu.memory_space<vmem>>) attributes {dimension_semantics = [#tpu.dimension_semantics<arbitrary>], iteration_bounds = array<i64: 5>, scalar_prefetch = 0 : i64, scratch_operands = 0 : i64, tpu.core_type = #tpu.core_type<tc>, window_params = [{transform_indices = @transform_0, window_bounds = array<i64: 2000, 128>}, {transform_indices = @transform_1, window_bounds = array<i64: 2000, 128>}, {pipeline_mode = #tpu.pipeline_mode<synchronous>, transform_indices = @transform_2, window_bounds = array<i64: 128, 128>}, {pipeline_mode = #tpu.pipeline_mode<synchronous>, transform_indices = @transform_3, window_bounds = array<i64: 1, 128>}, {pipeline_mode = #tpu.pipeline_mode<synchronous>, transform_indices = @transform_4, window_bounds = array<i64: 1, 128>}, {pipeline_mode = #tpu.pipeline_mode<synchronous>, transform_indices = @transform_5, window_bounds = array<i64: 1, 128>}, {pipeline_mode = #tpu.pipeline_mode<synchronous>, transform_indices = @transform_6, window_bounds = array<i64: 1, 128>}, {pipeline_mode = #tpu.pipeline_mode<synchronous>, transform_indices = @transform_7, window_bounds = array<i64: 1, 128>}, {transform_indices = @transform_8, window_bounds = array<i64: 2000, 128>}]} {
    %get3A = arith.constant 0 : index
    %get3A_0 = arith.constant 0 : index
    %get3A_1 = vector.load %arg1[%get3A, %get3A_0] : memref<2000x128xf32, #tpu.memory_space<vmem>>, vector<2000x128xf32>
    %get3A_2 = arith.constant 0 : index
    %get3A_3 = arith.constant 0 : index
    %get3A_4 = vector.load %arg2[%get3A_2, %get3A_3] : memref<2000x128xf32, #tpu.memory_space<vmem>>, vector<2000x128xf32>
    %add3A = arith.addf %get3A_1, %get3A_4 : vector<2000x128xf32>
    %get3A_5 = arith.constant 0 : index
    %get3A_6 = arith.constant 0 : index
    %get3A_7 = vector.load %arg3[%get3A_5, %get3A_6] : memref<128x128xf32, #tpu.memory_space<vmem>>, vector<128x128xf32>
    %dot_general3A = arith.constant dense<0.000000e+00> : vector<2000x128xf32>
    %dot_general3A_8 = tpu.matmul %add3A, %get3A_7, %dot_general3A {dimension_numbers = #tpu.dot_dimension_numbers<[1], [0], [0], [1], [0, 0, 1, 1], [], []>, transpose_lhs_hint = false} : vector<2000x128xf32>, vector<128x128xf32>, vector<2000x128xf32> -> vector<2000x128xf32>
    %get3A_9 = arith.constant 0 : index
    %get3A_10 = arith.constant 0 : index
    %get3A_11 = vector.load %arg4[%get3A_9, %get3A_10] : memref<1x128xf32, #tpu.memory_space<vmem>>, vector<1x128xf32>
    %add3A_12 = vector.broadcast %get3A_11 : vector<1x128xf32> to vector<2000x128xf32>
    %add3A_13 = arith.addf %dot_general3A_8, %add3A_12 : vector<2000x128xf32>
    %max3A = arith.constant 0.000000e+00 : f32
    %max3A_14 = vector.broadcast %max3A : f32 to vector<2000x128xf32>
    %max3A_15 = arith.maximumf %add3A_13, %max3A_14 : vector<2000x128xf32>
    %get3A_16 = arith.constant 0 : index
    %get3A_17 = arith.constant 0 : index
    %get3A_18 = vector.load %arg7[%get3A_16, %get3A_17] : memref<1x128xf32, #tpu.memory_space<vmem>>, vector<1x128xf32>
    %sub3A = vector.broadcast %get3A_18 : vector<1x128xf32> to vector<2000x128xf32>
    %sub3A_19 = arith.subf %max3A_15, %sub3A : vector<2000x128xf32>
    %get3A_20 = arith.constant 0 : index
    %get3A_21 = arith.constant 0 : index
    %get3A_22 = vector.load %arg8[%get3A_20, %get3A_21] : memref<1x128xf32, #tpu.memory_space<vmem>>, vector<1x128xf32>
    %add3A_23 = arith.constant 1.000000e-03 : f32
    %add3A_24 = vector.broadcast %add3A_23 : f32 to vector<1x128xf32>
    %add3A_25 = arith.addf %get3A_22, %add3A_24 : vector<1x128xf32>
    %sqrt3A = math.sqrt %add3A_25 : vector<1x128xf32>
    %div3A = vector.broadcast %sqrt3A : vector<1x128xf32> to vector<2000x128xf32>
    %div3A_26 = arith.divf %sub3A_19, %div3A : vector<2000x128xf32>
    %get3A_27 = arith.constant 0 : index
    %get3A_28 = arith.constant 0 : index
    %get3A_29 = vector.load %arg5[%get3A_27, %get3A_28] : memref<1x128xf32, #tpu.memory_space<vmem>>, vector<1x128xf32>
    %mul3A = vector.broadcast %get3A_29 : vector<1x128xf32> to vector<2000x128xf32>
    %mul3A_30 = arith.mulf %div3A_26, %mul3A : vector<2000x128xf32>
    %get3A_31 = arith.constant 0 : index
    %get3A_32 = arith.constant 0 : index
    %get3A_33 = vector.load %arg6[%get3A_31, %get3A_32] : memref<1x128xf32, #tpu.memory_space<vmem>>, vector<1x128xf32>
    %add3A_34 = vector.broadcast %get3A_33 : vector<1x128xf32> to vector<2000x128xf32>
    %add3A_35 = arith.addf %mul3A_30, %add3A_34 : vector<2000x128xf32>
    %swap3A = arith.constant 0 : index
    %swap3A_36 = arith.constant 0 : index
    %swap3A_37 = vector.load %arg9[%swap3A, %swap3A_36] : memref<2000x128xf32, #tpu.memory_space<vmem>>, vector<2000x128xf32>
    tpu.vector_store %arg9[%swap3A, %swap3A_36], %add3A_35 {strides = array<i32>} : memref<2000x128xf32, #tpu.memory_space<vmem>>, vector<2000x128xf32>,
    return
  }
  func.func @transform_0(%arg0: i32) -> (i32, i32) {
    %c0_i32 = arith.constant 0 : i32
    %c0_i32_0 = arith.constant 0 : i32
    return %arg0, %c0_i32 : i32, i32
  }
  func.func @transform_1(%arg0: i32) -> (i32, i32) {
    %c0_i32 = arith.constant 0 : i32
    %c0_i32_0 = arith.constant 0 : i32
    return %arg0, %c0_i32 : i32, i32
  }
  func.func @transform_2(%arg0: i32) -> (i32, i32) {
    %c0_i32 = arith.constant 0 : i32
    %c0_i32_0 = arith.constant 0 : i32
    %c0_i32_1 = arith.constant 0 : i32
    return %c0_i32, %c0_i32_0 : i32, i32
  }
  func.func @transform_3(%arg0: i32) -> (i32, i32) {
    %c0_i32 = arith.constant 0 : i32
    %c0_i32_0 = arith.constant 0 : i32
    %c0_i32_1 = arith.constant 0 : i32
    return %c0_i32, %c0_i32_0 : i32, i32
  }
  func.func @transform_4(%arg0: i32) -> (i32, i32) {
    %c0_i32 = arith.constant 0 : i32
    %c0_i32_0 = arith.constant 0 : i32
    %c0_i32_1 = arith.constant 0 : i32
    return %c0_i32, %c0_i32_0 : i32, i32
  }
  func.func @transform_5(%arg0: i32) -> (i32, i32) {
    %c0_i32 = arith.constant 0 : i32
    %c0_i32_0 = arith.constant 0 : i32
    %c0_i32_1 = arith.constant 0 : i32
    return %c0_i32, %c0_i32_0 : i32, i32
  }
  func.func @transform_6(%arg0: i32) -> (i32, i32) {
    %c0_i32 = arith.constant 0 : i32
    %c0_i32_0 = arith.constant 0 : i32
    %c0_i32_1 = arith.constant 0 : i32
    return %c0_i32, %c0_i32_0 : i32, i32
  }
  func.func @transform_7(%arg0: i32) -> (i32, i32) {
    %c0_i32 = arith.constant 0 : i32
    %c0_i32_0 = arith.constant 0 : i32
    %c0_i32_1 = arith.constant 0 : i32
    return %c0_i32, %c0_i32_0 : i32, i32
  }
  func.func @transform_8(%arg0: i32) -> (i32, i32) {
    %c0_i32 = arith.constant 0 : i32
    %c0_i32_0 = arith.constant 0 : i32
    return %arg0, %c0_i32 : i32, i32
  }
}

module attributes {stable_mosaic.version = 14 : i64} {
  func.func @_stage3_body(%arg0: i32, %arg1: memref<2000x128xf32, #tpu.memory_space<vmem>>, %arg2: memref<2000x128xf32, #tpu.memory_space<vmem>>, %arg3: memref<128x128xf32, #tpu.memory_space<vmem>>, %arg4: memref<1x128xf32, #tpu.memory_space<vmem>>, %arg5: memref<1x1x2000xi32, #tpu.memory_space<vmem>>, %arg6: memref<64x128xf32, #tpu.memory_space<vmem>>) attributes {dimension_semantics = [#tpu.dimension_semantics<arbitrary>], iteration_bounds = array<i64: 5>, scalar_prefetch = 0 : i64, scratch_operands = 0 : i64, tpu.core_type = #tpu.core_type<tc>, window_params = [{transform_indices = @transform_0, window_bounds = array<i64: 2000, 128>}, {transform_indices = @transform_1, window_bounds = array<i64: 2000, 128>}, {pipeline_mode = #tpu.pipeline_mode<synchronous>, transform_indices = @transform_2, window_bounds = array<i64: 128, 128>}, {pipeline_mode = #tpu.pipeline_mode<synchronous>, transform_indices = @transform_3, window_bounds = array<i64: 1, 128>}, {transform_indices = @transform_4, window_bounds = array<i64: 1, 1, 2000>}, {pipeline_mode = #tpu.pipeline_mode<synchronous>, transform_indices = @transform_5, window_bounds = array<i64: 64, 128>}]} {
    %get3A = arith.constant 0 : index
    %get3A_0 = arith.constant 0 : index
    %get3A_1 = vector.load %arg1[%get3A, %get3A_0] : memref<2000x128xf32, #tpu.memory_space<vmem>>, vector<2000x128xf32>
    %get3A_2 = arith.constant 0 : index
    %get3A_3 = arith.constant 0 : index
    %get3A_4 = vector.load %arg2[%get3A_2, %get3A_3] : memref<2000x128xf32, #tpu.memory_space<vmem>>, vector<2000x128xf32>
    %add3A = arith.addf %get3A_1, %get3A_4 : vector<2000x128xf32>
    %get3A_5 = arith.constant 0 : index
    %get3A_6 = arith.constant 0 : index
    %get3A_7 = vector.load %arg3[%get3A_5, %get3A_6] : memref<128x128xf32, #tpu.memory_space<vmem>>, vector<128x128xf32>
    %dot_general3A = arith.constant dense<0.000000e+00> : vector<2000x128xf32>
    %dot_general3A_8 = tpu.matmul %add3A, %get3A_7, %dot_general3A {dimension_numbers = #tpu.dot_dimension_numbers<[1], [0], [0], [1], [0, 0, 1, 1], [], []>, transpose_lhs_hint = false} : vector<2000x128xf32>, vector<128x128xf32>, vector<2000x128xf32> -> vector<2000x128xf32>
    %get3A_9 = arith.constant 0 : index
    %get3A_10 = arith.constant 0 : index
    %get3A_11 = vector.load %arg4[%get3A_9, %get3A_10] : memref<1x128xf32, #tpu.memory_space<vmem>>, vector<1x128xf32>
    %add3A_12 = vector.broadcast %get3A_11 : vector<1x128xf32> to vector<2000x128xf32>
    %add3A_13 = arith.addf %dot_general3A_8, %add3A_12 : vector<2000x128xf32>
    %max3A = arith.constant 0.000000e+00 : f32
    %max3A_14 = vector.broadcast %max3A : f32 to vector<2000x128xf32>
    %max3A_15 = arith.maximumf %add3A_13, %max3A_14 : vector<2000x128xf32>
    %get3A_16 = arith.constant 0 : index
    %get3A_17 = arith.constant 0 : index
    %get3A_18 = arith.constant 0 : index
    %get3A_19 = vector.load %arg5[%get3A_16, %get3A_17, %get3A_18] : memref<1x1x2000xi32, #tpu.memory_space<vmem>>, vector<1x1x2000xi32>
    %get3A_20 = vector.shape_cast %get3A_19 : vector<1x1x2000xi32> to vector<2000xi32>
    %broadcast_in_dim3A = vector.shape_cast %get3A_20 : vector<2000xi32> to vector<2000x1xi32>
    %iota3A = tpu.iota {dimensions = array<i32: 1>} : vector<2000x64xi32>
    %eq3A = vector.broadcast %broadcast_in_dim3A : vector<2000x1xi32> to vector<2000x64xi32>
    %eq3A_21 = arith.cmpi eq, %eq3A, %iota3A : vector<2000x64xi32>
    %convert_element_type3A = arith.extui %eq3A_21 : vector<2000x64xi1> to vector<2000x64xi32>
    %convert_element_type3A_22 = arith.sitofp %convert_element_type3A : vector<2000x64xi32> to vector<2000x64xf32>
    %dot_general3A_23 = arith.constant dense<0.000000e+00> : vector<64x128xf32>
    %dot_general3A_24 = tpu.matmul %convert_element_type3A_22, %max3A_15, %dot_general3A_23 {dimension_numbers = #tpu.dot_dimension_numbers<[0], [0], [1], [1], [0, 1, 1, 1], [], []>, transpose_lhs_hint = false} : vector<2000x64xf32>, vector<2000x128xf32>, vector<64x128xf32> -> vector<64x128xf32>
    %eq3A_25 = arith.constant 0 : i32
    %eq3A_26 = arith.cmpi eq, %arg0, %eq3A_25 : i32
    %convert_element_type3A_27 = arith.extui %eq3A_26 : i1 to i32
    %cond3A = arith.constant 0 : i32
    %cond3A_28 = arith.cmpi ne, %convert_element_type3A_27, %cond3A : i32
    scf.if %cond3A_28 {
      %broadcast_in_dim3A_35 = arith.constant 0.000000e+00 : f32
      %broadcast_in_dim3A_36 = vector.broadcast %broadcast_in_dim3A_35 : f32 to vector<64x128xf32>
      %swap3A_37 = arith.constant 0 : index
      %swap3A_38 = arith.constant 0 : index
      %swap3A_39 = vector.load %arg6[%swap3A_37, %swap3A_38] : memref<64x128xf32, #tpu.memory_space<vmem>>, vector<64x128xf32>
      tpu.vector_store %arg6[%swap3A_37, %swap3A_38], %broadcast_in_dim3A_36 {strides = array<i32>} : memref<64x128xf32, #tpu.memory_space<vmem>>, vector<64x128xf32>,
    } else {
    }
    %get3A_29 = arith.constant 0 : index
    %get3A_30 = arith.constant 0 : index
    %get3A_31 = vector.load %arg6[%get3A_29, %get3A_30] : memref<64x128xf32, #tpu.memory_space<vmem>>, vector<64x128xf32>
    %add3A_32 = arith.addf %get3A_31, %dot_general3A_24 : vector<64x128xf32>
    %swap3A = arith.constant 0 : index
    %swap3A_33 = arith.constant 0 : index
    %swap3A_34 = vector.load %arg6[%swap3A, %swap3A_33] : memref<64x128xf32, #tpu.memory_space<vmem>>, vector<64x128xf32>
    tpu.vector_store %arg6[%swap3A, %swap3A_33], %add3A_32 {strides = array<i32>} : memref<64x128xf32, #tpu.memory_space<vmem>>, vector<64x128xf32>,
    return
  }
  func.func @transform_0(%arg0: i32) -> (i32, i32) {
    %c0_i32 = arith.constant 0 : i32
    %c0_i32_0 = arith.constant 0 : i32
    return %arg0, %c0_i32 : i32, i32
  }
  func.func @transform_1(%arg0: i32) -> (i32, i32) {
    %c0_i32 = arith.constant 0 : i32
    %c0_i32_0 = arith.constant 0 : i32
    return %arg0, %c0_i32 : i32, i32
  }
  func.func @transform_2(%arg0: i32) -> (i32, i32) {
    %c0_i32 = arith.constant 0 : i32
    %c0_i32_0 = arith.constant 0 : i32
    %c0_i32_1 = arith.constant 0 : i32
    return %c0_i32, %c0_i32_0 : i32, i32
  }
  func.func @transform_3(%arg0: i32) -> (i32, i32) {
    %c0_i32 = arith.constant 0 : i32
    %c0_i32_0 = arith.constant 0 : i32
    %c0_i32_1 = arith.constant 0 : i32
    return %c0_i32, %c0_i32_0 : i32, i32
  }
  func.func @transform_4(%arg0: i32) -> (i32, i32, i32) {
    %c0_i32 = arith.constant 0 : i32
    %c0_i32_0 = arith.constant 0 : i32
    %c0_i32_1 = arith.constant 0 : i32
    return %arg0, %c0_i32, %c0_i32_0 : i32, i32, i32
  }
  func.func @transform_5(%arg0: i32) -> (i32, i32) {
    %c0_i32 = arith.constant 0 : i32
    %c0_i32_0 = arith.constant 0 : i32
    %c0_i32_1 = arith.constant 0 : i32
    return %c0_i32, %c0_i32_0 : i32, i32
  }
}

</mosaic_0001>

<sc_bundles>
// kernel: kernel.10.cloned.1.call-start
scs
__scs_entry_jumppad:
0x0: {  	(pc) =	sbr.rel $0x88, $3  }
0x1: {  	(tag) =	ssettag $0x0;
	lr =	simm.s32 $0x1  }
0x2: {  	[smem:$0x3F8E] =	sst lr;
	_ =	strace $0xD0000000  }
0x3: {  	_ = 	snop  }
0x4: {  	_ = 	snop  }
0x5: {  	_ = 	snop  }
0x6: {  	_ = 	snop  }
0x7: {  	_ = 	snop  }
__scs_overlays_trampoline_lowered:
0x8: {  	[smem:$0x3F9D] =	sst s0  }
0x9: {  	[smem:$0x3F9E] =	sst s1  }
0xa: {  	[smem:$0x3F9F] =	sst s2  }
0xb: {  	[smem:$0x3FA0] =	sst s3  }
0xc: {  	[smem:$0x3FA1] =	sst s4  }
0xd: {  	[smem:$0x3FA2] =	sst s5  }
0xe: {  	[smem:$0x3FA3] =	sst s6  }
0xf: {  	[smem:$0x3FA4] =	sst s7  }
0x10: {  	[smem:$0x3FA5] =	sst s8  }
0x11: {  	[smem:$0x3FA6] =	sst s9;
	s0 =	simm.s32 @!p0 $0x0  }
0x12: {  	s1 =	sld [smem:$0x3F8C];
	s0 =	simm.s32 @p0 $0x1  }
0x13: {  	[smem:$0x3FA7] =	sst s0;
	s0 =	simm.s32 @!p1 $0x0  }
0x14: {  	s2 =	sld [smem:$0x3F8B];
	s0 =	simm.s32 @p1 $0x1  }
0x15: {  	[smem:$0x3FA8] =	sst s0;
	s0 =	simm.s32 @!p2 $0x0  }
0x16: {  	s3 =	sld [smem:$0x3FDB];
	s0 =	simm.s32 @p2 $0x1  }
0x17: {  	s4 =	simm.s32 $0x1BF5;
	[smem:$0x3FAA] =	sst s0  }
0x18: {  	s0 =	sld [smem:$0x3F8D];
	_ =	swait.ge [sflag:s4], $0x0  }
0x19: {  	s7 =	sld [smem:$0x3F8E]  }
0x1a: {  	s8 =	sadd.s32 $0xFFFFE003, lr  }
0x1b: {  	s9 =	sadd.s32 $0xFFFFFEF7, lr;
	s5 =	simm.s32 $0xFFFFFFFF;
	p2 =	slt.u32 s8, $0xFFFFF086  }
0x1c: {  	p1 =	slt.u32 s9, $0xF7A;
	s5 =	simm.s32 @!p2 $0x0  }
0x1d: {  	s5 =	simm.s32 @p1 $0x1;
	p0 =	seq.s32 s7, s2  }
0x1e: {  	s7 =	smul.u32 @!p0 $0xF7A, s2;
	p2 =	seq.s32 @!p0 s5, $0x0  }
0x1f: {  	s9 =	smul.u32 $0xF7A, s1;
	s8 =	simm.s32 @!p0 $0x1BF5;
	p2 =	por !p2, p0  }
0x20: {  	[sflag:s8] =	ssyncset.s32 @!p0 $0xFFFFF086;
	s6 =	sadd.s32 @!p0 s3, s7;
	s7 =	simm.s32 @!p0 $0x108  }
0x21: {  	s3 =	sadd.s32 s3, s9;
	s6 =	sadd.s32 @!p0 $0x88, s6;
	s7 =	simm.s32 @p2 $0x1082  }
0x22: {  	[simem:s7], [sflag:s8] =	dma.local @!p0 [hbm:s6], $0xF7A  }
0x23: {  	s9 =	sor.u32 $0xD0000000, s2;
	s6 =	simm.s32 $0x108;
	_ =	swait.ge @!p0 [sflag:s8], $0x0  }
0x24: {  	s3 =	sadd.s32 $0x88, s3;
	s6 =	simm.s32 @!p1 $0x1082;
	[sflag:s4] =	ssyncset.s32 $0xFFFFF086  }
0x25: {  	[simem:s6], [sflag:s4] =	dma.local [hbm:s3], $0xF7A  }
0x26: {  	[smem:$0x3F8E] =	sst s1;
	(tag) =	ssettag s2;
	_ =	strace s9  }
0x27: {  	s1 =	sld [smem:$0x3F9E]  }
0x28: {  	s2 =	sld [smem:$0x3F9F]  }
0x29: {  	s4 =	sld [smem:$0x3FA1]  }
0x2a: {  	p0 =	seq.s32 s5, $0x0;
	s5 =	sld [smem:$0x3FA2]  }
0x2b: {  	s6 =	sld [smem:$0x3FA3]  }
0x2c: {  	s7 =	sld [smem:$0x3FA4]  }
0x2d: {  	s3 =	simm.s32 $0x108;
	s8 =	sld [smem:$0x3FA5]  }
0x2e: {  	s3 =	simm.s32 @!p0 $0x1082;
	s9 =	sld [smem:$0x3FA6]  }
0x2f: {  	lr =	sadd.s32 s0, s3;
	s0 =	sld [smem:$0x3F9D]  }
0x30: {  	s3 =	sld [smem:$0x3FA0]  }
0x31: {  	[smem:$0x3FA9] =	sst s10  }
0x32: {  	s10 =	sld [smem:$0x3FA7];
	_ =	sdelay $0x3  }
0x33: {  	p0 =	seq.s32 s10, $0x1;
	s10 =	sld [smem:$0x3FA9];
	_ =	sdelay $0x3  }
0x34: {  	[smem:$0x3FA9] =	sst s10  }
0x35: {  	s10 =	sld [smem:$0x3FA8];
	_ =	sdelay $0x3  }
0x36: {  	p1 =	seq.s32 s10, $0x1;
	s10 =	sld [smem:$0x3FA9];
	_ =	sdelay $0x3  }
0x37: {  	[smem:$0x3FA9] =	sst s10  }
0x38: {  	s10 =	sld [smem:$0x3FAA]  }
0x39: {  	_ = 	snop;
	(pc) =	sbr.ind lr, $3  }
0x3a: {  	_ = 	snop  }
0x3b: {  	_ = 	snop  }
0x3c: {  	p2 =	seq.s32 s10, $0x1;
	s10 =	sld [smem:$0x3FA9]  }
0x3d: {  	_ =	shalt  }
0x3e: {  	_ =	shalt  }
0x3f: {  	_ =	shalt  }
0x40: {  	_ =	shalt  }
0x41: {  	_ =	shalt  }
0x42: {  	_ =	shalt  }
0x43: {  	_ =	shalt  }
0x44: {  	_ =	shalt  }
0x45: {  	_ =	shalt  }
0x46: {  	_ =	shalt  }
0x47: {  	_ =	shalt  }
0x48: {  	_ =	shalt  }
0x49: {  	_ =	shalt  }
0x4a: {  	_ =	shalt  }
0x4b: {  	_ =	shalt  }
0x4c: {  	_ =	shalt  }
0x4d: {  	_ =	shalt  }
0x4e: {  	_ =	shalt  }
0x4f: {  	_ =	shalt  }
0x50: {  	_ =	shalt  }
0x51: {  	_ =	shalt  }
0x52: {  	_ =	shalt  }
0x53: {  	_ =	shalt  }
0x54: {  	_ =	shalt  }
0x55: {  	_ =	shalt  }
0x56: {  	_ =	shalt  }
0x57: {  	_ =	shalt  }
0x58: {  	_ =	shalt  }
0x59: {  	_ =	shalt  }
0x5a: {  	_ =	shalt  }
0x5b: {  	_ =	shalt  }
0x5c: {  	_ =	shalt  }
0x5d: {  	_ =	shalt  }
0x5e: {  	_ =	shalt  }
0x5f: {  	_ =	shalt  }
0x60: {  	_ =	shalt  }
0x61: {  	_ =	shalt  }
0x62: {  	_ =	shalt  }
0x63: {  	_ =	shalt  }
0x64: {  	_ =	shalt  }
0x65: {  	_ =	shalt  }
0x66: {  	_ =	shalt  }
0x67: {  	_ =	shalt  }
0x68: {  	_ =	shalt  }
0x69: {  	_ =	shalt  }
0x6a: {  	_ =	shalt  }
0x6b: {  	_ =	shalt  }
0x6c: {  	_ =	shalt  }
0x6d: {  	_ =	shalt  }
0x6e: {  	_ =	shalt  }
0x6f: {  	_ =	shalt  }
0x70: {  	_ =	shalt  }
0x71: {  	_ =	shalt  }
0x72: {  	_ =	shalt  }
0x73: {  	_ =	shalt  }
0x74: {  	_ =	shalt  }
0x75: {  	_ =	shalt  }
0x76: {  	_ =	shalt  }
0x77: {  	_ =	shalt  }
0x78: {  	_ =	shalt  }
0x79: {  	_ =	shalt  }
0x7a: {  	_ =	shalt  }
0x7b: {  	_ =	shalt  }
0x7c: {  	_ =	shalt  }
0x7d: {  	_ =	shalt  }
0x7e: {  	_ =	shalt  }
0x7f: {  	_ =	shalt  }
0x80: {  	_ =	shalt  }
0x81: {  	_ =	shalt  }
0x82: {  	_ =	shalt  }
0x83: {  	_ =	shalt  }
0x84: {  	_ =	shalt  }
0x85: {  	_ =	shalt  }
0x86: {  	_ =	shalt  }
0x87: {  	_ =	shalt  }
.Lfunc_end0:
.L_simem_size_0:
called_computation.1_lowered:
.L_overlay_start_0:
0x88: {  	s2 =	sld [smem:$0x3FD9]  }
0x89: {  	s3 =	sld [smem:$0x3FFE];
	_ =	sdelay $0x1  }
0x8a: {  	s1 =	srdreg.scid  }
0x8b: {  	s0 =	sand.u32 $0x1, s1  }
0x8c: {  	s16 =	sshll.u32 s0, $0xA;
	s2 =	sadd.s32 s3, s2  }
0x8d: {  	s2 =	sadd.s32 s2, s16  }
0x8e: {  	[smem:$0x3FB5] =	sst s2  }
0x8f: {  	_ = 	snop  }
0x90: {  	(tm) =	ssettm $0x1  }
0x91: {  	s17 =	sld [smem:$0x3FFB];
	_ =	sdelay $0x3  }
0x92: {  	_ =	strace s17  }
0x93: {  	s2 =	sld [smem:$0x3FFC];
	_ =	sdelay $0x3  }
0x94: {  	_ =	strace s2  }
0x95: {  	s2 =	sld [smem:$0x3FFD];
	_ =	sdelay $0x3  }
0x96: {  	_ =	strace s2  }
0x97: {  	_ =	strace $0x8FFFFFFF  }
0x98: {  	s18 =	sld [smem:$0x3FDB];
	_ =	sdelay $0x1  }
0x99: {  	s19 =	simm.s32 $_scs_section_size  }
0x9a: {  	s4 =	simm.s32 $_size__tile_overlayer_lowered;
	s5 =	simm.s32 $_tile_overlayer_lowered  }
0x9b: {  	s22 =	simm.s32 $0x1BFF;
	s21 =	sshll.u32 s5, $0x1;
	s2 =	sadd.s32 s19, s18  }
0x9c: {  	s6 =	simm.s32 $0x0;
	s20 =	sshll.u32 s4, $0x1;
	s4 =	sadd.s32 s21, s2  }
0x9d: {  	[timem:s6], [sflag:s22] =	dma.local [hbm:s4], s20  }
0x9e: {  	_ =	swait.ge [sflag:s22], s20  }
0x9f: {  	s3 =	ssub.s32 $0x0, s20;
	[sflag:s22] =	ssyncset.done $0x0  }
0xa0: {  	[sflag:s22] =	ssyncadd.s32 s3;
	_ =	sdelay $0x1  }
0xa1: {  	s23 =	simm.s32 $0x1B8B  }
0xa2: {  	_ =	swait.ge [sflag:s23], $0x1  }
0xa3: {  	[sflag:s23] =	ssyncset.done $0x0  }
0xa4: {  	s25 =	simm.s32 $0x1B8E;
	s24 =	sld [smem:$0x3FFE];
	[sflag:s23] =	ssyncadd.s32 $0xFFFFFFFF  }
0xa5: {  	s26 =	simm.s32 $execute0_lowered;
	[smem:$0x3FD2] =	sst s25  }
0xa6: {  	s4 =	sshll.u32 s26, $0x1;
	_ =	strace $0x80000049;
	[dreg:$0x1] =	wrdreg $0xFFFFFFFF  }
0xa7: {  	s28 =	simm.s32 $_size_execute0_lowered;
	s2 =	sadd.s32 s2, s4;
	[dreg:$0x0] =	wrdreg $0x0  }
0xa8: {  	s4 =	sshll.u32 s28, $0x1;
	[dreg:$0x2] =	wrdreg s2  }
0xa9: {  	[dreg:$0x3] =	wrdreg s4  }
0xaa: {  	[dreg:$0x4] =	wrdreg $0xC0  }
0xab: {  	_ =	task [dreg:s6], $0x5FFFF  }
0xac: {  	[dreg:$0x1] =	wrdreg $0xFFFFFFFF  }
0xad: {  	[dreg:$0x0] =	wrdreg $0x60  }
0xae: {  	[dreg:$0x2] =	wrdreg s24  }
0xaf: {  	[dreg:$0x3] =	wrdreg $0xC0000  }
0xb0: {  	[dreg:$0x4] =	wrdreg $0x9  }
0xb1: {  	_ =	task.clear_ibuf [dreg:s6], $0x5FFFF;
	_ =	strace $0x90000049  }
0xb2: {  	s29 =	simm.s32 $0x9;
	_ =	strace $0x8000004B  }
0xb3: {  	_ =	swait.ge [sflag:s29], $0x1  }
0xb4: {  	[sflag:s29] =	ssyncadd.s32 $0xFFFFFFFF  }
0xb5: {  	_ =	strace $0x9000004B  }
0xb6: {  	_ =	sfence  }
0xb7: {  	s30 =	sld [smem:$0x0];
	_ =	sdelay $0x2  }
0xb8: {  	s31 =	sshll.u32 s1, $0xD;
	s1 =	sshrl.u32 s1, $0x2  }
0xb9: {  	s3 =	sand.u32 $0x4000, s31;
	s1 =	sadd.s32 s1, s30  }
0xba: {  	s0 =	sor.u32 s3, s0;
	s1 =	sshll.u32 s1, $0x11  }
0xbb: {  	s0 =	sor.u32 s1, s0  }
0xbc: {  	s0 =	sadd.s32 $0x8F2B, s0  }
0xbd: {  	[sflag:s0] =	ssyncadd.remote.s32 $0x1  }
0xbe: {  	_ =	sfence.sel $0xFFFF  }
0xbf: {  	[dreg:$0x0] =	wrdreg $0xFFFFFFFF;
	(pc) =	sbr.abs _section_cstart, $3  }
0xc0: {  	[dreg:$0x1] =	wrdreg $0xFFFFFFFF  }
0xc1: {  	_ =	task.clear_ibuf [dreg:s6], $0x2FFFF;
	_ =	strace $0x9FFFFFFF  }
0xc2: {  	(tm) =	ssettm $0x7FFFFFFF  }
0xc3: {  	_ =	shalt  }
tec
execute0_lowered:
.L_overlay_start_1:
0x0: {  	(tag) =	ssettag $0x1  }
0x1: {  	s0 =	rddreg [dreg:$0x0]  }
0x2: {  	s2 =	rddreg [dreg:$0x1];
	s3 =	simm.s32 $0x0;
	s1 =	srdreg.scid  }
0x3: {  	s20 =	stileid.u32;
	s28 =	simm.s32 $0x2;
	s29 =	simm.s32 $0x2780  }
0x4: {  	s30 =	simm.s32 $0xA800;
	s31 =	simm.s32 $0x0;
	[smem:$0x7FF] =	sst s3  }
0x5: {  	s1 =	sand.u32 $0x1, s1;
	s5 =	sshll.u32 s20, $0x1;
	s4 =	sadd.s32 $0x17800, s0  }
0x6: {  	s6 =	sadd.s32 $0x3800, s0;
	s10 =	sadd.s32 $0xD800, s0;
	s9 =	smul.u32 $0x4E000, s20  }
0x7: {  	s21 =	sadd.s32 $0x3EA00, s0;
	s22 =	sadd.s32 $0x65C00, s0;
	s12 =	smul.u32 $0x270, s20  }
0x8: {  	s13 =	smul.u32 $0x2700, s20;
	s0 =	sadd.s32 $0x3E800, s0;
	p1 =	sne.s32 s20, $0xF  }
0x9: {  	p2 =	seq.s32 s20, $0xF;
	_ =	strace $0x8000004A;
	[dreg:$0xb] =	wrdreg s0  }
0xa: {  	s5 =	sor.u32 s1, s5;
	s7 =	ssub.s32 $0x2, s1;
	[dreg:$0x4] =	wrdreg s22  }
0xb: {  	p0 =	sne.s32 s1, $0x0;
	[dreg:$0x3] =	wrdreg s21;
	s8 =	smul.u32 $0x500, s5  }
0xc: {  	s11 =	sshrl.u32 s7, $0x1;
	s9 =	sshrl.u32 s9, $0x2;
	s14 =	sadd.s32 $0x68, s12  }
0xd: {  	s15 =	sadd.s32 s4, s13;
	s18 =	sadd.s32 $0xD0, s12;
	s5 =	smul.u32 $0x2800, s5  }
0xe: {  	s24 =	sadd.s32 $0x138, s12;
	s11 =	ssub.s32 s7, s11;
	s9 =	sadd.s32 s9, s2  }
0xf: {  	[dreg:$0x5] =	wrdreg s15;
	s17 =	sshll.u32 s14, $0x7;
	s14 =	sshll.u32 s14, $0x4  }
0x10: {  	s19 =	sshll.u32 s18, $0x7;
	s23 =	sshll.u32 s18, $0x4;
	s25 =	sshll.u32 s24, $0x7  }
0x11: {  	s26 =	sshll.u32 s24, $0x4;
	s24 =	sadd.s32 $0x208, s12;
	s7 =	sadd.s32 s6, s8  }
0x12: {  	s8 =	sadd.s32 s10, s8;
	s16 =	sadd.s32 s17, s2;
	s14 =	sadd.s32 s4, s14  }
0x13: {  	s17 =	sadd.s32 s19, s2;
	s5 =	sshrl.u32 s5, $0x3;
	s18 =	sadd.s32 s25, s2  }
0x14: {  	s19 =	sadd.s32 $0x1A0, s12;
	s20 =	sadd.s32 $0x6000, s9;
	[dreg:$0x6] =	wrdreg s14  }
0x15: {  	s25 =	sshll.u32 s24, $0x7;
	s14 =	sadd.s32 s4, s23;
	[dreg:$0x16] =	wrdreg s20  }
0x16: {  	s5 =	sadd.s32 $0x280, s5;
	s12 =	sshrl.u32 s18, $0x3;
	[dreg:$0x7] =	wrdreg s14  }
0x17: {  	s23 =	sshll.u32 s19, $0x4;
	s18 =	sadd.s32 $0x3000, s9;
	[dreg:$0x10] =	wrdreg s12  }
0x18: {  	s1 =	sadd.s32 s25, s2;
	s25 =	sadd.s32 $0xC000, s9;
	[dreg:$0x14] =	wrdreg s18  }
0x19: {  	s20 =	simm.s32 $0x7D;
	s14 =	sadd.s32 s4, s26;
	[dreg:$0x1a] =	wrdreg s25  }
0x1a: {  	s15 =	sadd.s32 s10, s5;
	s26 =	sadd.s32 s22, s13;
	[dreg:$0x8] =	wrdreg s14  }
0x1b: {  	s10 =	sshll.u32 s19, $0x7;
	s19 =	sadd.s32 $0x4800, s9;
	[dreg:$0xc] =	wrdreg s26  }
0x1c: {  	s22 =	sadd.s32 $0x7800, s9;
	s18 =	simm.s32 $0x4;
	[dreg:$0x15] =	wrdreg s19  }
0x1d: {  	s14 =	sadd.s32 s6, s5;
	s6 =	sadd.s32 s4, s23;
	[dreg:$0x17] =	wrdreg s22  }
0x1e: {  	s5 =	sadd.s32 s10, s2;
	s10 =	sshrl.u32 s16, $0x3;
	[dreg:$0x9] =	wrdreg s6  }
0x1f: {  	s25 =	simm.s32 $0x3;
	s16 =	sshrl.u32 s1, $0x3;
	[dreg:$0xe] =	wrdreg s10  }
0x20: {  	s23 =	sadd.s32 $0x9000, s9;
	s26 =	sadd.s32 $0xD800, s9;
	[dreg:$0x12] =	wrdreg s16  }
0x21: {  	s19 =	simm.s32 $0x1400;
	s22 =	simm.s32 $0x2800;
	[dreg:$0x18] =	wrdreg s23  }
0x22: {  	s6 =	sshll.u32 s24, $0x4;
	s24 =	sadd.s32 $0xA800, s9;
	[dreg:$0x1b] =	wrdreg s26  }
0x23: {  	s1 =	simm.s32 $0x2700;
	s6 =	sadd.s32 s4, s6;
	[dreg:$0x19] =	wrdreg s24  }
0x24: {  	[dreg:$0xa] =	wrdreg s6;
	s6 =	sadd.s32 s21, s13;
	s21 =	smax.u32 s11, $0x1  }
.Ltmp0:
0x25: {  	s11 =	sshrl.u32 s17, $0x3;
	[dreg:$0xd] =	wrdreg s6;
	(pc) =	sbr.rel .LBB2_1-.Ltmp0, $4  }
0x26: {  	s16 =	sadd.s32 $0x12000, s9;
	s13 =	sshrl.u32 s5, $0x3;
	[dreg:$0xf] =	wrdreg s11  }
0x27: {  	s23 =	simm.s32 $0x80;
	s17 =	sadd.s32 $0x1800, s9;
	[dreg:$0x11] =	wrdreg s13  }
0x28: {  	s26 =	simm.s32 $0x1;
	s24 =	simm.s32 $0x6800;
	[dreg:$0x13] =	wrdreg s17  }
0x29: {  	v0 =	vimm.f32 $0.0e+00;
	s13 =	sadd.s32 $0xF000, s9;
	s6 =	sadd.s32 $0x10800, s9;
	s17 =	sadd.s32 $0x138000, s2  }
.LBB2_13:
0x2a: {  	s0 =	sadd.s32 $0x27000, s0;
	s5 =	sshrl.u32 s17, $0x3  }
0x2b: {  	[hbm:s0], [sflag:s11] =	dma.local [spmem:s5], $0x100  }
0x2c: {  	_ =	swait.ge [sflag:s18], $0x100  }
0x2d: {  	[sflag:s18] =	ssyncset.done $0x0  }
0x2e: {  	[sflag:s18] =	ssyncadd.s32 $0xFFFFFF00  }
.LBB2_14:
0x2f: {  	s31 =	sadd.s32 $0x1, s31  }
0x30: {  	p3 =	sne.s32 s31, s21  }
.Ltmp1:
0x31: {  	_ = 	snop;
	(pc) =	sbr.rel @!p3 .LBB2_15-.Ltmp1, $1  }
0x32: {  	_ =	sdelay $0x3  }
.LBB2_1:
0x33: {  	[tilespmem:s3], [sflag:$0x4] =	stream.linear.gather [hbm4b:s7+s3], $0x1400, $0x38;
	[tilespmem:$0x1F880] =	vst v63  }
0x34: {  	_ =	swait.ge [sflag:s18], $0x1400  }
0x35: {  	[sflag:s18] =	ssyncset.done $0x0  }
0x36: {  	[sflag:s18] =	ssyncadd.s32 $0xFFFFEC00  }
0x37: {  	[tilespmem:s19], [sflag:$0x4] =	stream.linear.gather [hbm4b:s8+s3], $0x1400, $0x38;
	[tilespmem:$0x1F880] =	vst v63  }
0x38: {  	_ =	swait.ge [sflag:s18], $0x1400  }
.Ltmp2:
0x39: {  	[sflag:s18] =	ssyncset.done $0x0;
	(pc) =	sbr.rel @p0 .LBB2_3-.Ltmp2, $4  }
0x3a: {  	s0 =	stileid.u32;
	[sflag:s18] =	ssyncadd.s32 $0xFFFFEC00  }
0x3b: {  	[tilespmem:s22], [sflag:$0x1] =	stream.indirect.gather [hbm4b:s4+s20], $0x80, s3, s20, $0xb8;
	[tilespmem:$0x1F880] =	vst v63  }
0x3c: {  	s10 =	sshll.u32 s0, $0x6;
	s0 =	sshrl.u32 s9, $0x3  }
0x3d: {  	[tilespmem:s24], [sflag:$0x2] =	stream.indirect.gather [hbm4b:s4+s20], $0x80, s23, s20, $0xb8;
	[tilespmem:$0x1F880] =	vst v63  }
0x3e: {  	s11 =	sor.u32 $0x1C03, s10;
	s5 =	rddreg [dreg:$0x5]  }
0x3f: {  	[spmem:s0], [sflag:s11] =	dma.local [hbm:s5], $0x680  }
0x40: {  	s5 =	rddreg [dreg:$0x6]  }
0x41: {  	s12 =	rddreg [dreg:$0xe]  }
0x42: {  	[spmem:s12], [sflag:s11] =	dma.local [hbm:s5], $0x680  }
0x43: {  	s5 =	rddreg [dreg:$0x7]  }
0x44: {  	s12 =	rddreg [dreg:$0xf]  }
0x45: {  	[spmem:s12], [sflag:s11] =	dma.local [hbm:s5], $0x680  }
0x46: {  	s5 =	rddreg [dreg:$0x8]  }
0x47: {  	s12 =	rddreg [dreg:$0x10]  }
0x48: {  	[spmem:s12], [sflag:s11] =	dma.local [hbm:s5], $0x680  }
0x49: {  	s5 =	rddreg [dreg:$0x9]  }
0x4a: {  	s12 =	rddreg [dreg:$0x11]  }
0x4b: {  	[spmem:s12], [sflag:s11] =	dma.local [hbm:s5], $0x680  }
0x4c: {  	s5 =	rddreg [dreg:$0xa]  }
0x4d: {  	s12 =	rddreg [dreg:$0x12]  }
0x4e: {  	[spmem:s12], [sflag:s11] =	dma.local [hbm:s5], $0x680  }
0x4f: {  	s12 =	sshrl.u32 @!p1 s17, $0x3;
	s5 =	rddreg [dreg:$0xb]  }
0x50: {  	[spmem:s12], [sflag:s11] =	dma.local @!p1 [hbm:s5], $0x100  }
0x51: {  	_ =	swait.ge [sflag:s25], $0x680  }
0x52: {  	[sflag:s25] =	ssyncset.done $0x0  }
0x53: {  	[sflag:s25] =	ssyncadd.s32 $0xFFFFF980  }
0x54: {  	_ =	swait.ge [sflag:s25], $0x680  }
0x55: {  	[sflag:s25] =	ssyncset.done $0x0  }
0x56: {  	[sflag:s25] =	ssyncadd.s32 $0xFFFFF980  }
0x57: {  	_ =	swait.ge [sflag:s25], $0x680  }
0x58: {  	[sflag:s25] =	ssyncset.done $0x0  }
0x59: {  	[sflag:s25] =	ssyncadd.s32 $0xFFFFF980  }
0x5a: {  	_ =	swait.ge [sflag:s25], $0x680  }
0x5b: {  	[sflag:s25] =	ssyncset.done $0x0  }
0x5c: {  	[sflag:s25] =	ssyncadd.s32 $0xFFFFF980  }
0x5d: {  	_ =	swait.ge [sflag:s25], $0x680  }
0x5e: {  	[sflag:s25] =	ssyncset.done $0x0  }
0x5f: {  	[sflag:s25] =	ssyncadd.s32 $0xFFFFF980  }
0x60: {  	_ =	swait.ge [sflag:s25], $0x680  }
.Ltmp3:
0x61: {  	[sflag:s25] =	ssyncset.done $0x0;
	(pc) =	sbr.rel .LBB2_6-.Ltmp3, $4  }
0x62: {  	s11 =	simm.s32 @!p1 $0x3;
	[sflag:s25] =	ssyncadd.s32 $0xFFFFF980  }
0x63: {  	_ =	swait.ge @!p1 [sflag:s11], $0x100  }
0x64: {  	[sflag:s11] =	ssyncset.done @!p1 $0x0  }
0x65: {  	[sflag:s11] =	ssyncadd.s32 @!p1 $0xFFFFFF00  }
.LBB2_3:
0x66: {  	s11 =	sshra.s32 s3, $0x2;
	s12 =	sadd.s32 $0x200, s3  }
.LBB2_4:
0x67: {  	p3 =	sne.s32 s12, $0x5E00;
	[tilespmem:s11+$0xA870] =	vst v0  }
0x68: {  	[tilespmem:s11+$0xA800] =	vst v0  }
0x69: {  	[tilespmem:s11+$0xA810] =	vst v0  }
.Ltmp4:
0x6a: {  	[tilespmem:s11+$0xA820] =	vst v0;
	(pc) =	sbr.rel @p3 .LBB2_4-.Ltmp4, $4  }
0x6b: {  	[tilespmem:s11+$0xA830] =	vst v0  }
0x6c: {  	[tilespmem:s11+$0xA840] =	vst v0  }
0x6d: {  	[tilespmem:s11+$0xA850] =	vst v0  }
0x6e: {  	[tilespmem:s11+$0xA860] =	vst v0;
	s11 =	sshra.s32 s12, $0x2;
	s12 =	sadd.s32 $0x200, s12  }
0x6f: {  	[tilespmem:s11+$0xA870] =	vst v0  }
0x70: {  	[tilespmem:s11+$0xA800] =	vst v0  }
0x71: {  	[tilespmem:s11+$0xA810] =	vst v0  }
0x72: {  	[tilespmem:s11+$0xA820] =	vst v0  }
0x73: {  	[tilespmem:s11+$0xA830] =	vst v0  }
0x74: {  	[tilespmem:s11+$0xA840] =	vst v0  }
0x75: {  	[tilespmem:s11+$0xA850] =	vst v0  }
0x76: {  	[tilespmem:s11+$0xA860] =	vst v0  }
0x77: {  	[spmem:s9] =	stream.linear.scatter [tilespmem:s30], [sflag:$0x3], $0x1800, $0x38;
	[tilespmem:$0x1F880] =	vst v63  }
0x78: {  	s5 =	rddreg [dreg:$0x13]  }
0x79: {  	[spmem:s5] =	stream.linear.scatter [tilespmem:s30], [sflag:$0x3], $0x1800, $0x38;
	[tilespmem:$0x1F880] =	vst v63  }
0x7a: {  	s11 =	rddreg [dreg:$0x14]  }
0x7b: {  	[spmem:s11] =	stream.linear.scatter [tilespmem:s30], [sflag:$0x3], $0x1800, $0x38;
	[tilespmem:$0x1F880] =	vst v63  }
0x7c: {  	s12 =	rddreg [dreg:$0x15]  }
0x7d: {  	[spmem:s12] =	stream.linear.scatter [tilespmem:s30], [sflag:$0x3], $0x1800, $0x38;
	[tilespmem:$0x1F880] =	vst v63  }
0x7e: {  	s11 =	rddreg [dreg:$0x16]  }
0x7f: {  	[spmem:s11] =	stream.linear.scatter [tilespmem:s30], [sflag:$0x3], $0x1800, $0x38;
	[tilespmem:$0x1F880] =	vst v63  }
0x80: {  	s12 =	rddreg [dreg:$0x17]  }
0x81: {  	[spmem:s12] =	stream.linear.scatter [tilespmem:s30], [sflag:$0x3], $0x1800, $0x38;
	[tilespmem:$0x1F880] =	vst v63  }
0x82: {  	s11 =	rddreg [dreg:$0x18]  }
0x83: {  	[spmem:s11] =	stream.linear.scatter [tilespmem:s30], [sflag:$0x3], $0x1800, $0x38;
	[tilespmem:$0x1F880] =	vst v63  }
0x84: {  	s12 =	rddreg [dreg:$0x19]  }
0x85: {  	[spmem:s12] =	stream.linear.scatter [tilespmem:s30], [sflag:$0x3], $0x1800, $0x38;
	[tilespmem:$0x1F880] =	vst v63  }
0x86: {  	s11 =	rddreg [dreg:$0x1a]  }
0x87: {  	[spmem:s11] =	stream.linear.scatter [tilespmem:s30], [sflag:$0x3], $0x1800, $0x38;
	[tilespmem:$0x1F880] =	vst v63  }
0x88: {  	s12 =	rddreg [dreg:$0x1b]  }
0x89: {  	[spmem:s12] =	stream.linear.scatter [tilespmem:s30], [sflag:$0x3], $0x1800, $0x38;
	[tilespmem:$0x1F880] =	vst v63  }
0x8a: {  	_ = 	snop  }
0x8b: {  	[spmem:s13] =	stream.linear.scatter [tilespmem:s30], [sflag:$0x3], $0x1800, $0x38;
	[tilespmem:$0x1F880] =	vst v63  }
0x8c: {  	_ = 	snop  }
0x8d: {  	[spmem:s6] =	stream.linear.scatter [tilespmem:s30], [sflag:$0x3], $0x1800, $0x38;
	[tilespmem:$0x1F880] =	vst v63  }
0x8e: {  	_ = 	snop  }
0x8f: {  	[spmem:s16] =	stream.linear.scatter [tilespmem:s30], [sflag:$0x3], $0x1800, $0x38;
	[tilespmem:$0x1F880] =	vst v63  }
0x90: {  	s11 =	simm.s32 @!p1 $0xA800  }
0x91: {  	[spmem:s17] =	stream.linear.scatter @!p1 [tilespmem:s11], [sflag:$0x3], $0x800, $0x38;
	[tilespmem:$0x1F880] =	vst v63  }
0x92: {  	_ =	swait.ge [sflag:s25], $0x1800  }
0x93: {  	[sflag:s25] =	ssyncset.done $0x0  }
0x94: {  	[sflag:s25] =	ssyncadd.s32 $0xFFFFE800  }
0x95: {  	_ =	swait.ge [sflag:s25], $0x1800  }
0x96: {  	[sflag:s25] =	ssyncset.done $0x0  }
0x97: {  	[sflag:s25] =	ssyncadd.s32 $0xFFFFE800  }
0x98: {  	_ =	swait.ge [sflag:s25], $0x1800  }
0x99: {  	[sflag:s25] =	ssyncset.done $0x0  }
0x9a: {  	[sflag:s25] =	ssyncadd.s32 $0xFFFFE800  }
0x9b: {  	_ =	swait.ge [sflag:s25], $0x1800  }
0x9c: {  	[sflag:s25] =	ssyncset.done $0x0  }
0x9d: {  	[sflag:s25] =	ssyncadd.s32 $0xFFFFE800  }
0x9e: {  	_ =	swait.ge [sflag:s25], $0x1800  }
0x9f: {  	[sflag:s25] =	ssyncset.done $0x0  }
0xa0: {  	[sflag:s25] =	ssyncadd.s32 $0xFFFFE800  }
0xa1: {  	_ =	swait.ge [sflag:s25], $0x1800  }
0xa2: {  	[sflag:s25] =	ssyncset.done $0x0  }
0xa3: {  	[sflag:s25] =	ssyncadd.s32 $0xFFFFE800  }
0xa4: {  	_ =	swait.ge [sflag:s25], $0x1800  }
0xa5: {  	[sflag:s25] =	ssyncset.done $0x0  }
0xa6: {  	[sflag:s25] =	ssyncadd.s32 $0xFFFFE800  }
0xa7: {  	_ =	swait.ge [sflag:s25], $0x1800  }
0xa8: {  	[sflag:s25] =	ssyncset.done $0x0  }
0xa9: {  	[sflag:s25] =	ssyncadd.s32 $0xFFFFE800  }
0xaa: {  	_ =	swait.ge [sflag:s25], $0x1800  }
0xab: {  	[sflag:s25] =	ssyncset.done $0x0  }
0xac: {  	[sflag:s25] =	ssyncadd.s32 $0xFFFFE800  }
0xad: {  	_ =	swait.ge [sflag:s25], $0x1800  }
0xae: {  	[sflag:s25] =	ssyncset.done $0x0  }
0xaf: {  	[sflag:s25] =	ssyncadd.s32 $0xFFFFE800  }
0xb0: {  	_ =	swait.ge [sflag:s25], $0x1800  }
0xb1: {  	[sflag:s25] =	ssyncset.done $0x0  }
0xb2: {  	[sflag:s25] =	ssyncadd.s32 $0xFFFFE800  }
0xb3: {  	_ =	swait.ge [sflag:s25], $0x1800  }
0xb4: {  	[sflag:s25] =	ssyncset.done $0x0  }
0xb5: {  	[sflag:s25] =	ssyncadd.s32 $0xFFFFE800  }
0xb6: {  	_ =	swait.ge [sflag:s25], $0x1800  }
0xb7: {  	[sflag:s25] =	ssyncset.done $0x0  }
0xb8: {  	s11 =	simm.s32 @!p1 $0x3;
	[sflag:s25] =	ssyncadd.s32 $0xFFFFE800  }
0xb9: {  	_ =	swait.ge @!p1 [sflag:s11], $0x800  }
0xba: {  	[sflag:s11] =	ssyncset.done @!p1 $0x0  }
0xbb: {  	[sflag:s11] =	ssyncadd.s32 @!p1 $0xFFFFF800  }
.LBB2_6:
0xbc: {  	[bflag:$0x0] =	sbarrier.arrive $0xFFFF  }
0xbd: {  	_ =	swait.ge [sflag:s26], $0x3E80  }
0xbe: {  	[sflag:s26] =	ssyncset.done $0x0  }
0xbf: {  	s11 =	simm.s32 $0x1400;
	[sflag:s26] =	ssyncadd.s32 $0xFFFFC180  }
0xc0: {  	[spmem:s2] =	stream.indirect.scatter.add.f32 [tilespmem:s22], [sflag:$0x4], $0x80, s11, s20, $0xb8;
	[tilespmem:$0x1F880] =	vst v63  }
0xc1: {  	_ =	swait.ge [sflag:s18], $0x3E80  }
0xc2: {  	[sflag:s18] =	ssyncset.done $0x0  }
0xc3: {  	s5 =	simm.s32 $0x100;
	[sflag:s18] =	ssyncadd.s32 $0xFFFFC180  }
0xc4: {  	[tilespmem:s22], [sflag:$0x1] =	stream.indirect.gather [hbm4b:s4+s20], $0x80, s5, s20, $0xb8;
	[tilespmem:$0x1F880] =	vst v63  }
0xc5: {  	_ =	swait.ge [sflag:s28], $0x3E80  }
0xc6: {  	[sflag:s28] =	ssyncset.done $0x0  }
0xc7: {  	s12 =	simm.s32 $0x1480;
	[sflag:s28] =	ssyncadd.s32 $0xFFFFC180  }
0xc8: {  	[spmem:s2] =	stream.indirect.scatter.add.f32 [tilespmem:s24], [sflag:$0x4], $0x80, s12, s20, $0xb8;
	[tilespmem:$0x1F880] =	vst v63  }
0xc9: {  	_ =	swait.ge [sflag:s18], $0x3E80  }
0xca: {  	[sflag:s18] =	ssyncset.done $0x0  }
0xcb: {  	s11 =	simm.s32 $0x400;
	s12 =	simm.s32 $0x180;
	[sflag:s18] =	ssyncadd.s32 $0xFFFFC180  }
.LBB2_7:
0xcc: {  	[tilespmem:s24], [sflag:$0x2] =	stream.indirect.gather [hbm4b:s4+s20], $0x80, s12, s20, $0xb8;
	[tilespmem:$0x1F880] =	vst v63  }
0xcd: {  	s12 =	smov.u32 s11  }
0xce: {  	p3 =	sne.s32 s11, $0x4800;
	s11 =	sadd.s32 $0x400, s11;
	_ =	swait.ge [sflag:s26], $0x3E80  }
0xcf: {  	s12 =	sshra.s32 s12, $0x2;
	[sflag:s26] =	ssyncset.done $0x0  }
0xd0: {  	s5 =	sadd.s32 $0x1400, s12;
	[sflag:s26] =	ssyncadd.s32 $0xFFFFC180  }
0xd1: {  	[spmem:s2] =	stream.indirect.scatter.add.f32 [tilespmem:s22], [sflag:$0x4], $0x80, s5, s20, $0xb8;
	[tilespmem:$0x1F880] =	vst v63  }
0xd2: {  	_ =	swait.ge [sflag:s18], $0x3E80  }
0xd3: {  	[sflag:s18] =	ssyncset.done $0x0  }
0xd4: {  	s5 =	sadd.s32 $0x100, s12;
	[sflag:s18] =	ssyncadd.s32 $0xFFFFC180  }
0xd5: {  	[tilespmem:s22], [sflag:$0x1] =	stream.indirect.gather [hbm4b:s4+s20], $0x80, s5, s20, $0xb8;
	[tilespmem:$0x1F880] =	vst v63  }
0xd6: {  	_ =	swait.ge [sflag:s28], $0x3E80  }
0xd7: {  	[sflag:s28] =	ssyncset.done $0x0  }
.Ltmp5:
0xd8: {  	s5 =	sadd.s32 $0x1480, s12;
	[sflag:s28] =	ssyncadd.s32 $0xFFFFC180;
	(pc) =	sbr.rel @p3 .LBB2_7-.Ltmp5, $4  }
0xd9: {  	[spmem:s2] =	stream.indirect.scatter.add.f32 [tilespmem:s24], [sflag:$0x4], $0x80, s5, s20, $0xb8;
	[tilespmem:$0x1F880] =	vst v63  }
0xda: {  	_ =	swait.ge [sflag:s18], $0x3E80  }
0xdb: {  	[sflag:s18] =	ssyncset.done $0x0  }
0xdc: {  	s12 =	sadd.s32 $0x180, s12;
	[sflag:s18] =	ssyncadd.s32 $0xFFFFC180  }
0xdd: {  	[tilespmem:s24], [sflag:$0x2] =	stream.indirect.gather [hbm4b:s4+s20], $0x80, s12, s20, $0xb8;
	[tilespmem:$0x1F880] =	vst v63  }
0xde: {  	_ =	swait.ge [sflag:s26], $0x3E80  }
0xdf: {  	[sflag:s26] =	ssyncset.done $0x0  }
0xe0: {  	[sflag:s26] =	ssyncadd.s32 $0xFFFFC180  }
0xe1: {  	[spmem:s2] =	stream.indirect.scatter.add.f32 [tilespmem:s22], [sflag:$0x4], $0x80, s1, s20, $0xb8;
	[tilespmem:$0x1F880] =	vst v63  }
0xe2: {  	_ =	swait.ge [sflag:s18], $0x3E80  }
0xe3: {  	[sflag:s18] =	ssyncset.done $0x0  }
0xe4: {  	[sflag:s18] =	ssyncadd.s32 $0xFFFFC180  }
0xe5: {  	_ =	swait.ge [sflag:s28], $0x3E80  }
0xe6: {  	[sflag:s28] =	ssyncset.done $0x0  }
0xe7: {  	[sflag:s28] =	ssyncadd.s32 $0xFFFFC180  }
0xe8: {  	[spmem:s2] =	stream.indirect.scatter.add.f32 [tilespmem:s24], [sflag:$0x4], $0x80, s29, s20, $0xb8;
	[tilespmem:$0x1F880] =	vst v63  }
0xe9: {  	_ =	swait.ge [sflag:s18], $0x3E80  }
0xea: {  	[sflag:s18] =	ssyncset.done $0x0  }
0xeb: {  	s5 =	simm.s32 $0x0;
	[sflag:s18] =	ssyncadd.s32 $0xFFFFC180  }
0xec: {  	[tilespmem:s5], [sflag:$0x4] =	stream.linear.gather [hbm4b:s14+s5], $0x1400, $0x38;
	[tilespmem:$0x1F880] =	vst v63  }
0xed: {  	_ =	swait.ge [sflag:s18], $0x1400  }
0xee: {  	[sflag:s18] =	ssyncset.done $0x0  }
0xef: {  	[sflag:s18] =	ssyncadd.s32 $0xFFFFEC00  }
0xf0: {  	[tilespmem:s19], [sflag:$0x4] =	stream.linear.gather [hbm4b:s15+s5], $0x1400, $0x38;
	[tilespmem:$0x1F880] =	vst v63  }
0xf1: {  	_ =	swait.ge [sflag:s18], $0x1400  }
0xf2: {  	[sflag:s18] =	ssyncset.done $0x0  }
0xf3: {  	[sflag:s18] =	ssyncadd.s32 $0xFFFFEC00  }
0xf4: {  	[tilespmem:s22], [sflag:$0x1] =	stream.indirect.gather [hbm4b:s4+s20], $0x80, s5, s20, $0xb8;
	[tilespmem:$0x1F880] =	vst v63  }
0xf5: {  	_ = 	snop  }
0xf6: {  	[tilespmem:s24], [sflag:$0x2] =	stream.indirect.gather [hbm4b:s4+s20], $0x80, s23, s20, $0xb8;
	[tilespmem:$0x1F880] =	vst v63  }
0xf7: {  	_ =	swait.ge [sflag:s26], $0x3E80  }
0xf8: {  	[sflag:s26] =	ssyncset.done $0x0  }
0xf9: {  	s12 =	simm.s32 $0x1400;
	[sflag:s26] =	ssyncadd.s32 $0xFFFFC180  }
0xfa: {  	[spmem:s2] =	stream.indirect.scatter.add.f32 [tilespmem:s22], [sflag:$0x4], $0x80, s12, s20, $0xb8;
	[tilespmem:$0x1F880] =	vst v63  }
0xfb: {  	_ =	swait.ge [sflag:s18], $0x3E80  }
0xfc: {  	[sflag:s18] =	ssyncset.done $0x0  }
0xfd: {  	s11 =	simm.s32 $0x100;
	[sflag:s18] =	ssyncadd.s32 $0xFFFFC180  }
0xfe: {  	[tilespmem:s22], [sflag:$0x1] =	stream.indirect.gather [hbm4b:s4+s20], $0x80, s11, s20, $0xb8;
	[tilespmem:$0x1F880] =	vst v63  }
0xff: {  	_ =	swait.ge [sflag:s28], $0x3E80  }
0x100: {  	[sflag:s28] =	ssyncset.done $0x0  }
0x101: {  	s12 =	simm.s32 $0x1480;
	[sflag:s28] =	ssyncadd.s32 $0xFFFFC180  }
0x102: {  	[spmem:s2] =	stream.indirect.scatter.add.f32 [tilespmem:s24], [sflag:$0x4], $0x80, s12, s20, $0xb8;
	[tilespmem:$0x1F880] =	vst v63  }
0x103: {  	_ =	swait.ge [sflag:s18], $0x3E80  }
0x104: {  	[sflag:s18] =	ssyncset.done $0x0  }
0x105: {  	s11 =	simm.s32 $0x400;
	s12 =	simm.s32 $0x180;
	[sflag:s18] =	ssyncadd.s32 $0xFFFFC180  }
.LBB2_9:
0x106: {  	[tilespmem:s24], [sflag:$0x2] =	stream.indirect.gather [hbm4b:s4+s20], $0x80, s12, s20, $0xb8;
	[tilespmem:$0x1F880] =	vst v63  }
0x107: {  	s5 =	smov.u32 s11  }
0x108: {  	p3 =	sne.s32 s11, $0x4800;
	s11 =	sadd.s32 $0x400, s11;
	_ =	swait.ge [sflag:s26], $0x3E80  }
0x109: {  	s5 =	sshra.s32 s5, $0x2;
	[sflag:s26] =	ssyncset.done $0x0  }
0x10a: {  	s12 =	sadd.s32 $0x1400, s5;
	[sflag:s26] =	ssyncadd.s32 $0xFFFFC180  }
0x10b: {  	[spmem:s2] =	stream.indirect.scatter.add.f32 [tilespmem:s22], [sflag:$0x4], $0x80, s12, s20, $0xb8;
	[tilespmem:$0x1F880] =	vst v63  }
0x10c: {  	_ =	swait.ge [sflag:s18], $0x3E80  }
0x10d: {  	[sflag:s18] =	ssyncset.done $0x0  }
0x10e: {  	s12 =	sadd.s32 $0x100, s5;
	[sflag:s18] =	ssyncadd.s32 $0xFFFFC180  }
0x10f: {  	[tilespmem:s22], [sflag:$0x1] =	stream.indirect.gather [hbm4b:s4+s20], $0x80, s12, s20, $0xb8;
	[tilespmem:$0x1F880] =	vst v63  }
0x110: {  	_ =	swait.ge [sflag:s28], $0x3E80  }
0x111: {  	[sflag:s28] =	ssyncset.done $0x0  }
.Ltmp6:
0x112: {  	s12 =	sadd.s32 $0x1480, s5;
	[sflag:s28] =	ssyncadd.s32 $0xFFFFC180;
	(pc) =	sbr.rel @p3 .LBB2_9-.Ltmp6, $4  }
0x113: {  	[spmem:s2] =	stream.indirect.scatter.add.f32 [tilespmem:s24], [sflag:$0x4], $0x80, s12, s20, $0xb8;
	[tilespmem:$0x1F880] =	vst v63  }
0x114: {  	_ =	swait.ge [sflag:s18], $0x3E80  }
0x115: {  	[sflag:s18] =	ssyncset.done $0x0  }
0x116: {  	s12 =	sadd.s32 $0x180, s5;
	[sflag:s18] =	ssyncadd.s32 $0xFFFFC180  }
0x117: {  	[tilespmem:s24], [sflag:$0x2] =	stream.indirect.gather [hbm4b:s4+s20], $0x80, s12, s20, $0xb8;
	[tilespmem:$0x1F880] =	vst v63  }
0x118: {  	_ =	swait.ge [sflag:s26], $0x3E80  }
0x119: {  	[sflag:s26] =	ssyncset.done $0x0  }
0x11a: {  	[sflag:s26] =	ssyncadd.s32 $0xFFFFC180  }
0x11b: {  	[spmem:s2] =	stream.indirect.scatter.add.f32 [tilespmem:s22], [sflag:$0x4], $0x80, s1, s20, $0xb8;
	[tilespmem:$0x1F880] =	vst v63  }
0x11c: {  	_ =	swait.ge [sflag:s18], $0x3E80  }
0x11d: {  	[sflag:s18] =	ssyncset.done $0x0  }
0x11e: {  	[sflag:s18] =	ssyncadd.s32 $0xFFFFC180  }
0x11f: {  	_ =	swait.ge [sflag:s28], $0x3E80  }
0x120: {  	[sflag:s28] =	ssyncset.done $0x0  }
0x121: {  	[sflag:s28] =	ssyncadd.s32 $0xFFFFC180  }
0x122: {  	[spmem:s2] =	stream.indirect.scatter.add.f32 [tilespmem:s24], [sflag:$0x4], $0x80, s29, s20, $0xb8;
	[tilespmem:$0x1F880] =	vst v63  }
.Ltmp7:
0x123: {  	_ =	swait.ge [sflag:s18], $0x3E80;
	(pc) =	sbr.rel @p0 .LBB2_12-.Ltmp7, $4  }
0x124: {  	[sflag:s18] =	ssyncset.done $0x0  }
0x125: {  	[sflag:s18] =	ssyncadd.s32 $0xFFFFC180  }
0x126: {  	[bflag:$0x0] =	sbarrier.arrive $0xFFFF  }
0x127: {  	s11 =	sor.u32 $0x1C04, s10  }
0x128: {  	s11 =	sor.u32 $0x1C04, s10;
	s5 =	rddreg [dreg:$0xd]  }
0x129: {  	[hbm:s5], [sflag:s11] =	dma.local [spmem:s0], $0x2700  }
.Ltmp8:
0x12a: {  	_ = 	snop;
	(pc) =	sbr.rel @p2 .LBB2_13-.Ltmp8, $4  }
.Ltmp9:
0x12b: {  	_ = 	snop;
	(pc) =	sbr.rel @!p2 .LBB2_14-.Ltmp9, $4  }
0x12c: {  	_ =	swait.ge [sflag:s18], $0x2700  }
0x12d: {  	[sflag:s18] =	ssyncset.done $0x0  }
0x12e: {  	s0 =	rddreg [dreg:$0x3];
	[sflag:s18] =	ssyncadd.s32 $0xFFFFD900  }
0x12f: {  	_ = 	snop  }
.LBB2_12:
0x130: {  	s5 =	rddreg [dreg:$0xc]  }
0x131: {  	[hbm:s5], [sflag:s11] =	dma.local [spmem:s0], $0x2700  }
.Ltmp10:
0x132: {  	_ = 	snop;
	(pc) =	sbr.rel @p1 .LBB2_14-.Ltmp10, $4  }
.Ltmp11:
0x133: {  	_ = 	snop;
	(pc) =	sbr.rel @!p1 .LBB2_13-.Ltmp11, $4  }
0x134: {  	_ =	swait.ge [sflag:s18], $0x2700  }
0x135: {  	[sflag:s18] =	ssyncset.done $0x0  }
0x136: {  	s0 =	rddreg [dreg:$0x4];
	[sflag:s18] =	ssyncadd.s32 $0xFFFFD900  }
0x137: {  	_ = 	snop  }
.LBB2_15:
0x138: {  	_ =	sfence.sel $0x180000  }
0x139: {  	[bflag:$0x0] =	sbarrier.arrive $0xFFFF  }
0x13a: {  	_ =	strace $0x9000004A  }
0x13b: {  	s0 =	stileid.u32;
	[bflag:$0x2] =	sbarrier.arrive $0xFFFF  }
0x13c: {  	p0 =	sne.s32 s0, $0x0;
	s0 =	rddreg [dreg:$0x2]  }
0x13d: {  	s0 =	sadd.s32 @!p0 $0x100000, s0  }
0x13e: {  	[sflag:s0] =	ssyncadd.tile.s32 @!p0 $0x1;
	_ =	shalt  }
.Lfunc_end2:
_tile_overlayer_lowered:
.L_overlay_start_2:
0x13f: {  	(tag) =	ssettag $0x2  }
0x140: {  	s0 =	rddreg [dreg:$0x0];
	s2 =	stileid.u32  }
0x141: {  	s1 =	rddreg [dreg:$0x1];
	p0 =	sne.s32 s2, $0x0  }
0x142: {  	s3 =	rddreg [dreg:$0x2];
	[bflag:$0x3] =	sbarrier.arrive $0xFFFF;
	s2 =	simm.s32 @!p0 $0x1C04  }
0x143: {  	[timem:s3], [sflag:s2] =	dma.local @!p0 [hbm:s0], s1  }
0x144: {  	s0 =	simm.s32 @!p0 $0x4  }
0x145: {  	_ =	swait.ge @!p0 [sflag:s0], s1  }
0x146: {  	s1 =	ssub.s32 @!p0 $0x0, s1;
	[sflag:s0] =	ssyncset.done @!p0 $0x0  }
0x147: {  	[sflag:s0] =	ssyncadd.s32 @!p0 s1  }
0x148: {  	[bflag:$0x3] =	sbarrier.arrive $0xFFFF  }
0x149: {  	_ =	shalt  }

// kernel: kernel.7.cloned.1.call-start
scs
__scs_entry_jumppad:
0x0: {  	(pc) =	sbr.rel $0x88, $3  }
0x1: {  	(tag) =	ssettag $0x0;
	lr =	simm.s32 $0x1  }
0x2: {  	[smem:$0x3F8E] =	sst lr;
	_ =	strace $0xD0000000  }
0x3: {  	_ = 	snop  }
0x4: {  	_ = 	snop  }
0x5: {  	_ = 	snop  }
0x6: {  	_ = 	snop  }
0x7: {  	_ = 	snop  }
__scs_overlays_trampoline_lowered:
0x8: {  	[smem:$0x3F9D] =	sst s0  }
0x9: {  	[smem:$0x3F9E] =	sst s1  }
0xa: {  	[smem:$0x3F9F] =	sst s2  }
0xb: {  	[smem:$0x3FA0] =	sst s3  }
0xc: {  	[smem:$0x3FA1] =	sst s4  }
0xd: {  	[smem:$0x3FA2] =	sst s5  }
0xe: {  	[smem:$0x3FA3] =	sst s6  }
0xf: {  	[smem:$0x3FA4] =	sst s7  }
0x10: {  	[smem:$0x3FA5] =	sst s8  }
0x11: {  	[smem:$0x3FA6] =	sst s9;
	s0 =	simm.s32 @!p0 $0x0  }
0x12: {  	s1 =	sld [smem:$0x3F8C];
	s0 =	simm.s32 @p0 $0x1  }
0x13: {  	[smem:$0x3FA7] =	sst s0;
	s0 =	simm.s32 @!p1 $0x0  }
0x14: {  	s2 =	sld [smem:$0x3F8B];
	s0 =	simm.s32 @p1 $0x1  }
0x15: {  	[smem:$0x3FA8] =	sst s0;
	s0 =	simm.s32 @!p2 $0x0  }
0x16: {  	s3 =	sld [smem:$0x3FDB];
	s0 =	simm.s32 @p2 $0x1  }
0x17: {  	s4 =	simm.s32 $0x1BF5;
	[smem:$0x3FAA] =	sst s0  }
0x18: {  	s0 =	sld [smem:$0x3F8D];
	_ =	swait.ge [sflag:s4], $0x0  }
0x19: {  	s7 =	sld [smem:$0x3F8E]  }
0x1a: {  	s8 =	sadd.s32 $0xFFFFE003, lr  }
0x1b: {  	s9 =	sadd.s32 $0xFFFFFEF7, lr;
	s5 =	simm.s32 $0xFFFFFFFF;
	p2 =	slt.u32 s8, $0xFFFFF086  }
0x1c: {  	p1 =	slt.u32 s9, $0xF7A;
	s5 =	simm.s32 @!p2 $0x0  }
0x1d: {  	s5 =	simm.s32 @p1 $0x1;
	p0 =	seq.s32 s7, s2  }
0x1e: {  	s7 =	smul.u32 @!p0 $0xF7A, s2;
	p2 =	seq.s32 @!p0 s5, $0x0  }
0x1f: {  	s9 =	smul.u32 $0xF7A, s1;
	s8 =	simm.s32 @!p0 $0x1BF5;
	p2 =	por !p2, p0  }
0x20: {  	[sflag:s8] =	ssyncset.s32 @!p0 $0xFFFFF086;
	s6 =	sadd.s32 @!p0 s3, s7;
	s7 =	simm.s32 @!p0 $0x108  }
0x21: {  	s3 =	sadd.s32 s3, s9;
	s6 =	sadd.s32 @!p0 $0x88, s6;
	s7 =	simm.s32 @p2 $0x1082  }
0x22: {  	[simem:s7], [sflag:s8] =	dma.local @!p0 [hbm:s6], $0xF7A  }
0x23: {  	s9 =	sor.u32 $0xD0000000, s2;
	s6 =	simm.s32 $0x108;
	_ =	swait.ge @!p0 [sflag:s8], $0x0  }
0x24: {  	s3 =	sadd.s32 $0x88, s3;
	s6 =	simm.s32 @!p1 $0x1082;
	[sflag:s4] =	ssyncset.s32 $0xFFFFF086  }
0x25: {  	[simem:s6], [sflag:s4] =	dma.local [hbm:s3], $0xF7A  }
0x26: {  	[smem:$0x3F8E] =	sst s1;
	(tag) =	ssettag s2;
	_ =	strace s9  }
0x27: {  	s1 =	sld [smem:$0x3F9E]  }
0x28: {  	s2 =	sld [smem:$0x3F9F]  }
0x29: {  	s4 =	sld [smem:$0x3FA1]  }
0x2a: {  	p0 =	seq.s32 s5, $0x0;
	s5 =	sld [smem:$0x3FA2]  }
0x2b: {  	s6 =	sld [smem:$0x3FA3]  }
0x2c: {  	s7 =	sld [smem:$0x3FA4]  }
0x2d: {  	s3 =	simm.s32 $0x108;
	s8 =	sld [smem:$0x3FA5]  }
0x2e: {  	s3 =	simm.s32 @!p0 $0x1082;
	s9 =	sld [smem:$0x3FA6]  }
0x2f: {  	lr =	sadd.s32 s0, s3;
	s0 =	sld [smem:$0x3F9D]  }
0x30: {  	s3 =	sld [smem:$0x3FA0]  }
0x31: {  	[smem:$0x3FA9] =	sst s10  }
0x32: {  	s10 =	sld [smem:$0x3FA7];
	_ =	sdelay $0x3  }
0x33: {  	p0 =	seq.s32 s10, $0x1;
	s10 =	sld [smem:$0x3FA9];
	_ =	sdelay $0x3  }
0x34: {  	[smem:$0x3FA9] =	sst s10  }
0x35: {  	s10 =	sld [smem:$0x3FA8];
	_ =	sdelay $0x3  }
0x36: {  	p1 =	seq.s32 s10, $0x1;
	s10 =	sld [smem:$0x3FA9];
	_ =	sdelay $0x3  }
0x37: {  	[smem:$0x3FA9] =	sst s10  }
0x38: {  	s10 =	sld [smem:$0x3FAA]  }
0x39: {  	_ = 	snop;
	(pc) =	sbr.ind lr, $3  }
0x3a: {  	_ = 	snop  }
0x3b: {  	_ = 	snop  }
0x3c: {  	p2 =	seq.s32 s10, $0x1;
	s10 =	sld [smem:$0x3FA9]  }
0x3d: {  	_ =	shalt  }
0x3e: {  	_ =	shalt  }
0x3f: {  	_ =	shalt  }
0x40: {  	_ =	shalt  }
0x41: {  	_ =	shalt  }
0x42: {  	_ =	shalt  }
0x43: {  	_ =	shalt  }
0x44: {  	_ =	shalt  }
0x45: {  	_ =	shalt  }
0x46: {  	_ =	shalt  }
0x47: {  	_ =	shalt  }
0x48: {  	_ =	shalt  }
0x49: {  	_ =	shalt  }
0x4a: {  	_ =	shalt  }
0x4b: {  	_ =	shalt  }
0x4c: {  	_ =	shalt  }
0x4d: {  	_ =	shalt  }
0x4e: {  	_ =	shalt  }
0x4f: {  	_ =	shalt  }
0x50: {  	_ =	shalt  }
0x51: {  	_ =	shalt  }
0x52: {  	_ =	shalt  }
0x53: {  	_ =	shalt  }
0x54: {  	_ =	shalt  }
0x55: {  	_ =	shalt  }
0x56: {  	_ =	shalt  }
0x57: {  	_ =	shalt  }
0x58: {  	_ =	shalt  }
0x59: {  	_ =	shalt  }
0x5a: {  	_ =	shalt  }
0x5b: {  	_ =	shalt  }
0x5c: {  	_ =	shalt  }
0x5d: {  	_ =	shalt  }
0x5e: {  	_ =	shalt  }
0x5f: {  	_ =	shalt  }
0x60: {  	_ =	shalt  }
0x61: {  	_ =	shalt  }
0x62: {  	_ =	shalt  }
0x63: {  	_ =	shalt  }
0x64: {  	_ =	shalt  }
0x65: {  	_ =	shalt  }
0x66: {  	_ =	shalt  }
0x67: {  	_ =	shalt  }
0x68: {  	_ =	shalt  }
0x69: {  	_ =	shalt  }
0x6a: {  	_ =	shalt  }
0x6b: {  	_ =	shalt  }
0x6c: {  	_ =	shalt  }
0x6d: {  	_ =	shalt  }
0x6e: {  	_ =	shalt  }
0x6f: {  	_ =	shalt  }
0x70: {  	_ =	shalt  }
0x71: {  	_ =	shalt  }
0x72: {  	_ =	shalt  }
0x73: {  	_ =	shalt  }
0x74: {  	_ =	shalt  }
0x75: {  	_ =	shalt  }
0x76: {  	_ =	shalt  }
0x77: {  	_ =	shalt  }
0x78: {  	_ =	shalt  }
0x79: {  	_ =	shalt  }
0x7a: {  	_ =	shalt  }
0x7b: {  	_ =	shalt  }
0x7c: {  	_ =	shalt  }
0x7d: {  	_ =	shalt  }
0x7e: {  	_ =	shalt  }
0x7f: {  	_ =	shalt  }
0x80: {  	_ =	shalt  }
0x81: {  	_ =	shalt  }
0x82: {  	_ =	shalt  }
0x83: {  	_ =	shalt  }
0x84: {  	_ =	shalt  }
0x85: {  	_ =	shalt  }
0x86: {  	_ =	shalt  }
0x87: {  	_ =	shalt  }
.Lfunc_end0:
.L_simem_size_0:
called_computation_lowered:
.L_overlay_start_0:
0x88: {  	s2 =	sld [smem:$0x3FD9]  }
0x89: {  	s3 =	sld [smem:$0x3FFE];
	_ =	sdelay $0x1  }
0x8a: {  	s1 =	srdreg.scid  }
0x8b: {  	s0 =	sand.u32 $0x1, s1  }
0x8c: {  	s16 =	sshll.u32 s0, $0xA;
	s2 =	sadd.s32 s3, s2  }
0x8d: {  	s2 =	sadd.s32 s2, s16  }
0x8e: {  	[smem:$0x3FB5] =	sst s2  }
0x8f: {  	_ = 	snop  }
0x90: {  	(tm) =	ssettm $0x1  }
0x91: {  	s17 =	sld [smem:$0x3FFB];
	_ =	sdelay $0x3  }
0x92: {  	_ =	strace s17  }
0x93: {  	s2 =	sld [smem:$0x3FFC];
	_ =	sdelay $0x3  }
0x94: {  	_ =	strace s2  }
0x95: {  	s2 =	sld [smem:$0x3FFD];
	_ =	sdelay $0x3  }
0x96: {  	_ =	strace s2  }
0x97: {  	_ =	strace $0x8FFFFFFF  }
0x98: {  	s18 =	sld [smem:$0x3FDB];
	_ =	sdelay $0x1  }
0x99: {  	s19 =	simm.s32 $_scs_section_size  }
0x9a: {  	s4 =	simm.s32 $_size__tile_overlayer_lowered;
	s5 =	simm.s32 $_tile_overlayer_lowered  }
0x9b: {  	s22 =	simm.s32 $0x1BFF;
	s21 =	sshll.u32 s5, $0x1;
	s2 =	sadd.s32 s19, s18  }
0x9c: {  	s6 =	simm.s32 $0x0;
	s20 =	sshll.u32 s4, $0x1;
	s4 =	sadd.s32 s21, s2  }
0x9d: {  	[timem:s6], [sflag:s22] =	dma.local [hbm:s4], s20  }
0x9e: {  	_ =	swait.ge [sflag:s22], s20  }
0x9f: {  	s3 =	ssub.s32 $0x0, s20;
	[sflag:s22] =	ssyncset.done $0x0  }
0xa0: {  	[sflag:s22] =	ssyncadd.s32 s3;
	_ =	sdelay $0x1  }
0xa1: {  	s23 =	simm.s32 $0x1B8B  }
0xa2: {  	_ =	swait.ge [sflag:s23], $0x1  }
0xa3: {  	[sflag:s23] =	ssyncset.done $0x0  }
0xa4: {  	s25 =	simm.s32 $0x1B8E;
	s24 =	sld [smem:$0x3FFE];
	[sflag:s23] =	ssyncadd.s32 $0xFFFFFFFF  }
0xa5: {  	s26 =	simm.s32 $execute0_lowered;
	[smem:$0x3FD2] =	sst s25  }
0xa6: {  	s4 =	sshll.u32 s26, $0x1;
	_ =	strace $0x80000046;
	[dreg:$0x1] =	wrdreg $0xFFFFFFFF  }
0xa7: {  	s28 =	simm.s32 $_size_execute0_lowered;
	s2 =	sadd.s32 s2, s4;
	[dreg:$0x0] =	wrdreg $0x0  }
0xa8: {  	s4 =	sshll.u32 s28, $0x1;
	[dreg:$0x2] =	wrdreg s2  }
0xa9: {  	[dreg:$0x3] =	wrdreg s4  }
0xaa: {  	[dreg:$0x4] =	wrdreg $0xC0  }
0xab: {  	_ =	task [dreg:s6], $0x5FFFF  }
0xac: {  	[dreg:$0x1] =	wrdreg $0xFFFFFFFF  }
0xad: {  	[dreg:$0x0] =	wrdreg $0x60  }
0xae: {  	[dreg:$0x2] =	wrdreg s24  }
0xaf: {  	[dreg:$0x3] =	wrdreg $0xC0000  }
0xb0: {  	[dreg:$0x4] =	wrdreg $0x9  }
0xb1: {  	_ =	task.clear_ibuf [dreg:s6], $0x5FFFF;
	_ =	strace $0x90000046  }
0xb2: {  	s29 =	simm.s32 $0x9;
	_ =	strace $0x80000048  }
0xb3: {  	_ =	swait.ge [sflag:s29], $0x1  }
0xb4: {  	[sflag:s29] =	ssyncadd.s32 $0xFFFFFFFF  }
0xb5: {  	_ =	strace $0x90000048  }
0xb6: {  	_ =	sfence  }
0xb7: {  	s30 =	sld [smem:$0x0];
	_ =	sdelay $0x2  }
0xb8: {  	s31 =	sshll.u32 s1, $0xD;
	s1 =	sshrl.u32 s1, $0x2  }
0xb9: {  	s3 =	sand.u32 $0x4000, s31;
	s1 =	sadd.s32 s1, s30  }
0xba: {  	s0 =	sor.u32 s3, s0;
	s1 =	sshll.u32 s1, $0x11  }
0xbb: {  	s0 =	sor.u32 s1, s0  }
0xbc: {  	s0 =	sadd.s32 $0x8F2B, s0  }
0xbd: {  	[sflag:s0] =	ssyncadd.remote.s32 $0x1  }
0xbe: {  	_ =	sfence.sel $0xFFFF  }
0xbf: {  	[dreg:$0x0] =	wrdreg $0xFFFFFFFF;
	(pc) =	sbr.abs _section_cstart, $3  }
0xc0: {  	[dreg:$0x1] =	wrdreg $0xFFFFFFFF  }
0xc1: {  	_ =	task.clear_ibuf [dreg:s6], $0x2FFFF;
	_ =	strace $0x9FFFFFFF  }
0xc2: {  	(tm) =	ssettm $0x7FFFFFFF  }
0xc3: {  	_ =	shalt  }
tec
execute0_lowered:
.L_overlay_start_1:
0x0: {  	(tag) =	ssettag $0x1  }
0x1: {  	s0 =	rddreg [dreg:$0x0]  }
0x2: {  	s2 =	rddreg [dreg:$0x1];
	s3 =	simm.s32 $0x0;
	s1 =	srdreg.scid  }
0x3: {  	s20 =	stileid.u32;
	s28 =	simm.s32 $0x2;
	s29 =	simm.s32 $0x2780  }
0x4: {  	s30 =	simm.s32 $0xA800;
	s31 =	simm.s32 $0x0;
	[smem:$0x7FF] =	sst s3  }
0x5: {  	s1 =	sand.u32 $0x1, s1;
	s5 =	sshll.u32 s20, $0x1;
	s4 =	sadd.s32 $0x17800, s0  }
0x6: {  	s6 =	sadd.s32 $0x3800, s0;
	s10 =	sadd.s32 $0xD800, s0;
	s9 =	smul.u32 $0x4E000, s20  }
0x7: {  	s21 =	sadd.s32 $0x3EA00, s0;
	s22 =	sadd.s32 $0x65C00, s0;
	s12 =	smul.u32 $0x270, s20  }
0x8: {  	s13 =	smul.u32 $0x2700, s20;
	s0 =	sadd.s32 $0x3E800, s0;
	p1 =	sne.s32 s20, $0xF  }
0x9: {  	p2 =	seq.s32 s20, $0xF;
	_ =	strace $0x80000047;
	[dreg:$0xb] =	wrdreg s0  }
0xa: {  	s5 =	sor.u32 s1, s5;
	s7 =	ssub.s32 $0x2, s1;
	[dreg:$0x4] =	wrdreg s22  }
0xb: {  	p0 =	sne.s32 s1, $0x0;
	[dreg:$0x3] =	wrdreg s21;
	s8 =	smul.u32 $0x500, s5  }
0xc: {  	s11 =	sshrl.u32 s7, $0x1;
	s9 =	sshrl.u32 s9, $0x2;
	s14 =	sadd.s32 $0x68, s12  }
0xd: {  	s15 =	sadd.s32 s4, s13;
	s18 =	sadd.s32 $0xD0, s12;
	s5 =	smul.u32 $0x2800, s5  }
0xe: {  	s24 =	sadd.s32 $0x138, s12;
	s11 =	ssub.s32 s7, s11;
	s9 =	sadd.s32 s9, s2  }
0xf: {  	[dreg:$0x5] =	wrdreg s15;
	s17 =	sshll.u32 s14, $0x7;
	s14 =	sshll.u32 s14, $0x4  }
0x10: {  	s19 =	sshll.u32 s18, $0x7;
	s23 =	sshll.u32 s18, $0x4;
	s25 =	sshll.u32 s24, $0x7  }
0x11: {  	s26 =	sshll.u32 s24, $0x4;
	s24 =	sadd.s32 $0x208, s12;
	s7 =	sadd.s32 s6, s8  }
0x12: {  	s8 =	sadd.s32 s10, s8;
	s16 =	sadd.s32 s17, s2;
	s14 =	sadd.s32 s4, s14  }
0x13: {  	s17 =	sadd.s32 s19, s2;
	s5 =	sshrl.u32 s5, $0x3;
	s18 =	sadd.s32 s25, s2  }
0x14: {  	s19 =	sadd.s32 $0x1A0, s12;
	s20 =	sadd.s32 $0x6000, s9;
	[dreg:$0x6] =	wrdreg s14  }
0x15: {  	s25 =	sshll.u32 s24, $0x7;
	s14 =	sadd.s32 s4, s23;
	[dreg:$0x16] =	wrdreg s20  }
0x16: {  	s5 =	sadd.s32 $0x280, s5;
	s12 =	sshrl.u32 s18, $0x3;
	[dreg:$0x7] =	wrdreg s14  }
0x17: {  	s23 =	sshll.u32 s19, $0x4;
	s18 =	sadd.s32 $0x3000, s9;
	[dreg:$0x10] =	wrdreg s12  }
0x18: {  	s1 =	sadd.s32 s25, s2;
	s25 =	sadd.s32 $0xC000, s9;
	[dreg:$0x14] =	wrdreg s18  }
0x19: {  	s20 =	simm.s32 $0x7D;
	s14 =	sadd.s32 s4, s26;
	[dreg:$0x1a] =	wrdreg s25  }
0x1a: {  	s15 =	sadd.s32 s10, s5;
	s26 =	sadd.s32 s22, s13;
	[dreg:$0x8] =	wrdreg s14  }
0x1b: {  	s10 =	sshll.u32 s19, $0x7;
	s19 =	sadd.s32 $0x4800, s9;
	[dreg:$0xc] =	wrdreg s26  }
0x1c: {  	s22 =	sadd.s32 $0x7800, s9;
	s18 =	simm.s32 $0x4;
	[dreg:$0x15] =	wrdreg s19  }
0x1d: {  	s14 =	sadd.s32 s6, s5;
	s6 =	sadd.s32 s4, s23;
	[dreg:$0x17] =	wrdreg s22  }
0x1e: {  	s5 =	sadd.s32 s10, s2;
	s10 =	sshrl.u32 s16, $0x3;
	[dreg:$0x9] =	wrdreg s6  }
0x1f: {  	s25 =	simm.s32 $0x3;
	s16 =	sshrl.u32 s1, $0x3;
	[dreg:$0xe] =	wrdreg s10  }
0x20: {  	s23 =	sadd.s32 $0x9000, s9;
	s26 =	sadd.s32 $0xD800, s9;
	[dreg:$0x12] =	wrdreg s16  }
0x21: {  	s19 =	simm.s32 $0x1400;
	s22 =	simm.s32 $0x2800;
	[dreg:$0x18] =	wrdreg s23  }
0x22: {  	s6 =	sshll.u32 s24, $0x4;
	s24 =	sadd.s32 $0xA800, s9;
	[dreg:$0x1b] =	wrdreg s26  }
0x23: {  	s1 =	simm.s32 $0x2700;
	s6 =	sadd.s32 s4, s6;
	[dreg:$0x19] =	wrdreg s24  }
0x24: {  	[dreg:$0xa] =	wrdreg s6;
	s6 =	sadd.s32 s21, s13;
	s21 =	smax.u32 s11, $0x1  }
.Ltmp0:
0x25: {  	s11 =	sshrl.u32 s17, $0x3;
	[dreg:$0xd] =	wrdreg s6;
	(pc) =	sbr.rel .LBB2_1-.Ltmp0, $4  }
0x26: {  	s16 =	sadd.s32 $0x12000, s9;
	s13 =	sshrl.u32 s5, $0x3;
	[dreg:$0xf] =	wrdreg s11  }
0x27: {  	s23 =	simm.s32 $0x80;
	s17 =	sadd.s32 $0x1800, s9;
	[dreg:$0x11] =	wrdreg s13  }
0x28: {  	s26 =	simm.s32 $0x1;
	s24 =	simm.s32 $0x6800;
	[dreg:$0x13] =	wrdreg s17  }
0x29: {  	v0 =	vimm.f32 $0.0e+00;
	s13 =	sadd.s32 $0xF000, s9;
	s6 =	sadd.s32 $0x10800, s9;
	s17 =	sadd.s32 $0x138000, s2  }
.LBB2_13:
0x2a: {  	s0 =	sadd.s32 $0x27000, s0;
	s5 =	sshrl.u32 s17, $0x3  }
0x2b: {  	[hbm:s0], [sflag:s11] =	dma.local [spmem:s5], $0x100  }
0x2c: {  	_ =	swait.ge [sflag:s18], $0x100  }
0x2d: {  	[sflag:s18] =	ssyncset.done $0x0  }
0x2e: {  	[sflag:s18] =	ssyncadd.s32 $0xFFFFFF00  }
.LBB2_14:
0x2f: {  	s31 =	sadd.s32 $0x1, s31  }
0x30: {  	p3 =	sne.s32 s31, s21  }
.Ltmp1:
0x31: {  	_ = 	snop;
	(pc) =	sbr.rel @!p3 .LBB2_15-.Ltmp1, $1  }
0x32: {  	_ =	sdelay $0x3  }
.LBB2_1:
0x33: {  	[tilespmem:s3], [sflag:$0x4] =	stream.linear.gather [hbm4b:s7+s3], $0x1400, $0x38;
	[tilespmem:$0x1F880] =	vst v63  }
0x34: {  	_ =	swait.ge [sflag:s18], $0x1400  }
0x35: {  	[sflag:s18] =	ssyncset.done $0x0  }
0x36: {  	[sflag:s18] =	ssyncadd.s32 $0xFFFFEC00  }
0x37: {  	[tilespmem:s19], [sflag:$0x4] =	stream.linear.gather [hbm4b:s8+s3], $0x1400, $0x38;
	[tilespmem:$0x1F880] =	vst v63  }
0x38: {  	_ =	swait.ge [sflag:s18], $0x1400  }
.Ltmp2:
0x39: {  	[sflag:s18] =	ssyncset.done $0x0;
	(pc) =	sbr.rel @p0 .LBB2_3-.Ltmp2, $4  }
0x3a: {  	s0 =	stileid.u32;
	[sflag:s18] =	ssyncadd.s32 $0xFFFFEC00  }
0x3b: {  	[tilespmem:s22], [sflag:$0x1] =	stream.indirect.gather [hbm4b:s4+s20], $0x80, s3, s20, $0xb8;
	[tilespmem:$0x1F880] =	vst v63  }
0x3c: {  	s10 =	sshll.u32 s0, $0x6;
	s0 =	sshrl.u32 s9, $0x3  }
0x3d: {  	[tilespmem:s24], [sflag:$0x2] =	stream.indirect.gather [hbm4b:s4+s20], $0x80, s23, s20, $0xb8;
	[tilespmem:$0x1F880] =	vst v63  }
0x3e: {  	s11 =	sor.u32 $0x1C03, s10;
	s5 =	rddreg [dreg:$0x5]  }
0x3f: {  	[spmem:s0], [sflag:s11] =	dma.local [hbm:s5], $0x680  }
0x40: {  	s5 =	rddreg [dreg:$0x6]  }
0x41: {  	s12 =	rddreg [dreg:$0xe]  }
0x42: {  	[spmem:s12], [sflag:s11] =	dma.local [hbm:s5], $0x680  }
0x43: {  	s5 =	rddreg [dreg:$0x7]  }
0x44: {  	s12 =	rddreg [dreg:$0xf]  }
0x45: {  	[spmem:s12], [sflag:s11] =	dma.local [hbm:s5], $0x680  }
0x46: {  	s5 =	rddreg [dreg:$0x8]  }
0x47: {  	s12 =	rddreg [dreg:$0x10]  }
0x48: {  	[spmem:s12], [sflag:s11] =	dma.local [hbm:s5], $0x680  }
0x49: {  	s5 =	rddreg [dreg:$0x9]  }
0x4a: {  	s12 =	rddreg [dreg:$0x11]  }
0x4b: {  	[spmem:s12], [sflag:s11] =	dma.local [hbm:s5], $0x680  }
0x4c: {  	s5 =	rddreg [dreg:$0xa]  }
0x4d: {  	s12 =	rddreg [dreg:$0x12]  }
0x4e: {  	[spmem:s12], [sflag:s11] =	dma.local [hbm:s5], $0x680  }
0x4f: {  	s12 =	sshrl.u32 @!p1 s17, $0x3;
	s5 =	rddreg [dreg:$0xb]  }
0x50: {  	[spmem:s12], [sflag:s11] =	dma.local @!p1 [hbm:s5], $0x100  }
0x51: {  	_ =	swait.ge [sflag:s25], $0x680  }
0x52: {  	[sflag:s25] =	ssyncset.done $0x0  }
0x53: {  	[sflag:s25] =	ssyncadd.s32 $0xFFFFF980  }
0x54: {  	_ =	swait.ge [sflag:s25], $0x680  }
0x55: {  	[sflag:s25] =	ssyncset.done $0x0  }
0x56: {  	[sflag:s25] =	ssyncadd.s32 $0xFFFFF980  }
0x57: {  	_ =	swait.ge [sflag:s25], $0x680  }
0x58: {  	[sflag:s25] =	ssyncset.done $0x0  }
0x59: {  	[sflag:s25] =	ssyncadd.s32 $0xFFFFF980  }
0x5a: {  	_ =	swait.ge [sflag:s25], $0x680  }
0x5b: {  	[sflag:s25] =	ssyncset.done $0x0  }
0x5c: {  	[sflag:s25] =	ssyncadd.s32 $0xFFFFF980  }
0x5d: {  	_ =	swait.ge [sflag:s25], $0x680  }
0x5e: {  	[sflag:s25] =	ssyncset.done $0x0  }
0x5f: {  	[sflag:s25] =	ssyncadd.s32 $0xFFFFF980  }
0x60: {  	_ =	swait.ge [sflag:s25], $0x680  }
.Ltmp3:
0x61: {  	[sflag:s25] =	ssyncset.done $0x0;
	(pc) =	sbr.rel .LBB2_6-.Ltmp3, $4  }
0x62: {  	s11 =	simm.s32 @!p1 $0x3;
	[sflag:s25] =	ssyncadd.s32 $0xFFFFF980  }
0x63: {  	_ =	swait.ge @!p1 [sflag:s11], $0x100  }
0x64: {  	[sflag:s11] =	ssyncset.done @!p1 $0x0  }
0x65: {  	[sflag:s11] =	ssyncadd.s32 @!p1 $0xFFFFFF00  }
.LBB2_3:
0x66: {  	s11 =	sshra.s32 s3, $0x2;
	s12 =	sadd.s32 $0x200, s3  }
.LBB2_4:
0x67: {  	p3 =	sne.s32 s12, $0x5E00;
	[tilespmem:s11+$0xA870] =	vst v0  }
0x68: {  	[tilespmem:s11+$0xA800] =	vst v0  }
0x69: {  	[tilespmem:s11+$0xA810] =	vst v0  }
.Ltmp4:
0x6a: {  	[tilespmem:s11+$0xA820] =	vst v0;
	(pc) =	sbr.rel @p3 .LBB2_4-.Ltmp4, $4  }
0x6b: {  	[tilespmem:s11+$0xA830] =	vst v0  }
0x6c: {  	[tilespmem:s11+$0xA840] =	vst v0  }
0x6d: {  	[tilespmem:s11+$0xA850] =	vst v0  }
0x6e: {  	[tilespmem:s11+$0xA860] =	vst v0;
	s11 =	sshra.s32 s12, $0x2;
	s12 =	sadd.s32 $0x200, s12  }
0x6f: {  	[tilespmem:s11+$0xA870] =	vst v0  }
0x70: {  	[tilespmem:s11+$0xA800] =	vst v0  }
0x71: {  	[tilespmem:s11+$0xA810] =	vst v0  }
0x72: {  	[tilespmem:s11+$0xA820] =	vst v0  }
0x73: {  	[tilespmem:s11+$0xA830] =	vst v0  }
0x74: {  	[tilespmem:s11+$0xA840] =	vst v0  }
0x75: {  	[tilespmem:s11+$0xA850] =	vst v0  }
0x76: {  	[tilespmem:s11+$0xA860] =	vst v0  }
0x77: {  	[spmem:s9] =	stream.linear.scatter [tilespmem:s30], [sflag:$0x3], $0x1800, $0x38;
	[tilespmem:$0x1F880] =	vst v63  }
0x78: {  	s5 =	rddreg [dreg:$0x13]  }
0x79: {  	[spmem:s5] =	stream.linear.scatter [tilespmem:s30], [sflag:$0x3], $0x1800, $0x38;
	[tilespmem:$0x1F880] =	vst v63  }
0x7a: {  	s11 =	rddreg [dreg:$0x14]  }
0x7b: {  	[spmem:s11] =	stream.linear.scatter [tilespmem:s30], [sflag:$0x3], $0x1800, $0x38;
	[tilespmem:$0x1F880] =	vst v63  }
0x7c: {  	s12 =	rddreg [dreg:$0x15]  }
0x7d: {  	[spmem:s12] =	stream.linear.scatter [tilespmem:s30], [sflag:$0x3], $0x1800, $0x38;
	[tilespmem:$0x1F880] =	vst v63  }
0x7e: {  	s11 =	rddreg [dreg:$0x16]  }
0x7f: {  	[spmem:s11] =	stream.linear.scatter [tilespmem:s30], [sflag:$0x3], $0x1800, $0x38;
	[tilespmem:$0x1F880] =	vst v63  }
0x80: {  	s12 =	rddreg [dreg:$0x17]  }
0x81: {  	[spmem:s12] =	stream.linear.scatter [tilespmem:s30], [sflag:$0x3], $0x1800, $0x38;
	[tilespmem:$0x1F880] =	vst v63  }
0x82: {  	s11 =	rddreg [dreg:$0x18]  }
0x83: {  	[spmem:s11] =	stream.linear.scatter [tilespmem:s30], [sflag:$0x3], $0x1800, $0x38;
	[tilespmem:$0x1F880] =	vst v63  }
0x84: {  	s12 =	rddreg [dreg:$0x19]  }
0x85: {  	[spmem:s12] =	stream.linear.scatter [tilespmem:s30], [sflag:$0x3], $0x1800, $0x38;
	[tilespmem:$0x1F880] =	vst v63  }
0x86: {  	s11 =	rddreg [dreg:$0x1a]  }
0x87: {  	[spmem:s11] =	stream.linear.scatter [tilespmem:s30], [sflag:$0x3], $0x1800, $0x38;
	[tilespmem:$0x1F880] =	vst v63  }
0x88: {  	s12 =	rddreg [dreg:$0x1b]  }
0x89: {  	[spmem:s12] =	stream.linear.scatter [tilespmem:s30], [sflag:$0x3], $0x1800, $0x38;
	[tilespmem:$0x1F880] =	vst v63  }
0x8a: {  	_ = 	snop  }
0x8b: {  	[spmem:s13] =	stream.linear.scatter [tilespmem:s30], [sflag:$0x3], $0x1800, $0x38;
	[tilespmem:$0x1F880] =	vst v63  }
0x8c: {  	_ = 	snop  }
0x8d: {  	[spmem:s6] =	stream.linear.scatter [tilespmem:s30], [sflag:$0x3], $0x1800, $0x38;
	[tilespmem:$0x1F880] =	vst v63  }
0x8e: {  	_ = 	snop  }
0x8f: {  	[spmem:s16] =	stream.linear.scatter [tilespmem:s30], [sflag:$0x3], $0x1800, $0x38;
	[tilespmem:$0x1F880] =	vst v63  }
0x90: {  	s11 =	simm.s32 @!p1 $0xA800  }
0x91: {  	[spmem:s17] =	stream.linear.scatter @!p1 [tilespmem:s11], [sflag:$0x3], $0x800, $0x38;
	[tilespmem:$0x1F880] =	vst v63  }
0x92: {  	_ =	swait.ge [sflag:s25], $0x1800  }
0x93: {  	[sflag:s25] =	ssyncset.done $0x0  }
0x94: {  	[sflag:s25] =	ssyncadd.s32 $0xFFFFE800  }
0x95: {  	_ =	swait.ge [sflag:s25], $0x1800  }
0x96: {  	[sflag:s25] =	ssyncset.done $0x0  }
0x97: {  	[sflag:s25] =	ssyncadd.s32 $0xFFFFE800  }
0x98: {  	_ =	swait.ge [sflag:s25], $0x1800  }
0x99: {  	[sflag:s25] =	ssyncset.done $0x0  }
0x9a: {  	[sflag:s25] =	ssyncadd.s32 $0xFFFFE800  }
0x9b: {  	_ =	swait.ge [sflag:s25], $0x1800  }
0x9c: {  	[sflag:s25] =	ssyncset.done $0x0  }
0x9d: {  	[sflag:s25] =	ssyncadd.s32 $0xFFFFE800  }
0x9e: {  	_ =	swait.ge [sflag:s25], $0x1800  }
0x9f: {  	[sflag:s25] =	ssyncset.done $0x0  }
0xa0: {  	[sflag:s25] =	ssyncadd.s32 $0xFFFFE800  }
0xa1: {  	_ =	swait.ge [sflag:s25], $0x1800  }
0xa2: {  	[sflag:s25] =	ssyncset.done $0x0  }
0xa3: {  	[sflag:s25] =	ssyncadd.s32 $0xFFFFE800  }
0xa4: {  	_ =	swait.ge [sflag:s25], $0x1800  }
0xa5: {  	[sflag:s25] =	ssyncset.done $0x0  }
0xa6: {  	[sflag:s25] =	ssyncadd.s32 $0xFFFFE800  }
0xa7: {  	_ =	swait.ge [sflag:s25], $0x1800  }
0xa8: {  	[sflag:s25] =	ssyncset.done $0x0  }
0xa9: {  	[sflag:s25] =	ssyncadd.s32 $0xFFFFE800  }
0xaa: {  	_ =	swait.ge [sflag:s25], $0x1800  }
0xab: {  	[sflag:s25] =	ssyncset.done $0x0  }
0xac: {  	[sflag:s25] =	ssyncadd.s32 $0xFFFFE800  }
0xad: {  	_ =	swait.ge [sflag:s25], $0x1800  }
0xae: {  	[sflag:s25] =	ssyncset.done $0x0  }
0xaf: {  	[sflag:s25] =	ssyncadd.s32 $0xFFFFE800  }
0xb0: {  	_ =	swait.ge [sflag:s25], $0x1800  }
0xb1: {  	[sflag:s25] =	ssyncset.done $0x0  }
0xb2: {  	[sflag:s25] =	ssyncadd.s32 $0xFFFFE800  }
0xb3: {  	_ =	swait.ge [sflag:s25], $0x1800  }
0xb4: {  	[sflag:s25] =	ssyncset.done $0x0  }
0xb5: {  	[sflag:s25] =	ssyncadd.s32 $0xFFFFE800  }
0xb6: {  	_ =	swait.ge [sflag:s25], $0x1800  }
0xb7: {  	[sflag:s25] =	ssyncset.done $0x0  }
0xb8: {  	s11 =	simm.s32 @!p1 $0x3;
	[sflag:s25] =	ssyncadd.s32 $0xFFFFE800  }
0xb9: {  	_ =	swait.ge @!p1 [sflag:s11], $0x800  }
0xba: {  	[sflag:s11] =	ssyncset.done @!p1 $0x0  }
0xbb: {  	[sflag:s11] =	ssyncadd.s32 @!p1 $0xFFFFF800  }
.LBB2_6:
0xbc: {  	[bflag:$0x0] =	sbarrier.arrive $0xFFFF  }
0xbd: {  	_ =	swait.ge [sflag:s26], $0x3E80  }
0xbe: {  	[sflag:s26] =	ssyncset.done $0x0  }
0xbf: {  	s11 =	simm.s32 $0x1400;
	[sflag:s26] =	ssyncadd.s32 $0xFFFFC180  }
0xc0: {  	[spmem:s2] =	stream.indirect.scatter.add.f32 [tilespmem:s22], [sflag:$0x4], $0x80, s11, s20, $0xb8;
	[tilespmem:$0x1F880] =	vst v63  }
0xc1: {  	_ =	swait.ge [sflag:s18], $0x3E80  }
0xc2: {  	[sflag:s18] =	ssyncset.done $0x0  }
0xc3: {  	s5 =	simm.s32 $0x100;
	[sflag:s18] =	ssyncadd.s32 $0xFFFFC180  }
0xc4: {  	[tilespmem:s22], [sflag:$0x1] =	stream.indirect.gather [hbm4b:s4+s20], $0x80, s5, s20, $0xb8;
	[tilespmem:$0x1F880] =	vst v63  }
0xc5: {  	_ =	swait.ge [sflag:s28], $0x3E80  }
0xc6: {  	[sflag:s28] =	ssyncset.done $0x0  }
0xc7: {  	s12 =	simm.s32 $0x1480;
	[sflag:s28] =	ssyncadd.s32 $0xFFFFC180  }
0xc8: {  	[spmem:s2] =	stream.indirect.scatter.add.f32 [tilespmem:s24], [sflag:$0x4], $0x80, s12, s20, $0xb8;
	[tilespmem:$0x1F880] =	vst v63  }
0xc9: {  	_ =	swait.ge [sflag:s18], $0x3E80  }
0xca: {  	[sflag:s18] =	ssyncset.done $0x0  }
0xcb: {  	s11 =	simm.s32 $0x400;
	s12 =	simm.s32 $0x180;
	[sflag:s18] =	ssyncadd.s32 $0xFFFFC180  }
.LBB2_7:
0xcc: {  	[tilespmem:s24], [sflag:$0x2] =	stream.indirect.gather [hbm4b:s4+s20], $0x80, s12, s20, $0xb8;
	[tilespmem:$0x1F880] =	vst v63  }
0xcd: {  	s12 =	smov.u32 s11  }
0xce: {  	p3 =	sne.s32 s11, $0x4800;
	s11 =	sadd.s32 $0x400, s11;
	_ =	swait.ge [sflag:s26], $0x3E80  }
0xcf: {  	s12 =	sshra.s32 s12, $0x2;
	[sflag:s26] =	ssyncset.done $0x0  }
0xd0: {  	s5 =	sadd.s32 $0x1400, s12;
	[sflag:s26] =	ssyncadd.s32 $0xFFFFC180  }
0xd1: {  	[spmem:s2] =	stream.indirect.scatter.add.f32 [tilespmem:s22], [sflag:$0x4], $0x80, s5, s20, $0xb8;
	[tilespmem:$0x1F880] =	vst v63  }
0xd2: {  	_ =	swait.ge [sflag:s18], $0x3E80  }
0xd3: {  	[sflag:s18] =	ssyncset.done $0x0  }
0xd4: {  	s5 =	sadd.s32 $0x100, s12;
	[sflag:s18] =	ssyncadd.s32 $0xFFFFC180  }
0xd5: {  	[tilespmem:s22], [sflag:$0x1] =	stream.indirect.gather [hbm4b:s4+s20], $0x80, s5, s20, $0xb8;
	[tilespmem:$0x1F880] =	vst v63  }
0xd6: {  	_ =	swait.ge [sflag:s28], $0x3E80  }
0xd7: {  	[sflag:s28] =	ssyncset.done $0x0  }
.Ltmp5:
0xd8: {  	s5 =	sadd.s32 $0x1480, s12;
	[sflag:s28] =	ssyncadd.s32 $0xFFFFC180;
	(pc) =	sbr.rel @p3 .LBB2_7-.Ltmp5, $4  }
0xd9: {  	[spmem:s2] =	stream.indirect.scatter.add.f32 [tilespmem:s24], [sflag:$0x4], $0x80, s5, s20, $0xb8;
	[tilespmem:$0x1F880] =	vst v63  }
0xda: {  	_ =	swait.ge [sflag:s18], $0x3E80  }
0xdb: {  	[sflag:s18] =	ssyncset.done $0x0  }
0xdc: {  	s12 =	sadd.s32 $0x180, s12;
	[sflag:s18] =	ssyncadd.s32 $0xFFFFC180  }
0xdd: {  	[tilespmem:s24], [sflag:$0x2] =	stream.indirect.gather [hbm4b:s4+s20], $0x80, s12, s20, $0xb8;
	[tilespmem:$0x1F880] =	vst v63  }
0xde: {  	_ =	swait.ge [sflag:s26], $0x3E80  }
0xdf: {  	[sflag:s26] =	ssyncset.done $0x0  }
0xe0: {  	[sflag:s26] =	ssyncadd.s32 $0xFFFFC180  }
0xe1: {  	[spmem:s2] =	stream.indirect.scatter.add.f32 [tilespmem:s22], [sflag:$0x4], $0x80, s1, s20, $0xb8;
	[tilespmem:$0x1F880] =	vst v63  }
0xe2: {  	_ =	swait.ge [sflag:s18], $0x3E80  }
0xe3: {  	[sflag:s18] =	ssyncset.done $0x0  }
0xe4: {  	[sflag:s18] =	ssyncadd.s32 $0xFFFFC180  }
0xe5: {  	_ =	swait.ge [sflag:s28], $0x3E80  }
0xe6: {  	[sflag:s28] =	ssyncset.done $0x0  }
0xe7: {  	[sflag:s28] =	ssyncadd.s32 $0xFFFFC180  }
0xe8: {  	[spmem:s2] =	stream.indirect.scatter.add.f32 [tilespmem:s24], [sflag:$0x4], $0x80, s29, s20, $0xb8;
	[tilespmem:$0x1F880] =	vst v63  }
0xe9: {  	_ =	swait.ge [sflag:s18], $0x3E80  }
0xea: {  	[sflag:s18] =	ssyncset.done $0x0  }
0xeb: {  	s5 =	simm.s32 $0x0;
	[sflag:s18] =	ssyncadd.s32 $0xFFFFC180  }
0xec: {  	[tilespmem:s5], [sflag:$0x4] =	stream.linear.gather [hbm4b:s14+s5], $0x1400, $0x38;
	[tilespmem:$0x1F880] =	vst v63  }
0xed: {  	_ =	swait.ge [sflag:s18], $0x1400  }
0xee: {  	[sflag:s18] =	ssyncset.done $0x0  }
0xef: {  	[sflag:s18] =	ssyncadd.s32 $0xFFFFEC00  }
0xf0: {  	[tilespmem:s19], [sflag:$0x4] =	stream.linear.gather [hbm4b:s15+s5], $0x1400, $0x38;
	[tilespmem:$0x1F880] =	vst v63  }
0xf1: {  	_ =	swait.ge [sflag:s18], $0x1400  }
0xf2: {  	[sflag:s18] =	ssyncset.done $0x0  }
0xf3: {  	[sflag:s18] =	ssyncadd.s32 $0xFFFFEC00  }
0xf4: {  	[tilespmem:s22], [sflag:$0x1] =	stream.indirect.gather [hbm4b:s4+s20], $0x80, s5, s20, $0xb8;
	[tilespmem:$0x1F880] =	vst v63  }
0xf5: {  	_ = 	snop  }
0xf6: {  	[tilespmem:s24], [sflag:$0x2] =	stream.indirect.gather [hbm4b:s4+s20], $0x80, s23, s20, $0xb8;
	[tilespmem:$0x1F880] =	vst v63  }
0xf7: {  	_ =	swait.ge [sflag:s26], $0x3E80  }
0xf8: {  	[sflag:s26] =	ssyncset.done $0x0  }
0xf9: {  	s12 =	simm.s32 $0x1400;
	[sflag:s26] =	ssyncadd.s32 $0xFFFFC180  }
0xfa: {  	[spmem:s2] =	stream.indirect.scatter.add.f32 [tilespmem:s22], [sflag:$0x4], $0x80, s12, s20, $0xb8;
	[tilespmem:$0x1F880] =	vst v63  }
0xfb: {  	_ =	swait.ge [sflag:s18], $0x3E80  }
0xfc: {  	[sflag:s18] =	ssyncset.done $0x0  }
0xfd: {  	s11 =	simm.s32 $0x100;
	[sflag:s18] =	ssyncadd.s32 $0xFFFFC180  }
0xfe: {  	[tilespmem:s22], [sflag:$0x1] =	stream.indirect.gather [hbm4b:s4+s20], $0x80, s11, s20, $0xb8;
	[tilespmem:$0x1F880] =	vst v63  }
0xff: {  	_ =	swait.ge [sflag:s28], $0x3E80  }
0x100: {  	[sflag:s28] =	ssyncset.done $0x0  }
0x101: {  	s12 =	simm.s32 $0x1480;
	[sflag:s28] =	ssyncadd.s32 $0xFFFFC180  }
0x102: {  	[spmem:s2] =	stream.indirect.scatter.add.f32 [tilespmem:s24], [sflag:$0x4], $0x80, s12, s20, $0xb8;
	[tilespmem:$0x1F880] =	vst v63  }
0x103: {  	_ =	swait.ge [sflag:s18], $0x3E80  }
0x104: {  	[sflag:s18] =	ssyncset.done $0x0  }
0x105: {  	s11 =	simm.s32 $0x400;
	s12 =	simm.s32 $0x180;
	[sflag:s18] =	ssyncadd.s32 $0xFFFFC180  }
.LBB2_9:
0x106: {  	[tilespmem:s24], [sflag:$0x2] =	stream.indirect.gather [hbm4b:s4+s20], $0x80, s12, s20, $0xb8;
	[tilespmem:$0x1F880] =	vst v63  }
0x107: {  	s5 =	smov.u32 s11  }
0x108: {  	p3 =	sne.s32 s11, $0x4800;
	s11 =	sadd.s32 $0x400, s11;
	_ =	swait.ge [sflag:s26], $0x3E80  }
0x109: {  	s5 =	sshra.s32 s5, $0x2;
	[sflag:s26] =	ssyncset.done $0x0  }
0x10a: {  	s12 =	sadd.s32 $0x1400, s5;
	[sflag:s26] =	ssyncadd.s32 $0xFFFFC180  }
0x10b: {  	[spmem:s2] =	stream.indirect.scatter.add.f32 [tilespmem:s22], [sflag:$0x4], $0x80, s12, s20, $0xb8;
	[tilespmem:$0x1F880] =	vst v63  }
0x10c: {  	_ =	swait.ge [sflag:s18], $0x3E80  }
0x10d: {  	[sflag:s18] =	ssyncset.done $0x0  }
0x10e: {  	s12 =	sadd.s32 $0x100, s5;
	[sflag:s18] =	ssyncadd.s32 $0xFFFFC180  }
0x10f: {  	[tilespmem:s22], [sflag:$0x1] =	stream.indirect.gather [hbm4b:s4+s20], $0x80, s12, s20, $0xb8;
	[tilespmem:$0x1F880] =	vst v63  }
0x110: {  	_ =	swait.ge [sflag:s28], $0x3E80  }
0x111: {  	[sflag:s28] =	ssyncset.done $0x0  }
.Ltmp6:
0x112: {  	s12 =	sadd.s32 $0x1480, s5;
	[sflag:s28] =	ssyncadd.s32 $0xFFFFC180;
	(pc) =	sbr.rel @p3 .LBB2_9-.Ltmp6, $4  }
0x113: {  	[spmem:s2] =	stream.indirect.scatter.add.f32 [tilespmem:s24], [sflag:$0x4], $0x80, s12, s20, $0xb8;
	[tilespmem:$0x1F880] =	vst v63  }
0x114: {  	_ =	swait.ge [sflag:s18], $0x3E80  }
0x115: {  	[sflag:s18] =	ssyncset.done $0x0  }
0x116: {  	s12 =	sadd.s32 $0x180, s5;
	[sflag:s18] =	ssyncadd.s32 $0xFFFFC180  }
0x117: {  	[tilespmem:s24], [sflag:$0x2] =	stream.indirect.gather [hbm4b:s4+s20], $0x80, s12, s20, $0xb8;
	[tilespmem:$0x1F880] =	vst v63  }
0x118: {  	_ =	swait.ge [sflag:s26], $0x3E80  }
0x119: {  	[sflag:s26] =	ssyncset.done $0x0  }
0x11a: {  	[sflag:s26] =	ssyncadd.s32 $0xFFFFC180  }
0x11b: {  	[spmem:s2] =	stream.indirect.scatter.add.f32 [tilespmem:s22], [sflag:$0x4], $0x80, s1, s20, $0xb8;
	[tilespmem:$0x1F880] =	vst v63  }
0x11c: {  	_ =	swait.ge [sflag:s18], $0x3E80  }
0x11d: {  	[sflag:s18] =	ssyncset.done $0x0  }
0x11e: {  	[sflag:s18] =	ssyncadd.s32 $0xFFFFC180  }
0x11f: {  	_ =	swait.ge [sflag:s28], $0x3E80  }
0x120: {  	[sflag:s28] =	ssyncset.done $0x0  }
0x121: {  	[sflag:s28] =	ssyncadd.s32 $0xFFFFC180  }
0x122: {  	[spmem:s2] =	stream.indirect.scatter.add.f32 [tilespmem:s24], [sflag:$0x4], $0x80, s29, s20, $0xb8;
	[tilespmem:$0x1F880] =	vst v63  }
.Ltmp7:
0x123: {  	_ =	swait.ge [sflag:s18], $0x3E80;
	(pc) =	sbr.rel @p0 .LBB2_12-.Ltmp7, $4  }
0x124: {  	[sflag:s18] =	ssyncset.done $0x0  }
0x125: {  	[sflag:s18] =	ssyncadd.s32 $0xFFFFC180  }
0x126: {  	[bflag:$0x0] =	sbarrier.arrive $0xFFFF  }
0x127: {  	s11 =	sor.u32 $0x1C04, s10  }
0x128: {  	s11 =	sor.u32 $0x1C04, s10;
	s5 =	rddreg [dreg:$0xd]  }
0x129: {  	[hbm:s5], [sflag:s11] =	dma.local [spmem:s0], $0x2700  }
.Ltmp8:
0x12a: {  	_ = 	snop;
	(pc) =	sbr.rel @p2 .LBB2_13-.Ltmp8, $4  }
.Ltmp9:
0x12b: {  	_ = 	snop;
	(pc) =	sbr.rel @!p2 .LBB2_14-.Ltmp9, $4  }
0x12c: {  	_ =	swait.ge [sflag:s18], $0x2700  }
0x12d: {  	[sflag:s18] =	ssyncset.done $0x0  }
0x12e: {  	s0 =	rddreg [dreg:$0x3];
	[sflag:s18] =	ssyncadd.s32 $0xFFFFD900  }
0x12f: {  	_ = 	snop  }
.LBB2_12:
0x130: {  	s5 =	rddreg [dreg:$0xc]  }
0x131: {  	[hbm:s5], [sflag:s11] =	dma.local [spmem:s0], $0x2700  }
.Ltmp10:
0x132: {  	_ = 	snop;
	(pc) =	sbr.rel @p1 .LBB2_14-.Ltmp10, $4  }
.Ltmp11:
0x133: {  	_ = 	snop;
	(pc) =	sbr.rel @!p1 .LBB2_13-.Ltmp11, $4  }
0x134: {  	_ =	swait.ge [sflag:s18], $0x2700  }
0x135: {  	[sflag:s18] =	ssyncset.done $0x0  }
0x136: {  	s0 =	rddreg [dreg:$0x4];
	[sflag:s18] =	ssyncadd.s32 $0xFFFFD900  }
0x137: {  	_ = 	snop  }
.LBB2_15:
0x138: {  	_ =	sfence.sel $0x180000  }
0x139: {  	[bflag:$0x0] =	sbarrier.arrive $0xFFFF  }
0x13a: {  	_ =	strace $0x90000047  }
0x13b: {  	s0 =	stileid.u32;
	[bflag:$0x2] =	sbarrier.arrive $0xFFFF  }
0x13c: {  	p0 =	sne.s32 s0, $0x0;
	s0 =	rddreg [dreg:$0x2]  }
0x13d: {  	s0 =	sadd.s32 @!p0 $0x100000, s0  }
0x13e: {  	[sflag:s0] =	ssyncadd.tile.s32 @!p0 $0x1;
	_ =	shalt  }
.Lfunc_end2:
_tile_overlayer_lowered:
.L_overlay_start_2:
0x13f: {  	(tag) =	ssettag $0x2  }
0x140: {  	s0 =	rddreg [dreg:$0x0];
	s2 =	stileid.u32  }
0x141: {  	s1 =	rddreg [dreg:$0x1];
	p0 =	sne.s32 s2, $0x0  }
0x142: {  	s3 =	rddreg [dreg:$0x2];
	[bflag:$0x3] =	sbarrier.arrive $0xFFFF;
	s2 =	simm.s32 @!p0 $0x1C04  }
0x143: {  	[timem:s3], [sflag:s2] =	dma.local @!p0 [hbm:s0], s1  }
0x144: {  	s0 =	simm.s32 @!p0 $0x4  }
0x145: {  	_ =	swait.ge @!p0 [sflag:s0], s1  }
0x146: {  	s1 =	ssub.s32 @!p0 $0x0, s1;
	[sflag:s0] =	ssyncset.done @!p0 $0x0  }
0x147: {  	[sflag:s0] =	ssyncadd.s32 @!p0 s1  }
0x148: {  	[bflag:$0x3] =	sbarrier.arrive $0xFFFF  }
0x149: {  	_ =	shalt  }

</sc_bundles>
